<compile_context>
chip_gen: v7x
topology: tpu7x:2x2x1
jax: 0.10.2.dev20260603
libtpu: 0.0.44.dev20260713+nightly
codegen_flags: <defaults>
</compile_context>

<pallas_src>
import functools

import jax
import jax.numpy as jnp
from jax import lax
from jax.experimental import pallas as pl
from jax.experimental.pallas import tpu as pltpu
from jax.experimental.pallas import tpu_sc as plsc

NC = 2
NS = 16
NW = NC * NS
K = 128
FRAC0 = 0.72


def _mesh():
    return plsc.VectorSubcoreMesh(core_axis_name="c", subcore_axis_name="s")


def _deg_kernel(nacc, cpt0, cpt1, rpt):
    cpt_max = max(cpt0, cpt1)

    @functools.partial(
        pl.kernel,
        out_type=jax.ShapeDtypeStruct((NC, nacc), jnp.float32),
        mesh=_mesh(),
        scratch_types=[
            pltpu.VMEM((cpt_max, 1, K), jnp.int32),
            pltpu.VMEM((K,), jnp.float32),
            pltpu.VMEM_SHARED((nacc,), jnp.float32),
            pltpu.SemaphoreType.DMA,
        ],
    )
    def deg(dst_hbm, ones_hbm, zer_hbm, out_hbm, dst_v, ones_v, deg_sh, ssem):
        cid = lax.axis_index("c")
        sid = lax.axis_index("s")
        nch = jnp.where(cid == 0, cpt0, cpt1)
        c0 = jnp.where(cid == 0, sid * cpt0, NS * cpt0 + sid * cpt1)
        r0 = sid * rpt

        @pl.when(cid == 0)
        def _():
            pltpu.sync_copy(dst_hbm.at[pl.ds(sid * cpt0, cpt0)],
                            dst_v.at[pl.ds(0, cpt0)])

        @pl.when(cid == 1)
        def _():
            pltpu.sync_copy(dst_hbm.at[pl.ds(NS * cpt0 + sid * cpt1, cpt1)],
                            dst_v.at[pl.ds(0, cpt1)])

        pltpu.sync_copy(ones_hbm, ones_v)
        pltpu.sync_copy(zer_hbm.at[pl.ds(r0, rpt)], deg_sh.at[pl.ds(r0, rpt)])
        plsc.subcore_barrier()

        def drain(j, carry):
            pltpu.make_async_copy(
                ones_v, deg_sh.at[dst_v.at[j, 0]], ssem).wait()
            return carry

        def body(j, carry):
            @pl.when(j >= 8)
            def _():
                drain(j - 8, 0)

            pltpu.async_copy(ones_v, deg_sh.at[dst_v.at[j, 0]], ssem, add=True)
            return carry

        lax.fori_loop(0, nch, body, 0)
        lax.fori_loop(jnp.maximum(nch - 8, 0), nch, drain, 0)
        plsc.subcore_barrier()
        pltpu.sync_copy(deg_sh.at[pl.ds(r0, rpt)],
                        out_hbm.at[cid, pl.ds(r0, rpt)])

    return deg


def _edge_kernel(nacc, cpt0, cpt1, rpt, F, tc_tiling=True):
    cpt_max = max(cpt0, cpt1)

    @functools.partial(
        pl.kernel,
        out_type=jax.ShapeDtypeStruct((NC, nacc, F), jnp.float32),
        mesh=_mesh(),
        compiler_params=pltpu.CompilerParams(use_tc_tiling_on_sc=tc_tiling),
        scratch_types=[
            pltpu.VMEM((1, K), jnp.int32),
            pltpu.VMEM((1, K), jnp.int32),
            pltpu.VMEM((cpt_max, 1, K), jnp.int32),
            pltpu.VMEM((K, F), jnp.float32),
            pltpu.VMEM((K, F), jnp.float32),
            pltpu.VMEM_SHARED((nacc, F), jnp.float32),
            pltpu.SemaphoreType.DMA,
            pltpu.SemaphoreType.DMA,
            pltpu.SemaphoreType.DMA,
        ],
    )
    def edge(tab_hbm, src_hbm, dst_hbm, zer_hbm, out_hbm,
             sia, sib, dst_v, rows_a, rows_b, acc_sh, gsem, ssem, isem):
        cid = lax.axis_index("c")
        sid = lax.axis_index("s")
        nch = jnp.where(cid == 0, cpt0, cpt1)
        c0 = jnp.where(cid == 0, sid * cpt0, NS * cpt0 + sid * cpt1)
        r0 = sid * rpt

        @pl.when(cid == 0)
        def _():
            pltpu.sync_copy(dst_hbm.at[pl.ds(sid * cpt0, cpt0)],
                            dst_v.at[pl.ds(0, cpt0)])

        @pl.when(cid == 1)
        def _():
            pltpu.sync_copy(dst_hbm.at[pl.ds(NS * cpt0 + sid * cpt1, cpt1)],
                            dst_v.at[pl.ds(0, cpt1)])

        pltpu.sync_copy(src_hbm.at[c0], sia)
        pltpu.async_copy(tab_hbm.at[sia.at[0]], rows_a, gsem)

        @pl.when(nch > 1)
        def _():
            pltpu.async_copy(src_hbm.at[c0 + 1], sib, isem)

        pltpu.sync_copy(zer_hbm.at[pl.ds(r0, rpt)], acc_sh.at[pl.ds(r0, rpt)])
        plsc.subcore_barrier()

        def do_iter(j, s_cur, s_nxt, rows_cur, rows_nxt):
            @pl.when(j >= 1)
            def _():
                pltpu.make_async_copy(
                    rows_nxt, acc_sh.at[dst_v.at[j - 1, 0]], ssem).wait()

            @pl.when(j + 1 < nch)
            def _():
                pltpu.make_async_copy(
                    src_hbm.at[c0 + j + 1], s_nxt, isem).wait()
                pltpu.async_copy(tab_hbm.at[s_nxt.at[0]], rows_nxt, gsem)

            pltpu.make_async_copy(
                tab_hbm.at[s_cur.at[0]], rows_cur, gsem).wait()

            @pl.when(j + 2 < nch)
            def _():
                pltpu.async_copy(src_hbm.at[c0 + j + 2], s_cur, isem)

            pltpu.async_copy(rows_cur, acc_sh.at[dst_v.at[j, 0]], ssem, add=True)

        def body(j, carry):
            par = lax.rem(j, 2)

            @pl.when(par == 0)
            def _():
                do_iter(j, sia, sib, rows_a, rows_b)

            @pl.when(par == 1)
            def _():
                do_iter(j, sib, sia, rows_b, rows_a)

            return carry

        lax.fori_loop(0, nch, body, 0)
        last = nch - 1

        @pl.when(lax.rem(last, 2) == 0)
        def _():
            pltpu.make_async_copy(rows_a, acc_sh.at[dst_v.at[last, 0]], ssem).wait()

        @pl.when(lax.rem(last, 2) == 1)
        def _():
            pltpu.make_async_copy(rows_b, acc_sh.at[dst_v.at[last, 0]], ssem).wait()

        plsc.subcore_barrier()
        pltpu.sync_copy(acc_sh.at[pl.ds(r0, rpt)],
                        out_hbm.at[cid, pl.ds(r0, rpt)])

    return edge


def _edge_kernel_deep(nacc, cpt0, cpt1, rpt, F, tc_tiling=True):
    cpt_max = max(cpt0, cpt1)
    DP = 4

    @functools.partial(
        pl.kernel,
        out_type=jax.ShapeDtypeStruct((NC, nacc, F), jnp.float32),
        mesh=_mesh(),
        compiler_params=pltpu.CompilerParams(use_tc_tiling_on_sc=tc_tiling),
        scratch_types=(
            [pltpu.VMEM((1, K), jnp.int32) for _ in range(DP)]
            + [pltpu.VMEM((K, F), jnp.float32) for _ in range(DP)]
            + [
                pltpu.VMEM((cpt_max, 1, K), jnp.int32),
                pltpu.VMEM_SHARED((nacc, F), jnp.float32),
                pltpu.SemaphoreType.DMA,
                pltpu.SemaphoreType.DMA,
                pltpu.SemaphoreType.DMA,
            ]
        ),
    )
    def edge(tab_hbm, src_hbm, dst_hbm, zer_hbm, out_hbm,
             si0, si1, si2, si3, ro0, ro1, ro2, ro3,
             dst_v, acc_sh, gsem, ssem, isem):
        sis = [si0, si1, si2, si3]
        ros = [ro0, ro1, ro2, ro3]
        cid = lax.axis_index("c")
        sid = lax.axis_index("s")
        nch = jnp.where(cid == 0, cpt0, cpt1)
        c0 = jnp.where(cid == 0, sid * cpt0, NS * cpt0 + sid * cpt1)
        r0 = sid * rpt

        @pl.when(cid == 0)
        def _():
            pltpu.sync_copy(dst_hbm.at[pl.ds(sid * cpt0, cpt0)],
                            dst_v.at[pl.ds(0, cpt0)])

        @pl.when(cid == 1)
        def _():
            pltpu.sync_copy(dst_hbm.at[pl.ds(NS * cpt0 + sid * cpt1, cpt1)],
                            dst_v.at[pl.ds(0, cpt1)])

        pltpu.sync_copy(src_hbm.at[c0], si0)
        pltpu.async_copy(tab_hbm.at[si0.at[0]], ro0, gsem)
        for t in (1, 2):
            @pl.when(nch > t)
            def _(t=t):
                pltpu.async_copy(src_hbm.at[c0 + t], sis[t], isem)
        pltpu.sync_copy(zer_hbm.at[pl.ds(r0, rpt)], acc_sh.at[pl.ds(r0, rpt)])
        plsc.subcore_barrier()

        def do_iter(j, p):
            s_n1, r_n1 = sis[(p + 1) % DP], ros[(p + 1) % DP]

            @pl.when(j >= 3)
            def _():
                pltpu.make_async_copy(
                    r_n1, acc_sh.at[dst_v.at[j - 3, 0]], ssem).wait()

            @pl.when(j + 1 < nch)
            def _():
                pltpu.make_async_copy(
                    src_hbm.at[c0 + j + 1], s_n1, isem).wait()
                pltpu.async_copy(tab_hbm.at[s_n1.at[0]], r_n1, gsem)

            @pl.when(j + 3 < nch)
            def _():
                pltpu.async_copy(src_hbm.at[c0 + j + 3], sis[(p + 3) % DP], isem)

            pltpu.make_async_copy(tab_hbm.at[sis[p].at[0]], ros[p], gsem).wait()
            pltpu.async_copy(ros[p], acc_sh.at[dst_v.at[j, 0]], ssem, add=True)

        def body(j, carry):
            par = lax.rem(j, DP)
            for p in range(DP):
                @pl.when(par == p)
                def _(p=p):
                    do_iter(j, p)
            return carry

        lax.fori_loop(0, nch, body, 0)

        def drain(t):
            for p in range(DP):
                @pl.when((t >= 0) & (lax.rem(t, DP) == p))
                def _(p=p):
                    pltpu.make_async_copy(
                        ros[p], acc_sh.at[dst_v.at[t, 0]], ssem).wait()

        drain(nch - 3)
        drain(nch - 2)
        drain(nch - 1)
        plsc.subcore_barrier()
        pltpu.sync_copy(acc_sh.at[pl.ds(r0, rpt)],
                        out_hbm.at[cid, pl.ds(r0, rpt)])

    return edge


def _pick_bn(n):
    for bn in (2000, 1024, 512, 400, 256, 200, 128, 80, 64, 40, 32, 16, 8):
        if n % bn == 0:
            return bn
    return 1


def _flat_chunks(arr, pad_val, tot_ch, n_real):
    flat = jnp.concatenate(
        [arr, jnp.full((tot_ch * K - n_real,), pad_val, jnp.int32)])
    return flat.reshape(tot_ch, 1, K)


def kernel(x, edge_index, W1, b1, W2, b2):
    N, D = x.shape
    E = edge_index.shape[1]
    C = W2.shape[1]
    CP = 16

    nch = -(-E // K)
    cpt0 = max(1, round(nch * FRAC0 / NS))
    cpt1 = -(-(nch - cpt0 * NS) // NS)
    cpt0s = max(1, round(nch * 0.5 / NS))
    cpt1s = -(-(nch - cpt0s * NS) // NS)
    tot_ch = max((cpt0 + cpt1) * NS, (cpt0s + cpt1s) * NS)
    nacc = -(-(N + 1) // 128) * 128
    rpt = nacc // NS
    nacc_d = -(-(N + 1) // (NS * 256)) * (NS * 256)
    rpt_d = nacc_d // NS
    BN = _pick_bn(N)

    f32 = jnp.float32
    src_p = _flat_chunks(edge_index[0], 0, tot_ch, E)
    dst_p = _flat_chunks(edge_index[1], N, tot_ch, E)
    ones_k = jnp.ones((K,), f32)
    zer1 = jnp.zeros((nacc_d,), f32)
    zerD = jnp.zeros((nacc, D), f32)
    zerC = jnp.zeros((nacc, CP), f32)
    b1r = b1.reshape(1, D)
    W2p = jnp.zeros((D, CP), f32).at[:, :C].set(W2)
    b2p = jnp.zeros((1, CP), f32).at[0, :C].set(b2)

    deg_part = _deg_kernel(nacc_d, cpt0s, cpt1s, rpt_d)(dst_p, ones_k, zer1)
    deg_t = deg_part.T[:N]

    def mm1a_body(x_ref, w_ref, h_ref):
        h_ref[...] = jnp.dot(x_ref[...], w_ref[...], preferred_element_type=f32)

    h = pl.pallas_call(
        mm1a_body,
        grid=(N // BN,),
        in_specs=[
            pl.BlockSpec((BN, D), lambda i: (i, 0)),
            pl.BlockSpec((D, D), lambda i: (0, 0)),
        ],
        out_specs=pl.BlockSpec((BN, D), lambda i: (i, 0)),
        out_shape=jax.ShapeDtypeStruct((N, D), f32),
    )(x, W1)

    def mm1b_body(h_ref, dg_ref, hs_ref, dv_ref):
        dv = lax.rsqrt(dg_ref[:, 0:1] + dg_ref[:, 1:2] + 1.0)
        hs_ref[...] = h_ref[...] * dv
        dv_ref[...] = dv

    hs, dinv = pl.pallas_call(
        mm1b_body,
        grid=(N // BN,),
        in_specs=[
            pl.BlockSpec((BN, D), lambda i: (i, 0)),
            pl.BlockSpec((BN, 2), lambda i: (i, 0)),
        ],
        out_specs=[
            pl.BlockSpec((BN, D), lambda i: (i, 0)),
            pl.BlockSpec((BN, 1), lambda i: (i, 0)),
        ],
        out_shape=[
            jax.ShapeDtypeStruct((N, D), f32),
            jax.ShapeDtypeStruct((N, 1), f32),
        ],
    )(h, deg_t)

    acc1 = _edge_kernel(nacc, cpt0, cpt1, rpt, D)(hs, src_p, dst_p, zerD)

    def mid_body(a_ref, hs_ref, dv_ref, b1_ref, w2_ref, out_ref):
        t = (a_ref[0] + a_ref[1] + hs_ref[...]) * dv_ref[...] + b1_ref[...]
        g = jnp.where(t >= 0, t, 0.01 * t)
        h2 = jnp.dot(g, w2_ref[...], preferred_element_type=f32)
        out_ref[...] = h2 * dv_ref[...]

    hs2 = pl.pallas_call(
        mid_body,
        grid=(N // BN,),
        in_specs=[
            pl.BlockSpec((NC, BN, D), lambda i: (0, i, 0)),
            pl.BlockSpec((BN, D), lambda i: (i, 0)),
            pl.BlockSpec((BN, 1), lambda i: (i, 0)),
            pl.BlockSpec((1, D), lambda i: (0, 0)),
            pl.BlockSpec((D, CP), lambda i: (0, 0)),
        ],
        out_specs=pl.BlockSpec((BN, CP), lambda i: (i, 0)),
        out_shape=jax.ShapeDtypeStruct((N, CP), f32),
    )(acc1, hs, dinv, b1r, W2p)

    acc2 = _edge_kernel_deep(nacc, cpt0s, cpt1s, rpt, CP, tc_tiling=False)(
        hs2, src_p, dst_p, zerC)

    def fin_body(a_ref, hs_ref, dv_ref, b2_ref, out_ref):
        out_ref[...] = (a_ref[0] + a_ref[1] + hs_ref[...]) * dv_ref[...] + b2_ref[...]

    outp = pl.pallas_call(
        fin_body,
        grid=(N // BN,),
        in_specs=[
            pl.BlockSpec((NC, BN, CP), lambda i: (0, i, 0)),
            pl.BlockSpec((BN, CP), lambda i: (i, 0)),
            pl.BlockSpec((BN, 1), lambda i: (i, 0)),
            pl.BlockSpec((1, CP), lambda i: (0, 0)),
        ],
        out_specs=pl.BlockSpec((BN, CP), lambda i: (i, 0)),
        out_shape=jax.ShapeDtypeStruct((N, CP), f32),
    )(acc2, hs2, dinv, b2p)

    return outp[:, :C]

# --- scband reference (transcript-rebuilt; emitter-appended) ---
"""Pipeline reference for scband-classifier-64596308132526 (READ-ONLY COPY).

The authoritative reference and input builder live on the scoring server;
editing this copy changes nothing except your own understanding.
"""

import jax, jax.numpy as jnp
import numpy as np

N = 10000
E = 320000
D = 128
C = 10


def setup_inputs(seed: int = 0) -> dict:
    key = jax.random.key(seed)
    k1, k2, k3, k4, k5, k6 = jax.random.split(key, 6)
    x = jax.random.normal(k1, (N, D), dtype=jnp.float32)
    edge_index = jax.random.randint(k2, (2, E), 0, N, dtype=jnp.int32)
    W1 = jax.random.normal(k3, (D, D), dtype=jnp.float32) * (1.0 / np.sqrt(D))
    b1 = jnp.zeros((D,), dtype=jnp.float32)
    W2 = jax.random.normal(k4, (D, C), dtype=jnp.float32) * (1.0 / np.sqrt(D))
    b2 = jnp.zeros((C,), dtype=jnp.float32)
    return {"x": x, "edge_index": edge_index, "W1": W1, "b1": b1, "W2": W2, "b2": b2}


def gcn_conv(x, edge_index, W, b):
    # GCNConv: add self-loops, symmetric normalization D^-1/2 (A+I) D^-1/2, then linear
    n = x.shape[0]
    loop = jnp.arange(n, dtype=edge_index.dtype)
    src = jnp.concatenate([edge_index[0], loop])
    dst = jnp.concatenate([edge_index[1], loop])
    deg = jnp.zeros((n,), dtype=x.dtype).at[dst].add(1.0)
    dinv = jnp.where(deg > 0, 1.0 / jnp.sqrt(deg), 0.0)
    norm = dinv[src] * dinv[dst]
    h = x @ W
    msg = h[src] * norm[:, None]
    out = jnp.zeros((n, h.shape[1]), dtype=x.dtype).at[dst].add(msg)
    return out + b


def reference(x, edge_index, W1, b1, W2, b2):
    h = gcn_conv(x, edge_index, W1, b1)
    h = jax.nn.leaky_relu(h, negative_slope=0.01)
    out = gcn_conv(h, edge_index, W2, b2)
    return out

if __name__ == "__main__":
    import jax
    _d = setup_inputs()
    print(jax.jit(kernel)(*tuple(_d.values())))

</pallas_src>

<mosaic_0001>
#map = affine_map<(d0, d1) -> (0, 0)>
#map1 = affine_map<(d0, d1) -> (0, 0, 0)>
module attributes {stable_mosaic.version = 14 : i64} {
  func.func @edge(%arg0: i32, %arg1: i32, %arg2: memref<10000x128xf32, #tpu.memory_space<hbm>>, %arg3: memref<2512x1x128xi32, #tpu.memory_space<hbm>>, %arg4: memref<2512x1x128xi32, #tpu.memory_space<hbm>>, %arg5: memref<10112x128xf32, #tpu.memory_space<hbm>>, %arg6: memref<2x10112x128xf32, #tpu.memory_space<hbm>>, %arg7: memref<1x128xi32, #tpu.memory_space<vmem>>, %arg8: memref<1x128xi32, #tpu.memory_space<vmem>>, %arg9: memref<112x1x128xi32, #tpu.memory_space<vmem>>, %arg10: memref<128x128xf32, #tpu.memory_space<vmem>>, %arg11: memref<128x128xf32, #tpu.memory_space<vmem>>, %arg12: memref<10112x128xf32, #tpu.memory_space<vmem_shared>>, %arg13: memref<!tpu.dma_semaphore, #tpu.memory_space<semaphore_mem>>, %arg14: memref<!tpu.dma_semaphore, #tpu.memory_space<semaphore_mem>>, %arg15: memref<!tpu.dma_semaphore, #tpu.memory_space<semaphore_mem>>) attributes {dimension_semantics = [#tpu.dimension_semantics<core_parallel>, #tpu.dimension_semantics<subcore_parallel>], iteration_bounds = array<i64: 2, 16>, scalar_prefetch = 0 : i64, scratch_operands = 9 : i64, tpu.core_type = #tpu.core_type<sc_vector_subcore>, window_params = [{transform_indices = #map}, {transform_indices = #map1}, {transform_indices = #map1}, {transform_indices = #map}, {transform_indices = #map1}]} {
    %eq3A = arith.constant 0 : i32
    %eq3A_0 = arith.cmpi eq, %arg0, %eq3A : i32
    %jit3A = arith.constant 112 : i32
    %jit3A_1 = arith.constant 45 : i32
    %select_n3A = arith.select %eq3A_0, %jit3A, %jit3A_1 : i32
    %eq3A_2 = arith.constant 0 : i32
    %eq3A_3 = arith.cmpi eq, %arg0, %eq3A_2 : i32
    %mul3A = arith.constant 112 : i32
    %mul3A_4 = arith.muli %arg1, %mul3A : i32
    %mul3A_5 = arith.constant 45 : i32
    %mul3A_6 = arith.muli %arg1, %mul3A_5 : i32
    %add3A = arith.constant 1792 : i32
    %add3A_7 = arith.addi %add3A, %mul3A_6 : i32
    %select_n3A_8 = arith.select %eq3A_3, %mul3A_4, %add3A_7 : i32
    %mul3A_9 = arith.constant 632 : i32
    %mul3A_10 = arith.muli %arg1, %mul3A_9 : i32
    %eq3A_11 = arith.constant 0 : i32
    %eq3A_12 = arith.cmpi eq, %arg0, %eq3A_11 : i32
    %convert_element_type3A = arith.extui %eq3A_12 : i1 to i32
    %cond3A = arith.constant 0 : i32
    %cond3A_13 = arith.cmpi ne, %convert_element_type3A, %cond3A : i32
    scf.if %cond3A_13 {
      %mul3A_53 = arith.constant 112 : i32
      %mul3A_54 = arith.muli %arg1, %mul3A_53 : i32
      "tpu.region"() ({
        %run_scoped3A = tpu.sem_alloc : memref<!tpu.dma_semaphore, #tpu.memory_space<semaphore_mem>>
        %dma_start3A_55 = arith.constant 0 : i32
        %dma_start3A_56 = arith.constant 0 : i32
        %dma_start3A_57 = arith.constant 0 : i32
        %dma_start3A_58 = tpu.memref_slice %arg9[%dma_start3A_55, %dma_start3A_56, %dma_start3A_57] : memref<112x1x128xi32, #tpu.memory_space<vmem>> -> memref<112x1x128xi32, #tpu.memory_space<vmem>>
        %dma_start3A_59 = arith.constant 0 : i32
        %dma_start3A_60 = arith.constant 0 : i32
        %dma_start3A_61 = tpu.memref_slice %arg4[%mul3A_54, %dma_start3A_59, %dma_start3A_60] : memref<2512x1x128xi32, #tpu.memory_space<hbm>> -> memref<112x1x128xi32, #tpu.memory_space<hbm>>
        %dma_start3A_62 = arith.constant 0 : i32
        %dma_start3A_63 = arith.constant 0 : i32
        %dma_start3A_64 = arith.constant 0 : i32
        %dma_start3A_65 = tpu.memref_slice %arg9[%dma_start3A_62, %dma_start3A_63, %dma_start3A_64] : memref<112x1x128xi32, #tpu.memory_space<vmem>> -> memref<112x1x128xi32, #tpu.memory_space<vmem>>
        %dma_start3A_66 = arith.constant 0 : i32
        %dma_start3A_67 = arith.constant 0 : i32
        %dma_start3A_68 = tpu.memref_slice %arg4[%mul3A_54, %dma_start3A_66, %dma_start3A_67] : memref<2512x1x128xi32, #tpu.memory_space<hbm>> -> memref<112x1x128xi32, #tpu.memory_space<hbm>>
        tpu.enqueue_dma source(%dma_start3A_68 : memref<112x1x128xi32, #tpu.memory_space<hbm>>) target(%dma_start3A_65 : memref<112x1x128xi32, #tpu.memory_space<vmem>>) target_semaphore(%run_scoped3A : memref<!tpu.dma_semaphore, #tpu.memory_space<semaphore_mem>>)
        %dma_wait3A = arith.constant 0 : i32
        %dma_wait3A_69 = arith.constant 0 : i32
        %dma_wait3A_70 = arith.constant 0 : i32
        %dma_wait3A_71 = tpu.memref_slice %arg9[%dma_wait3A, %dma_wait3A_69, %dma_wait3A_70] : memref<112x1x128xi32, #tpu.memory_space<vmem>> -> memref<112x1x128xi32, #tpu.memory_space<vmem>>
        %dma_wait3A_72 = arith.constant 0 : i32
        %dma_wait3A_73 = arith.constant 0 : i32
        %dma_wait3A_74 = tpu.memref_slice %arg4[%mul3A_54, %dma_wait3A_72, %dma_wait3A_73] : memref<2512x1x128xi32, #tpu.memory_space<hbm>> -> memref<112x1x128xi32, #tpu.memory_space<hbm>>
        %dma_wait3A_75 = arith.constant 0 : i32
        %dma_wait3A_76 = arith.constant 0 : i32
        %dma_wait3A_77 = arith.constant 0 : i32
        %dma_wait3A_78 = tpu.memref_slice %arg9[%dma_wait3A_75, %dma_wait3A_76, %dma_wait3A_77] : memref<112x1x128xi32, #tpu.memory_space<vmem>> -> memref<112x1x128xi32, #tpu.memory_space<vmem>>
        %dma_wait3A_79 = arith.constant 0 : i32
        %dma_wait3A_80 = arith.constant 0 : i32
        %dma_wait3A_81 = tpu.memref_slice %arg4[%mul3A_54, %dma_wait3A_79, %dma_wait3A_80] : memref<2512x1x128xi32, #tpu.memory_space<hbm>> -> memref<112x1x128xi32, #tpu.memory_space<hbm>>
        tpu.wait_dma2 semaphore(%run_scoped3A : memref<!tpu.dma_semaphore, #tpu.memory_space<semaphore_mem>>) src(%dma_wait3A_81 : memref<112x1x128xi32, #tpu.memory_space<hbm>>) dst(%dma_wait3A_78 : memref<112x1x128xi32, #tpu.memory_space<vmem>>)
        tpu.yield
      }) : () -> ()
    } else {
    }
    %eq3A_14 = arith.constant 1 : i32
    %eq3A_15 = arith.cmpi eq, %arg0, %eq3A_14 : i32
    %convert_element_type3A_16 = arith.extui %eq3A_15 : i1 to i32
    %cond3A_17 = arith.constant 0 : i32
    %cond3A_18 = arith.cmpi ne, %convert_element_type3A_16, %cond3A_17 : i32
    scf.if %cond3A_18 {
      %mul3A_53 = arith.constant 45 : i32
      %mul3A_54 = arith.muli %arg1, %mul3A_53 : i32
      %add3A_55 = arith.constant 1792 : i32
      %add3A_56 = arith.addi %add3A_55, %mul3A_54 : i32
      "tpu.region"() ({
        %run_scoped3A = tpu.sem_alloc : memref<!tpu.dma_semaphore, #tpu.memory_space<semaphore_mem>>
        %dma_start3A_57 = arith.constant 0 : i32
        %dma_start3A_58 = arith.constant 0 : i32
        %dma_start3A_59 = arith.constant 0 : i32
        %dma_start3A_60 = tpu.memref_slice %arg9[%dma_start3A_57, %dma_start3A_58, %dma_start3A_59] : memref<112x1x128xi32, #tpu.memory_space<vmem>> -> memref<45x1x128xi32, #tpu.memory_space<vmem>>
        %dma_start3A_61 = arith.constant 0 : i32
        %dma_start3A_62 = arith.constant 0 : i32
        %dma_start3A_63 = tpu.memref_slice %arg4[%add3A_56, %dma_start3A_61, %dma_start3A_62] : memref<2512x1x128xi32, #tpu.memory_space<hbm>> -> memref<45x1x128xi32, #tpu.memory_space<hbm>>
        %dma_start3A_64 = arith.constant 0 : i32
        %dma_start3A_65 = arith.constant 0 : i32
        %dma_start3A_66 = arith.constant 0 : i32
        %dma_start3A_67 = tpu.memref_slice %arg9[%dma_start3A_64, %dma_start3A_65, %dma_start3A_66] : memref<112x1x128xi32, #tpu.memory_space<vmem>> -> memref<45x1x128xi32, #tpu.memory_space<vmem>>
        %dma_start3A_68 = arith.constant 0 : i32
        %dma_start3A_69 = arith.constant 0 : i32
        %dma_start3A_70 = tpu.memref_slice %arg4[%add3A_56, %dma_start3A_68, %dma_start3A_69] : memref<2512x1x128xi32, #tpu.memory_space<hbm>> -> memref<45x1x128xi32, #tpu.memory_space<hbm>>
        tpu.enqueue_dma source(%dma_start3A_70 : memref<45x1x128xi32, #tpu.memory_space<hbm>>) target(%dma_start3A_67 : memref<45x1x128xi32, #tpu.memory_space<vmem>>) target_semaphore(%run_scoped3A : memref<!tpu.dma_semaphore, #tpu.memory_space<semaphore_mem>>)
        %dma_wait3A = arith.constant 0 : i32
        %dma_wait3A_71 = arith.constant 0 : i32
        %dma_wait3A_72 = arith.constant 0 : i32
        %dma_wait3A_73 = tpu.memref_slice %arg9[%dma_wait3A, %dma_wait3A_71, %dma_wait3A_72] : memref<112x1x128xi32, #tpu.memory_space<vmem>> -> memref<45x1x128xi32, #tpu.memory_space<vmem>>
        %dma_wait3A_74 = arith.constant 0 : i32
        %dma_wait3A_75 = arith.constant 0 : i32
        %dma_wait3A_76 = tpu.memref_slice %arg4[%add3A_56, %dma_wait3A_74, %dma_wait3A_75] : memref<2512x1x128xi32, #tpu.memory_space<hbm>> -> memref<45x1x128xi32, #tpu.memory_space<hbm>>
        %dma_wait3A_77 = arith.constant 0 : i32
        %dma_wait3A_78 = arith.constant 0 : i32
        %dma_wait3A_79 = arith.constant 0 : i32
        %dma_wait3A_80 = tpu.memref_slice %arg9[%dma_wait3A_77, %dma_wait3A_78, %dma_wait3A_79] : memref<112x1x128xi32, #tpu.memory_space<vmem>> -> memref<45x1x128xi32, #tpu.memory_space<vmem>>
        %dma_wait3A_81 = arith.constant 0 : i32
        %dma_wait3A_82 = arith.constant 0 : i32
        %dma_wait3A_83 = tpu.memref_slice %arg4[%add3A_56, %dma_wait3A_81, %dma_wait3A_82] : memref<2512x1x128xi32, #tpu.memory_space<hbm>> -> memref<45x1x128xi32, #tpu.memory_space<hbm>>
        tpu.wait_dma2 semaphore(%run_scoped3A : memref<!tpu.dma_semaphore, #tpu.memory_space<semaphore_mem>>) src(%dma_wait3A_83 : memref<45x1x128xi32, #tpu.memory_space<hbm>>) dst(%dma_wait3A_80 : memref<45x1x128xi32, #tpu.memory_space<vmem>>)
        tpu.yield
      }) : () -> ()
    } else {
    }
    "tpu.region"() ({
      %run_scoped3A = tpu.sem_alloc : memref<!tpu.dma_semaphore, #tpu.memory_space<semaphore_mem>>
      %dma_start3A_53 = arith.constant 0 : i32
      %dma_start3A_54 = arith.constant 0 : i32
      %dma_start3A_55 = tpu.memref_slice %arg3[%select_n3A_8, %dma_start3A_53, %dma_start3A_54] : memref<2512x1x128xi32, #tpu.memory_space<hbm>> -> memref<1x1x128xi32, #tpu.memory_space<hbm>>
      %dma_start3A_56 = tpu.memref_squeeze %dma_start3A_55 : memref<1x1x128xi32, #tpu.memory_space<hbm>> -> memref<1x128xi32, #tpu.memory_space<hbm>>
      %dma_start3A_57 = arith.constant 0 : i32
      %dma_start3A_58 = arith.constant 0 : i32
      %dma_start3A_59 = tpu.memref_slice %arg3[%select_n3A_8, %dma_start3A_57, %dma_start3A_58] : memref<2512x1x128xi32, #tpu.memory_space<hbm>> -> memref<1x1x128xi32, #tpu.memory_space<hbm>>
      %dma_start3A_60 = tpu.memref_squeeze %dma_start3A_59 : memref<1x1x128xi32, #tpu.memory_space<hbm>> -> memref<1x128xi32, #tpu.memory_space<hbm>>
      tpu.enqueue_dma source(%dma_start3A_60 : memref<1x128xi32, #tpu.memory_space<hbm>>) target(%arg7 : memref<1x128xi32, #tpu.memory_space<vmem>>) target_semaphore(%run_scoped3A : memref<!tpu.dma_semaphore, #tpu.memory_space<semaphore_mem>>)
      %dma_wait3A = arith.constant 0 : i32
      %dma_wait3A_61 = arith.constant 0 : i32
      %dma_wait3A_62 = tpu.memref_slice %arg3[%select_n3A_8, %dma_wait3A, %dma_wait3A_61] : memref<2512x1x128xi32, #tpu.memory_space<hbm>> -> memref<1x1x128xi32, #tpu.memory_space<hbm>>
      %dma_wait3A_63 = tpu.memref_squeeze %dma_wait3A_62 : memref<1x1x128xi32, #tpu.memory_space<hbm>> -> memref<1x128xi32, #tpu.memory_space<hbm>>
      %dma_wait3A_64 = arith.constant 0 : i32
      %dma_wait3A_65 = arith.constant 0 : i32
      %dma_wait3A_66 = tpu.memref_slice %arg3[%select_n3A_8, %dma_wait3A_64, %dma_wait3A_65] : memref<2512x1x128xi32, #tpu.memory_space<hbm>> -> memref<1x1x128xi32, #tpu.memory_space<hbm>>
      %dma_wait3A_67 = tpu.memref_squeeze %dma_wait3A_66 : memref<1x1x128xi32, #tpu.memory_space<hbm>> -> memref<1x128xi32, #tpu.memory_space<hbm>>
      tpu.wait_dma2 semaphore(%run_scoped3A : memref<!tpu.dma_semaphore, #tpu.memory_space<semaphore_mem>>) src(%dma_wait3A_67 : memref<1x128xi32, #tpu.memory_space<hbm>>) dst(%arg7 : memref<1x128xi32, #tpu.memory_space<vmem>>)
      tpu.yield
    }) : () -> ()
    %dma_start3A = arith.constant 0 : i32
    %dma_start3A_19 = arith.constant 0 : i32
    %dma_start3A_20 = tpu.memref_slice %arg7[%dma_start3A, %dma_start3A_19] : memref<1x128xi32, #tpu.memory_space<vmem>> -> memref<1x128xi32, #tpu.memory_space<vmem>>
    %dma_start3A_21 = tpu.memref_squeeze %dma_start3A_20 : memref<1x128xi32, #tpu.memory_space<vmem>> -> memref<128xi32, #tpu.memory_space<vmem>>
    %dma_start3A_22 = arith.constant 0 : i32
    %dma_start3A_23 = arith.constant 0 : i32
    %dma_start3A_24 = tpu.memref_slice %arg2[%dma_start3A_22, %dma_start3A_23] : memref<10000x128xf32, #tpu.memory_space<hbm>> -> memref<10000x128xf32, #tpu.memory_space<hbm>>
    tpu.enqueue_indirect_dma source(%dma_start3A_24 : memref<10000x128xf32, #tpu.memory_space<hbm>>) target(%arg10 : memref<128x128xf32, #tpu.memory_space<vmem>>) offsets(%dma_start3A_21 : memref<128xi32, #tpu.memory_space<vmem>>) semaphore(%arg13 : memref<!tpu.dma_semaphore, #tpu.memory_space<semaphore_mem>>)
    %gt3A = arith.constant 1 : i32
    %gt3A_25 = arith.cmpi sgt, %select_n3A, %gt3A : i32
    %convert_element_type3A_26 = arith.extui %gt3A_25 : i1 to i32
    %cond3A_27 = arith.constant 0 : i32
    %cond3A_28 = arith.cmpi ne, %convert_element_type3A_26, %cond3A_27 : i32
    scf.if %cond3A_28 {
      %add3A_53 = arith.constant 1 : i32
      %add3A_54 = arith.addi %select_n3A_8, %add3A_53 : i32
      %dma_start3A_55 = arith.constant 0 : i32
      %dma_start3A_56 = arith.constant 0 : i32
      %dma_start3A_57 = tpu.memref_slice %arg3[%add3A_54, %dma_start3A_55, %dma_start3A_56] : memref<2512x1x128xi32, #tpu.memory_space<hbm>> -> memref<1x1x128xi32, #tpu.memory_space<hbm>>
      %dma_start3A_58 = tpu.memref_squeeze %dma_start3A_57 : memref<1x1x128xi32, #tpu.memory_space<hbm>> -> memref<1x128xi32, #tpu.memory_space<hbm>>
      %dma_start3A_59 = arith.constant 0 : i32
      %dma_start3A_60 = arith.constant 0 : i32
      %dma_start3A_61 = tpu.memref_slice %arg3[%add3A_54, %dma_start3A_59, %dma_start3A_60] : memref<2512x1x128xi32, #tpu.memory_space<hbm>> -> memref<1x1x128xi32, #tpu.memory_space<hbm>>
      %dma_start3A_62 = tpu.memref_squeeze %dma_start3A_61 : memref<1x1x128xi32, #tpu.memory_space<hbm>> -> memref<1x128xi32, #tpu.memory_space<hbm>>
      tpu.enqueue_dma source(%dma_start3A_62 : memref<1x128xi32, #tpu.memory_space<hbm>>) target(%arg8 : memref<1x128xi32, #tpu.memory_space<vmem>>) target_semaphore(%arg15 : memref<!tpu.dma_semaphore, #tpu.memory_space<semaphore_mem>>)
    } else {
    }
    "tpu.region"() ({
      %run_scoped3A = tpu.sem_alloc : memref<!tpu.dma_semaphore, #tpu.memory_space<semaphore_mem>>
      %dma_start3A_53 = arith.constant 0 : i32
      %dma_start3A_54 = tpu.memref_slice %arg12[%mul3A_10, %dma_start3A_53] : memref<10112x128xf32, #tpu.memory_space<vmem_shared>> -> memref<632x128xf32, #tpu.memory_space<vmem_shared>>
      %dma_start3A_55 = arith.constant 0 : i32
      %dma_start3A_56 = tpu.memref_slice %arg5[%mul3A_10, %dma_start3A_55] : memref<10112x128xf32, #tpu.memory_space<hbm>> -> memref<632x128xf32, #tpu.memory_space<hbm>>
      tpu.enqueue_dma source(%dma_start3A_56 : memref<632x128xf32, #tpu.memory_space<hbm>>) target(%dma_start3A_54 : memref<632x128xf32, #tpu.memory_space<vmem_shared>>) target_semaphore(%run_scoped3A : memref<!tpu.dma_semaphore, #tpu.memory_space<semaphore_mem>>)
      %dma_wait3A = arith.constant 0 : i32
      %dma_wait3A_57 = tpu.memref_slice %arg12[%mul3A_10, %dma_wait3A] : memref<10112x128xf32, #tpu.memory_space<vmem_shared>> -> memref<632x128xf32, #tpu.memory_space<vmem_shared>>
      %dma_wait3A_58 = arith.constant 0 : i32
      %dma_wait3A_59 = tpu.memref_slice %arg5[%mul3A_10, %dma_wait3A_58] : memref<10112x128xf32, #tpu.memory_space<hbm>> -> memref<632x128xf32, #tpu.memory_space<hbm>>
      tpu.wait_dma2 semaphore(%run_scoped3A : memref<!tpu.dma_semaphore, #tpu.memory_space<semaphore_mem>>) src(%dma_wait3A_59 : memref<632x128xf32, #tpu.memory_space<hbm>>) dst(%dma_wait3A_57 : memref<632x128xf32, #tpu.memory_space<vmem_shared>>)
      tpu.yield
    }) : () -> ()
    %barrier3A = arith.constant 0 : index
    tpu.barrier barrier_id(%barrier3A)
    %while3A = arith.constant 0 : i32
    %while3A_29 = arith.constant 0 : i32
    %while3A_30 = arith.subi %select_n3A, %while3A_29 : i32
    %while3A_31 = arith.addi %while3A_29, %while3A_30 : i32
    %while3A_32 = arith.constant 1 : i32
    %while3A_33 = arith.divsi %while3A_30, %while3A_32 : i32
    %while3A_34 = arith.muli %while3A_33, %while3A_32 : i32
    %while3A_35 = arith.addi %while3A_29, %while3A_34 : i32
    %while3A_36 = arith.constant 1 : i32
    scf.for %while3A_53 = %while3A_29 to %while3A_35 step %while3A_36  : i32 {
      %rem3A_54 = arith.constant 2 : i32
      %rem3A_55 = arith.remsi %while3A_53, %rem3A_54 : i32
      %eq3A_56 = arith.constant 0 : i32
      %eq3A_57 = arith.cmpi eq, %rem3A_55, %eq3A_56 : i32
      %convert_element_type3A_58 = arith.extui %eq3A_57 : i1 to i32
      %cond3A_59 = arith.constant 0 : i32
      %cond3A_60 = arith.cmpi ne, %convert_element_type3A_58, %cond3A_59 : i32
      scf.if %cond3A_60 {
        %ge3A = arith.constant 1 : i32
        %ge3A_66 = arith.cmpi sge, %while3A_53, %ge3A : i32
        %convert_element_type3A_67 = arith.extui %ge3A_66 : i1 to i32
        %cond3A_68 = arith.constant 0 : i32
        %cond3A_69 = arith.cmpi ne, %convert_element_type3A_67, %cond3A_68 : i32
        scf.if %cond3A_69 {
          %sub3A_94 = arith.constant 1 : i32
          %sub3A_95 = arith.subi %while3A_53, %sub3A_94 : i32
          %dma_wait3A_96 = arith.constant 0 : i32
          %dma_wait3A_97 = arith.constant 0 : i32
          %dma_wait3A_98 = tpu.memref_slice %arg9[%sub3A_95, %dma_wait3A_96, %dma_wait3A_97] : memref<112x1x128xi32, #tpu.memory_space<vmem>> -> memref<1x1x128xi32, #tpu.memory_space<vmem>>
          %dma_wait3A_99 = tpu.memref_squeeze %dma_wait3A_98 : memref<1x1x128xi32, #tpu.memory_space<vmem>> -> memref<128xi32, #tpu.memory_space<vmem>>
          %dma_wait3A_100 = arith.constant 0 : i32
          %dma_wait3A_101 = arith.constant 0 : i32
          %dma_wait3A_102 = tpu.memref_slice %arg12[%dma_wait3A_100, %dma_wait3A_101] : memref<10112x128xf32, #tpu.memory_space<vmem_shared>> -> memref<10112x128xf32, #tpu.memory_space<vmem_shared>>
          tpu.wait_indirect_dma semaphore(%arg14 : memref<!tpu.dma_semaphore, #tpu.memory_space<semaphore_mem>>) src(%arg11 : memref<128x128xf32, #tpu.memory_space<vmem>>) dst(%dma_wait3A_102 : memref<10112x128xf32, #tpu.memory_space<vmem_shared>>)
        } else {
        }
        %add3A_70 = arith.constant 1 : i32
        %add3A_71 = arith.addi %while3A_53, %add3A_70 : i32
        %lt3A = arith.cmpi slt, %add3A_71, %select_n3A : i32
        %convert_element_type3A_72 = arith.extui %lt3A : i1 to i32
        %cond3A_73 = arith.constant 0 : i32
        %cond3A_74 = arith.cmpi ne, %convert_element_type3A_72, %cond3A_73 : i32
        scf.if %cond3A_74 {
          %add3A_94 = arith.addi %select_n3A_8, %while3A_53 : i32
          %add3A_95 = arith.constant 1 : i32
          %add3A_96 = arith.addi %add3A_94, %add3A_95 : i32
          %dma_wait3A_97 = arith.constant 0 : i32
          %dma_wait3A_98 = arith.constant 0 : i32
          %dma_wait3A_99 = tpu.memref_slice %arg3[%add3A_96, %dma_wait3A_97, %dma_wait3A_98] : memref<2512x1x128xi32, #tpu.memory_space<hbm>> -> memref<1x1x128xi32, #tpu.memory_space<hbm>>
          %dma_wait3A_100 = tpu.memref_squeeze %dma_wait3A_99 : memref<1x1x128xi32, #tpu.memory_space<hbm>> -> memref<1x128xi32, #tpu.memory_space<hbm>>
          %dma_wait3A_101 = arith.constant 0 : i32
          %dma_wait3A_102 = arith.constant 0 : i32
          %dma_wait3A_103 = tpu.memref_slice %arg3[%add3A_96, %dma_wait3A_101, %dma_wait3A_102] : memref<2512x1x128xi32, #tpu.memory_space<hbm>> -> memref<1x1x128xi32, #tpu.memory_space<hbm>>
          %dma_wait3A_104 = tpu.memref_squeeze %dma_wait3A_103 : memref<1x1x128xi32, #tpu.memory_space<hbm>> -> memref<1x128xi32, #tpu.memory_space<hbm>>
          tpu.wait_dma2 semaphore(%arg15 : memref<!tpu.dma_semaphore, #tpu.memory_space<semaphore_mem>>) src(%dma_wait3A_104 : memref<1x128xi32, #tpu.memory_space<hbm>>) dst(%arg8 : memref<1x128xi32, #tpu.memory_space<vmem>>)
          %dma_start3A_105 = arith.constant 0 : i32
          %dma_start3A_106 = arith.constant 0 : i32
          %dma_start3A_107 = tpu.memref_slice %arg8[%dma_start3A_105, %dma_start3A_106] : memref<1x128xi32, #tpu.memory_space<vmem>> -> memref<1x128xi32, #tpu.memory_space<vmem>>
          %dma_start3A_108 = tpu.memref_squeeze %dma_start3A_107 : memref<1x128xi32, #tpu.memory_space<vmem>> -> memref<128xi32, #tpu.memory_space<vmem>>
          %dma_start3A_109 = arith.constant 0 : i32
          %dma_start3A_110 = arith.constant 0 : i32
          %dma_start3A_111 = tpu.memref_slice %arg2[%dma_start3A_109, %dma_start3A_110] : memref<10000x128xf32, #tpu.memory_space<hbm>> -> memref<10000x128xf32, #tpu.memory_space<hbm>>
          tpu.enqueue_indirect_dma source(%dma_start3A_111 : memref<10000x128xf32, #tpu.memory_space<hbm>>) target(%arg11 : memref<128x128xf32, #tpu.memory_space<vmem>>) offsets(%dma_start3A_108 : memref<128xi32, #tpu.memory_space<vmem>>) semaphore(%arg13 : memref<!tpu.dma_semaphore, #tpu.memory_space<semaphore_mem>>)
        } else {
        }
        %dma_wait3A = arith.constant 0 : i32
        %dma_wait3A_75 = arith.constant 0 : i32
        %dma_wait3A_76 = tpu.memref_slice %arg7[%dma_wait3A, %dma_wait3A_75] : memref<1x128xi32, #tpu.memory_space<vmem>> -> memref<1x128xi32, #tpu.memory_space<vmem>>
        %dma_wait3A_77 = tpu.memref_squeeze %dma_wait3A_76 : memref<1x128xi32, #tpu.memory_space<vmem>> -> memref<128xi32, #tpu.memory_space<vmem>>
        %dma_wait3A_78 = arith.constant 0 : i32
        %dma_wait3A_79 = arith.constant 0 : i32
        %dma_wait3A_80 = tpu.memref_slice %arg2[%dma_wait3A_78, %dma_wait3A_79] : memref<10000x128xf32, #tpu.memory_space<hbm>> -> memref<10000x128xf32, #tpu.memory_space<hbm>>
        tpu.wait_indirect_dma semaphore(%arg13 : memref<!tpu.dma_semaphore, #tpu.memory_space<semaphore_mem>>) src(%dma_wait3A_80 : memref<10000x128xf32, #tpu.memory_space<hbm>>) dst(%arg10 : memref<128x128xf32, #tpu.memory_space<vmem>>)
        %add3A_81 = arith.constant 2 : i32
        %add3A_82 = arith.addi %while3A_53, %add3A_81 : i32
        %lt3A_83 = arith.cmpi slt, %add3A_82, %select_n3A : i32
        %convert_element_type3A_84 = arith.extui %lt3A_83 : i1 to i32
        %cond3A_85 = arith.constant 0 : i32
        %cond3A_86 = arith.cmpi ne, %convert_element_type3A_84, %cond3A_85 : i32
        scf.if %cond3A_86 {
          %add3A_94 = arith.addi %select_n3A_8, %while3A_53 : i32
          %add3A_95 = arith.constant 2 : i32
          %add3A_96 = arith.addi %add3A_94, %add3A_95 : i32
          %dma_start3A_97 = arith.constant 0 : i32
          %dma_start3A_98 = arith.constant 0 : i32
          %dma_start3A_99 = tpu.memref_slice %arg3[%add3A_96, %dma_start3A_97, %dma_start3A_98] : memref<2512x1x128xi32, #tpu.memory_space<hbm>> -> memref<1x1x128xi32, #tpu.memory_space<hbm>>
          %dma_start3A_100 = tpu.memref_squeeze %dma_start3A_99 : memref<1x1x128xi32, #tpu.memory_space<hbm>> -> memref<1x128xi32, #tpu.memory_space<hbm>>
          %dma_start3A_101 = arith.constant 0 : i32
          %dma_start3A_102 = arith.constant 0 : i32
          %dma_start3A_103 = tpu.memref_slice %arg3[%add3A_96, %dma_start3A_101, %dma_start3A_102] : memref<2512x1x128xi32, #tpu.memory_space<hbm>> -> memref<1x1x128xi32, #tpu.memory_space<hbm>>
          %dma_start3A_104 = tpu.memref_squeeze %dma_start3A_103 : memref<1x1x128xi32, #tpu.memory_space<hbm>> -> memref<1x128xi32, #tpu.memory_space<hbm>>
          tpu.enqueue_dma source(%dma_start3A_104 : memref<1x128xi32, #tpu.memory_space<hbm>>) target(%arg7 : memref<1x128xi32, #tpu.memory_space<vmem>>) target_semaphore(%arg15 : memref<!tpu.dma_semaphore, #tpu.memory_space<semaphore_mem>>)
        } else {
        }
        %dma_start3A_87 = arith.constant 0 : i32
        %dma_start3A_88 = arith.constant 0 : i32
        %dma_start3A_89 = tpu.memref_slice %arg9[%while3A_53, %dma_start3A_87, %dma_start3A_88] : memref<112x1x128xi32, #tpu.memory_space<vmem>> -> memref<1x1x128xi32, #tpu.memory_space<vmem>>
        %dma_start3A_90 = tpu.memref_squeeze %dma_start3A_89 : memref<1x1x128xi32, #tpu.memory_space<vmem>> -> memref<128xi32, #tpu.memory_space<vmem>>
        %dma_start3A_91 = arith.constant 0 : i32
        %dma_start3A_92 = arith.constant 0 : i32
        %dma_start3A_93 = tpu.memref_slice %arg12[%dma_start3A_91, %dma_start3A_92] : memref<10112x128xf32, #tpu.memory_space<vmem_shared>> -> memref<10112x128xf32, #tpu.memory_space<vmem_shared>>
        tpu.enqueue_indirect_dma source(%arg10 : memref<128x128xf32, #tpu.memory_space<vmem>>) target(%dma_start3A_93 : memref<10112x128xf32, #tpu.memory_space<vmem_shared>>) offsets(%dma_start3A_90 : memref<128xi32, #tpu.memory_space<vmem>>) semaphore(%arg14 : memref<!tpu.dma_semaphore, #tpu.memory_space<semaphore_mem>>) {add = true}
      } else {
      }
      %eq3A_61 = arith.constant 1 : i32
      %eq3A_62 = arith.cmpi eq, %rem3A_55, %eq3A_61 : i32
      %convert_element_type3A_63 = arith.extui %eq3A_62 : i1 to i32
      %cond3A_64 = arith.constant 0 : i32
      %cond3A_65 = arith.cmpi ne, %convert_element_type3A_63, %cond3A_64 : i32
      scf.if %cond3A_65 {
        %ge3A = arith.constant 1 : i32
        %ge3A_66 = arith.cmpi sge, %while3A_53, %ge3A : i32
        %convert_element_type3A_67 = arith.extui %ge3A_66 : i1 to i32
        %cond3A_68 = arith.constant 0 : i32
        %cond3A_69 = arith.cmpi ne, %convert_element_type3A_67, %cond3A_68 : i32
        scf.if %cond3A_69 {
          %sub3A_94 = arith.constant 1 : i32
          %sub3A_95 = arith.subi %while3A_53, %sub3A_94 : i32
          %dma_wait3A_96 = arith.constant 0 : i32
          %dma_wait3A_97 = arith.constant 0 : i32
          %dma_wait3A_98 = tpu.memref_slice %arg9[%sub3A_95, %dma_wait3A_96, %dma_wait3A_97] : memref<112x1x128xi32, #tpu.memory_space<vmem>> -> memref<1x1x128xi32, #tpu.memory_space<vmem>>
          %dma_wait3A_99 = tpu.memref_squeeze %dma_wait3A_98 : memref<1x1x128xi32, #tpu.memory_space<vmem>> -> memref<128xi32, #tpu.memory_space<vmem>>
          %dma_wait3A_100 = arith.constant 0 : i32
          %dma_wait3A_101 = arith.constant 0 : i32
          %dma_wait3A_102 = tpu.memref_slice %arg12[%dma_wait3A_100, %dma_wait3A_101] : memref<10112x128xf32, #tpu.memory_space<vmem_shared>> -> memref<10112x128xf32, #tpu.memory_space<vmem_shared>>
          tpu.wait_indirect_dma semaphore(%arg14 : memref<!tpu.dma_semaphore, #tpu.memory_space<semaphore_mem>>) src(%arg10 : memref<128x128xf32, #tpu.memory_space<vmem>>) dst(%dma_wait3A_102 : memref<10112x128xf32, #tpu.memory_space<vmem_shared>>)
        } else {
        }
        %add3A_70 = arith.constant 1 : i32
        %add3A_71 = arith.addi %while3A_53, %add3A_70 : i32
        %lt3A = arith.cmpi slt, %add3A_71, %select_n3A : i32
        %convert_element_type3A_72 = arith.extui %lt3A : i1 to i32
        %cond3A_73 = arith.constant 0 : i32
        %cond3A_74 = arith.cmpi ne, %convert_element_type3A_72, %cond3A_73 : i32
        scf.if %cond3A_74 {
          %add3A_94 = arith.addi %select_n3A_8, %while3A_53 : i32
          %add3A_95 = arith.constant 1 : i32
          %add3A_96 = arith.addi %add3A_94, %add3A_95 : i32
          %dma_wait3A_97 = arith.constant 0 : i32
          %dma_wait3A_98 = arith.constant 0 : i32
          %dma_wait3A_99 = tpu.memref_slice %arg3[%add3A_96, %dma_wait3A_97, %dma_wait3A_98] : memref<2512x1x128xi32, #tpu.memory_space<hbm>> -> memref<1x1x128xi32, #tpu.memory_space<hbm>>
          %dma_wait3A_100 = tpu.memref_squeeze %dma_wait3A_99 : memref<1x1x128xi32, #tpu.memory_space<hbm>> -> memref<1x128xi32, #tpu.memory_space<hbm>>
          %dma_wait3A_101 = arith.constant 0 : i32
          %dma_wait3A_102 = arith.constant 0 : i32
          %dma_wait3A_103 = tpu.memref_slice %arg3[%add3A_96, %dma_wait3A_101, %dma_wait3A_102] : memref<2512x1x128xi32, #tpu.memory_space<hbm>> -> memref<1x1x128xi32, #tpu.memory_space<hbm>>
          %dma_wait3A_104 = tpu.memref_squeeze %dma_wait3A_103 : memref<1x1x128xi32, #tpu.memory_space<hbm>> -> memref<1x128xi32, #tpu.memory_space<hbm>>
          tpu.wait_dma2 semaphore(%arg15 : memref<!tpu.dma_semaphore, #tpu.memory_space<semaphore_mem>>) src(%dma_wait3A_104 : memref<1x128xi32, #tpu.memory_space<hbm>>) dst(%arg7 : memref<1x128xi32, #tpu.memory_space<vmem>>)
          %dma_start3A_105 = arith.constant 0 : i32
          %dma_start3A_106 = arith.constant 0 : i32
          %dma_start3A_107 = tpu.memref_slice %arg7[%dma_start3A_105, %dma_start3A_106] : memref<1x128xi32, #tpu.memory_space<vmem>> -> memref<1x128xi32, #tpu.memory_space<vmem>>
          %dma_start3A_108 = tpu.memref_squeeze %dma_start3A_107 : memref<1x128xi32, #tpu.memory_space<vmem>> -> memref<128xi32, #tpu.memory_space<vmem>>
          %dma_start3A_109 = arith.constant 0 : i32
          %dma_start3A_110 = arith.constant 0 : i32
          %dma_start3A_111 = tpu.memref_slice %arg2[%dma_start3A_109, %dma_start3A_110] : memref<10000x128xf32, #tpu.memory_space<hbm>> -> memref<10000x128xf32, #tpu.memory_space<hbm>>
          tpu.enqueue_indirect_dma source(%dma_start3A_111 : memref<10000x128xf32, #tpu.memory_space<hbm>>) target(%arg10 : memref<128x128xf32, #tpu.memory_space<vmem>>) offsets(%dma_start3A_108 : memref<128xi32, #tpu.memory_space<vmem>>) semaphore(%arg13 : memref<!tpu.dma_semaphore, #tpu.memory_space<semaphore_mem>>)
        } else {
        }
        %dma_wait3A = arith.constant 0 : i32
        %dma_wait3A_75 = arith.constant 0 : i32
        %dma_wait3A_76 = tpu.memref_slice %arg8[%dma_wait3A, %dma_wait3A_75] : memref<1x128xi32, #tpu.memory_space<vmem>> -> memref<1x128xi32, #tpu.memory_space<vmem>>
        %dma_wait3A_77 = tpu.memref_squeeze %dma_wait3A_76 : memref<1x128xi32, #tpu.memory_space<vmem>> -> memref<128xi32, #tpu.memory_space<vmem>>
        %dma_wait3A_78 = arith.constant 0 : i32
        %dma_wait3A_79 = arith.constant 0 : i32
        %dma_wait3A_80 = tpu.memref_slice %arg2[%dma_wait3A_78, %dma_wait3A_79] : memref<10000x128xf32, #tpu.memory_space<hbm>> -> memref<10000x128xf32, #tpu.memory_space<hbm>>
        tpu.wait_indirect_dma semaphore(%arg13 : memref<!tpu.dma_semaphore, #tpu.memory_space<semaphore_mem>>) src(%dma_wait3A_80 : memref<10000x128xf32, #tpu.memory_space<hbm>>) dst(%arg11 : memref<128x128xf32, #tpu.memory_space<vmem>>)
        %add3A_81 = arith.constant 2 : i32
        %add3A_82 = arith.addi %while3A_53, %add3A_81 : i32
        %lt3A_83 = arith.cmpi slt, %add3A_82, %select_n3A : i32
        %convert_element_type3A_84 = arith.extui %lt3A_83 : i1 to i32
        %cond3A_85 = arith.constant 0 : i32
        %cond3A_86 = arith.cmpi ne, %convert_element_type3A_84, %cond3A_85 : i32
        scf.if %cond3A_86 {
          %add3A_94 = arith.addi %select_n3A_8, %while3A_53 : i32
          %add3A_95 = arith.constant 2 : i32
          %add3A_96 = arith.addi %add3A_94, %add3A_95 : i32
          %dma_start3A_97 = arith.constant 0 : i32
          %dma_start3A_98 = arith.constant 0 : i32
          %dma_start3A_99 = tpu.memref_slice %arg3[%add3A_96, %dma_start3A_97, %dma_start3A_98] : memref<2512x1x128xi32, #tpu.memory_space<hbm>> -> memref<1x1x128xi32, #tpu.memory_space<hbm>>
          %dma_start3A_100 = tpu.memref_squeeze %dma_start3A_99 : memref<1x1x128xi32, #tpu.memory_space<hbm>> -> memref<1x128xi32, #tpu.memory_space<hbm>>
          %dma_start3A_101 = arith.constant 0 : i32
          %dma_start3A_102 = arith.constant 0 : i32
          %dma_start3A_103 = tpu.memref_slice %arg3[%add3A_96, %dma_start3A_101, %dma_start3A_102] : memref<2512x1x128xi32, #tpu.memory_space<hbm>> -> memref<1x1x128xi32, #tpu.memory_space<hbm>>
          %dma_start3A_104 = tpu.memref_squeeze %dma_start3A_103 : memref<1x1x128xi32, #tpu.memory_space<hbm>> -> memref<1x128xi32, #tpu.memory_space<hbm>>
          tpu.enqueue_dma source(%dma_start3A_104 : memref<1x128xi32, #tpu.memory_space<hbm>>) target(%arg8 : memref<1x128xi32, #tpu.memory_space<vmem>>) target_semaphore(%arg15 : memref<!tpu.dma_semaphore, #tpu.memory_space<semaphore_mem>>)
        } else {
        }
        %dma_start3A_87 = arith.constant 0 : i32
        %dma_start3A_88 = arith.constant 0 : i32
        %dma_start3A_89 = tpu.memref_slice %arg9[%while3A_53, %dma_start3A_87, %dma_start3A_88] : memref<112x1x128xi32, #tpu.memory_space<vmem>> -> memref<1x1x128xi32, #tpu.memory_space<vmem>>
        %dma_start3A_90 = tpu.memref_squeeze %dma_start3A_89 : memref<1x1x128xi32, #tpu.memory_space<vmem>> -> memref<128xi32, #tpu.memory_space<vmem>>
        %dma_start3A_91 = arith.constant 0 : i32
        %dma_start3A_92 = arith.constant 0 : i32
        %dma_start3A_93 = tpu.memref_slice %arg12[%dma_start3A_91, %dma_start3A_92] : memref<10112x128xf32, #tpu.memory_space<vmem_shared>> -> memref<10112x128xf32, #tpu.memory_space<vmem_shared>>
        tpu.enqueue_indirect_dma source(%arg11 : memref<128x128xf32, #tpu.memory_space<vmem>>) target(%dma_start3A_93 : memref<10112x128xf32, #tpu.memory_space<vmem_shared>>) offsets(%dma_start3A_90 : memref<128xi32, #tpu.memory_space<vmem>>) semaphore(%arg14 : memref<!tpu.dma_semaphore, #tpu.memory_space<semaphore_mem>>) {add = true}
      } else {
      }
    }
    %while3A_37 = arith.constant 1 : i32
    scf.for %while3A_53 = %while3A_35 to %while3A_31 step %while3A_37  : i32 {
      %rem3A_54 = arith.constant 2 : i32
      %rem3A_55 = arith.remsi %while3A_53, %rem3A_54 : i32
      %eq3A_56 = arith.constant 0 : i32
      %eq3A_57 = arith.cmpi eq, %rem3A_55, %eq3A_56 : i32
      %convert_element_type3A_58 = arith.extui %eq3A_57 : i1 to i32
      %cond3A_59 = arith.constant 0 : i32
      %cond3A_60 = arith.cmpi ne, %convert_element_type3A_58, %cond3A_59 : i32
      scf.if %cond3A_60 {
        %ge3A = arith.constant 1 : i32
        %ge3A_66 = arith.cmpi sge, %while3A_53, %ge3A : i32
        %convert_element_type3A_67 = arith.extui %ge3A_66 : i1 to i32
        %cond3A_68 = arith.constant 0 : i32
        %cond3A_69 = arith.cmpi ne, %convert_element_type3A_67, %cond3A_68 : i32
        scf.if %cond3A_69 {
          %sub3A_94 = arith.constant 1 : i32
          %sub3A_95 = arith.subi %while3A_53, %sub3A_94 : i32
          %dma_wait3A_96 = arith.constant 0 : i32
          %dma_wait3A_97 = arith.constant 0 : i32
          %dma_wait3A_98 = tpu.memref_slice %arg9[%sub3A_95, %dma_wait3A_96, %dma_wait3A_97] : memref<112x1x128xi32, #tpu.memory_space<vmem>> -> memref<1x1x128xi32, #tpu.memory_space<vmem>>
          %dma_wait3A_99 = tpu.memref_squeeze %dma_wait3A_98 : memref<1x1x128xi32, #tpu.memory_space<vmem>> -> memref<128xi32, #tpu.memory_space<vmem>>
          %dma_wait3A_100 = arith.constant 0 : i32
          %dma_wait3A_101 = arith.constant 0 : i32
          %dma_wait3A_102 = tpu.memref_slice %arg12[%dma_wait3A_100, %dma_wait3A_101] : memref<10112x128xf32, #tpu.memory_space<vmem_shared>> -> memref<10112x128xf32, #tpu.memory_space<vmem_shared>>
          tpu.wait_indirect_dma semaphore(%arg14 : memref<!tpu.dma_semaphore, #tpu.memory_space<semaphore_mem>>) src(%arg11 : memref<128x128xf32, #tpu.memory_space<vmem>>) dst(%dma_wait3A_102 : memref<10112x128xf32, #tpu.memory_space<vmem_shared>>)
        } else {
        }
        %add3A_70 = arith.constant 1 : i32
        %add3A_71 = arith.addi %while3A_53, %add3A_70 : i32
        %lt3A = arith.cmpi slt, %add3A_71, %select_n3A : i32
        %convert_element_type3A_72 = arith.extui %lt3A : i1 to i32
        %cond3A_73 = arith.constant 0 : i32
        %cond3A_74 = arith.cmpi ne, %convert_element_type3A_72, %cond3A_73 : i32
        scf.if %cond3A_74 {
          %add3A_94 = arith.addi %select_n3A_8, %while3A_53 : i32
          %add3A_95 = arith.constant 1 : i32
          %add3A_96 = arith.addi %add3A_94, %add3A_95 : i32
          %dma_wait3A_97 = arith.constant 0 : i32
          %dma_wait3A_98 = arith.constant 0 : i32
          %dma_wait3A_99 = tpu.memref_slice %arg3[%add3A_96, %dma_wait3A_97, %dma_wait3A_98] : memref<2512x1x128xi32, #tpu.memory_space<hbm>> -> memref<1x1x128xi32, #tpu.memory_space<hbm>>
          %dma_wait3A_100 = tpu.memref_squeeze %dma_wait3A_99 : memref<1x1x128xi32, #tpu.memory_space<hbm>> -> memref<1x128xi32, #tpu.memory_space<hbm>>
          %dma_wait3A_101 = arith.constant 0 : i32
          %dma_wait3A_102 = arith.constant 0 : i32
          %dma_wait3A_103 = tpu.memref_slice %arg3[%add3A_96, %dma_wait3A_101, %dma_wait3A_102] : memref<2512x1x128xi32, #tpu.memory_space<hbm>> -> memref<1x1x128xi32, #tpu.memory_space<hbm>>
          %dma_wait3A_104 = tpu.memref_squeeze %dma_wait3A_103 : memref<1x1x128xi32, #tpu.memory_space<hbm>> -> memref<1x128xi32, #tpu.memory_space<hbm>>
          tpu.wait_dma2 semaphore(%arg15 : memref<!tpu.dma_semaphore, #tpu.memory_space<semaphore_mem>>) src(%dma_wait3A_104 : memref<1x128xi32, #tpu.memory_space<hbm>>) dst(%arg8 : memref<1x128xi32, #tpu.memory_space<vmem>>)
          %dma_start3A_105 = arith.constant 0 : i32
          %dma_start3A_106 = arith.constant 0 : i32
          %dma_start3A_107 = tpu.memref_slice %arg8[%dma_start3A_105, %dma_start3A_106] : memref<1x128xi32, #tpu.memory_space<vmem>> -> memref<1x128xi32, #tpu.memory_space<vmem>>
          %dma_start3A_108 = tpu.memref_squeeze %dma_start3A_107 : memref<1x128xi32, #tpu.memory_space<vmem>> -> memref<128xi32, #tpu.memory_space<vmem>>
          %dma_start3A_109 = arith.constant 0 : i32
          %dma_start3A_110 = arith.constant 0 : i32
          %dma_start3A_111 = tpu.memref_slice %arg2[%dma_start3A_109, %dma_start3A_110] : memref<10000x128xf32, #tpu.memory_space<hbm>> -> memref<10000x128xf32, #tpu.memory_space<hbm>>
          tpu.enqueue_indirect_dma source(%dma_start3A_111 : memref<10000x128xf32, #tpu.memory_space<hbm>>) target(%arg11 : memref<128x128xf32, #tpu.memory_space<vmem>>) offsets(%dma_start3A_108 : memref<128xi32, #tpu.memory_space<vmem>>) semaphore(%arg13 : memref<!tpu.dma_semaphore, #tpu.memory_space<semaphore_mem>>)
        } else {
        }
        %dma_wait3A = arith.constant 0 : i32
        %dma_wait3A_75 = arith.constant 0 : i32
        %dma_wait3A_76 = tpu.memref_slice %arg7[%dma_wait3A, %dma_wait3A_75] : memref<1x128xi32, #tpu.memory_space<vmem>> -> memref<1x128xi32, #tpu.memory_space<vmem>>
        %dma_wait3A_77 = tpu.memref_squeeze %dma_wait3A_76 : memref<1x128xi32, #tpu.memory_space<vmem>> -> memref<128xi32, #tpu.memory_space<vmem>>
        %dma_wait3A_78 = arith.constant 0 : i32
        %dma_wait3A_79 = arith.constant 0 : i32
        %dma_wait3A_80 = tpu.memref_slice %arg2[%dma_wait3A_78, %dma_wait3A_79] : memref<10000x128xf32, #tpu.memory_space<hbm>> -> memref<10000x128xf32, #tpu.memory_space<hbm>>
        tpu.wait_indirect_dma semaphore(%arg13 : memref<!tpu.dma_semaphore, #tpu.memory_space<semaphore_mem>>) src(%dma_wait3A_80 : memref<10000x128xf32, #tpu.memory_space<hbm>>) dst(%arg10 : memref<128x128xf32, #tpu.memory_space<vmem>>)
        %add3A_81 = arith.constant 2 : i32
        %add3A_82 = arith.addi %while3A_53, %add3A_81 : i32
        %lt3A_83 = arith.cmpi slt, %add3A_82, %select_n3A : i32
        %convert_element_type3A_84 = arith.extui %lt3A_83 : i1 to i32
        %cond3A_85 = arith.constant 0 : i32
        %cond3A_86 = arith.cmpi ne, %convert_element_type3A_84, %cond3A_85 : i32
        scf.if %cond3A_86 {
          %add3A_94 = arith.addi %select_n3A_8, %while3A_53 : i32
          %add3A_95 = arith.constant 2 : i32
          %add3A_96 = arith.addi %add3A_94, %add3A_95 : i32
          %dma_start3A_97 = arith.constant 0 : i32
          %dma_start3A_98 = arith.constant 0 : i32
          %dma_start3A_99 = tpu.memref_slice %arg3[%add3A_96, %dma_start3A_97, %dma_start3A_98] : memref<2512x1x128xi32, #tpu.memory_space<hbm>> -> memref<1x1x128xi32, #tpu.memory_space<hbm>>
          %dma_start3A_100 = tpu.memref_squeeze %dma_start3A_99 : memref<1x1x128xi32, #tpu.memory_space<hbm>> -> memref<1x128xi32, #tpu.memory_space<hbm>>
          %dma_start3A_101 = arith.constant 0 : i32
          %dma_start3A_102 = arith.constant 0 : i32
          %dma_start3A_103 = tpu.memref_slice %arg3[%add3A_96, %dma_start3A_101, %dma_start3A_102] : memref<2512x1x128xi32, #tpu.memory_space<hbm>> -> memref<1x1x128xi32, #tpu.memory_space<hbm>>
          %dma_start3A_104 = tpu.memref_squeeze %dma_start3A_103 : memref<1x1x128xi32, #tpu.memory_space<hbm>> -> memref<1x128xi32, #tpu.memory_space<hbm>>
          tpu.enqueue_dma source(%dma_start3A_104 : memref<1x128xi32, #tpu.memory_space<hbm>>) target(%arg7 : memref<1x128xi32, #tpu.memory_space<vmem>>) target_semaphore(%arg15 : memref<!tpu.dma_semaphore, #tpu.memory_space<semaphore_mem>>)
        } else {
        }
        %dma_start3A_87 = arith.constant 0 : i32
        %dma_start3A_88 = arith.constant 0 : i32
        %dma_start3A_89 = tpu.memref_slice %arg9[%while3A_53, %dma_start3A_87, %dma_start3A_88] : memref<112x1x128xi32, #tpu.memory_space<vmem>> -> memref<1x1x128xi32, #tpu.memory_space<vmem>>
        %dma_start3A_90 = tpu.memref_squeeze %dma_start3A_89 : memref<1x1x128xi32, #tpu.memory_space<vmem>> -> memref<128xi32, #tpu.memory_space<vmem>>
        %dma_start3A_91 = arith.constant 0 : i32
        %dma_start3A_92 = arith.constant 0 : i32
        %dma_start3A_93 = tpu.memref_slice %arg12[%dma_start3A_91, %dma_start3A_92] : memref<10112x128xf32, #tpu.memory_space<vmem_shared>> -> memref<10112x128xf32, #tpu.memory_space<vmem_shared>>
        tpu.enqueue_indirect_dma source(%arg10 : memref<128x128xf32, #tpu.memory_space<vmem>>) target(%dma_start3A_93 : memref<10112x128xf32, #tpu.memory_space<vmem_shared>>) offsets(%dma_start3A_90 : memref<128xi32, #tpu.memory_space<vmem>>) semaphore(%arg14 : memref<!tpu.dma_semaphore, #tpu.memory_space<semaphore_mem>>) {add = true}
      } else {
      }
      %eq3A_61 = arith.constant 1 : i32
      %eq3A_62 = arith.cmpi eq, %rem3A_55, %eq3A_61 : i32
      %convert_element_type3A_63 = arith.extui %eq3A_62 : i1 to i32
      %cond3A_64 = arith.constant 0 : i32
      %cond3A_65 = arith.cmpi ne, %convert_element_type3A_63, %cond3A_64 : i32
      scf.if %cond3A_65 {
        %ge3A = arith.constant 1 : i32
        %ge3A_66 = arith.cmpi sge, %while3A_53, %ge3A : i32
        %convert_element_type3A_67 = arith.extui %ge3A_66 : i1 to i32
        %cond3A_68 = arith.constant 0 : i32
        %cond3A_69 = arith.cmpi ne, %convert_element_type3A_67, %cond3A_68 : i32
        scf.if %cond3A_69 {
          %sub3A_94 = arith.constant 1 : i32
          %sub3A_95 = arith.subi %while3A_53, %sub3A_94 : i32
          %dma_wait3A_96 = arith.constant 0 : i32
          %dma_wait3A_97 = arith.constant 0 : i32
          %dma_wait3A_98 = tpu.memref_slice %arg9[%sub3A_95, %dma_wait3A_96, %dma_wait3A_97] : memref<112x1x128xi32, #tpu.memory_space<vmem>> -> memref<1x1x128xi32, #tpu.memory_space<vmem>>
          %dma_wait3A_99 = tpu.memref_squeeze %dma_wait3A_98 : memref<1x1x128xi32, #tpu.memory_space<vmem>> -> memref<128xi32, #tpu.memory_space<vmem>>
          %dma_wait3A_100 = arith.constant 0 : i32
          %dma_wait3A_101 = arith.constant 0 : i32
          %dma_wait3A_102 = tpu.memref_slice %arg12[%dma_wait3A_100, %dma_wait3A_101] : memref<10112x128xf32, #tpu.memory_space<vmem_shared>> -> memref<10112x128xf32, #tpu.memory_space<vmem_shared>>
          tpu.wait_indirect_dma semaphore(%arg14 : memref<!tpu.dma_semaphore, #tpu.memory_space<semaphore_mem>>) src(%arg10 : memref<128x128xf32, #tpu.memory_space<vmem>>) dst(%dma_wait3A_102 : memref<10112x128xf32, #tpu.memory_space<vmem_shared>>)
        } else {
        }
        %add3A_70 = arith.constant 1 : i32
        %add3A_71 = arith.addi %while3A_53, %add3A_70 : i32
        %lt3A = arith.cmpi slt, %add3A_71, %select_n3A : i32
        %convert_element_type3A_72 = arith.extui %lt3A : i1 to i32
        %cond3A_73 = arith.constant 0 : i32
        %cond3A_74 = arith.cmpi ne, %convert_element_type3A_72, %cond3A_73 : i32
        scf.if %cond3A_74 {
          %add3A_94 = arith.addi %select_n3A_8, %while3A_53 : i32
          %add3A_95 = arith.constant 1 : i32
          %add3A_96 = arith.addi %add3A_94, %add3A_95 : i32
          %dma_wait3A_97 = arith.constant 0 : i32
          %dma_wait3A_98 = arith.constant 0 : i32
          %dma_wait3A_99 = tpu.memref_slice %arg3[%add3A_96, %dma_wait3A_97, %dma_wait3A_98] : memref<2512x1x128xi32, #tpu.memory_space<hbm>> -> memref<1x1x128xi32, #tpu.memory_space<hbm>>
          %dma_wait3A_100 = tpu.memref_squeeze %dma_wait3A_99 : memref<1x1x128xi32, #tpu.memory_space<hbm>> -> memref<1x128xi32, #tpu.memory_space<hbm>>
          %dma_wait3A_101 = arith.constant 0 : i32
          %dma_wait3A_102 = arith.constant 0 : i32
          %dma_wait3A_103 = tpu.memref_slice %arg3[%add3A_96, %dma_wait3A_101, %dma_wait3A_102] : memref<2512x1x128xi32, #tpu.memory_space<hbm>> -> memref<1x1x128xi32, #tpu.memory_space<hbm>>
          %dma_wait3A_104 = tpu.memref_squeeze %dma_wait3A_103 : memref<1x1x128xi32, #tpu.memory_space<hbm>> -> memref<1x128xi32, #tpu.memory_space<hbm>>
          tpu.wait_dma2 semaphore(%arg15 : memref<!tpu.dma_semaphore, #tpu.memory_space<semaphore_mem>>) src(%dma_wait3A_104 : memref<1x128xi32, #tpu.memory_space<hbm>>) dst(%arg7 : memref<1x128xi32, #tpu.memory_space<vmem>>)
          %dma_start3A_105 = arith.constant 0 : i32
          %dma_start3A_106 = arith.constant 0 : i32
          %dma_start3A_107 = tpu.memref_slice %arg7[%dma_start3A_105, %dma_start3A_106] : memref<1x128xi32, #tpu.memory_space<vmem>> -> memref<1x128xi32, #tpu.memory_space<vmem>>
          %dma_start3A_108 = tpu.memref_squeeze %dma_start3A_107 : memref<1x128xi32, #tpu.memory_space<vmem>> -> memref<128xi32, #tpu.memory_space<vmem>>
          %dma_start3A_109 = arith.constant 0 : i32
          %dma_start3A_110 = arith.constant 0 : i32
          %dma_start3A_111 = tpu.memref_slice %arg2[%dma_start3A_109, %dma_start3A_110] : memref<10000x128xf32, #tpu.memory_space<hbm>> -> memref<10000x128xf32, #tpu.memory_space<hbm>>
          tpu.enqueue_indirect_dma source(%dma_start3A_111 : memref<10000x128xf32, #tpu.memory_space<hbm>>) target(%arg10 : memref<128x128xf32, #tpu.memory_space<vmem>>) offsets(%dma_start3A_108 : memref<128xi32, #tpu.memory_space<vmem>>) semaphore(%arg13 : memref<!tpu.dma_semaphore, #tpu.memory_space<semaphore_mem>>)
        } else {
        }
        %dma_wait3A = arith.constant 0 : i32
        %dma_wait3A_75 = arith.constant 0 : i32
        %dma_wait3A_76 = tpu.memref_slice %arg8[%dma_wait3A, %dma_wait3A_75] : memref<1x128xi32, #tpu.memory_space<vmem>> -> memref<1x128xi32, #tpu.memory_space<vmem>>
        %dma_wait3A_77 = tpu.memref_squeeze %dma_wait3A_76 : memref<1x128xi32, #tpu.memory_space<vmem>> -> memref<128xi32, #tpu.memory_space<vmem>>
        %dma_wait3A_78 = arith.constant 0 : i32
        %dma_wait3A_79 = arith.constant 0 : i32
        %dma_wait3A_80 = tpu.memref_slice %arg2[%dma_wait3A_78, %dma_wait3A_79] : memref<10000x128xf32, #tpu.memory_space<hbm>> -> memref<10000x128xf32, #tpu.memory_space<hbm>>
        tpu.wait_indirect_dma semaphore(%arg13 : memref<!tpu.dma_semaphore, #tpu.memory_space<semaphore_mem>>) src(%dma_wait3A_80 : memref<10000x128xf32, #tpu.memory_space<hbm>>) dst(%arg11 : memref<128x128xf32, #tpu.memory_space<vmem>>)
        %add3A_81 = arith.constant 2 : i32
        %add3A_82 = arith.addi %while3A_53, %add3A_81 : i32
        %lt3A_83 = arith.cmpi slt, %add3A_82, %select_n3A : i32
        %convert_element_type3A_84 = arith.extui %lt3A_83 : i1 to i32
        %cond3A_85 = arith.constant 0 : i32
        %cond3A_86 = arith.cmpi ne, %convert_element_type3A_84, %cond3A_85 : i32
        scf.if %cond3A_86 {
          %add3A_94 = arith.addi %select_n3A_8, %while3A_53 : i32
          %add3A_95 = arith.constant 2 : i32
          %add3A_96 = arith.addi %add3A_94, %add3A_95 : i32
          %dma_start3A_97 = arith.constant 0 : i32
          %dma_start3A_98 = arith.constant 0 : i32
          %dma_start3A_99 = tpu.memref_slice %arg3[%add3A_96, %dma_start3A_97, %dma_start3A_98] : memref<2512x1x128xi32, #tpu.memory_space<hbm>> -> memref<1x1x128xi32, #tpu.memory_space<hbm>>
          %dma_start3A_100 = tpu.memref_squeeze %dma_start3A_99 : memref<1x1x128xi32, #tpu.memory_space<hbm>> -> memref<1x128xi32, #tpu.memory_space<hbm>>
          %dma_start3A_101 = arith.constant 0 : i32
          %dma_start3A_102 = arith.constant 0 : i32
          %dma_start3A_103 = tpu.memref_slice %arg3[%add3A_96, %dma_start3A_101, %dma_start3A_102] : memref<2512x1x128xi32, #tpu.memory_space<hbm>> -> memref<1x1x128xi32, #tpu.memory_space<hbm>>
          %dma_start3A_104 = tpu.memref_squeeze %dma_start3A_103 : memref<1x1x128xi32, #tpu.memory_space<hbm>> -> memref<1x128xi32, #tpu.memory_space<hbm>>
          tpu.enqueue_dma source(%dma_start3A_104 : memref<1x128xi32, #tpu.memory_space<hbm>>) target(%arg8 : memref<1x128xi32, #tpu.memory_space<vmem>>) target_semaphore(%arg15 : memref<!tpu.dma_semaphore, #tpu.memory_space<semaphore_mem>>)
        } else {
        }
        %dma_start3A_87 = arith.constant 0 : i32
        %dma_start3A_88 = arith.constant 0 : i32
        %dma_start3A_89 = tpu.memref_slice %arg9[%while3A_53, %dma_start3A_87, %dma_start3A_88] : memref<112x1x128xi32, #tpu.memory_space<vmem>> -> memref<1x1x128xi32, #tpu.memory_space<vmem>>
        %dma_start3A_90 = tpu.memref_squeeze %dma_start3A_89 : memref<1x1x128xi32, #tpu.memory_space<vmem>> -> memref<128xi32, #tpu.memory_space<vmem>>
        %dma_start3A_91 = arith.constant 0 : i32
        %dma_start3A_92 = arith.constant 0 : i32
        %dma_start3A_93 = tpu.memref_slice %arg12[%dma_start3A_91, %dma_start3A_92] : memref<10112x128xf32, #tpu.memory_space<vmem_shared>> -> memref<10112x128xf32, #tpu.memory_space<vmem_shared>>
        tpu.enqueue_indirect_dma source(%arg11 : memref<128x128xf32, #tpu.memory_space<vmem>>) target(%dma_start3A_93 : memref<10112x128xf32, #tpu.memory_space<vmem_shared>>) offsets(%dma_start3A_90 : memref<128xi32, #tpu.memory_space<vmem>>) semaphore(%arg14 : memref<!tpu.dma_semaphore, #tpu.memory_space<semaphore_mem>>) {add = true}
      } else {
      }
    }
    %sub3A = arith.constant 1 : i32
    %sub3A_38 = arith.subi %select_n3A, %sub3A : i32
    %rem3A = arith.constant 2 : i32
    %rem3A_39 = arith.remsi %sub3A_38, %rem3A : i32
    %eq3A_40 = arith.constant 0 : i32
    %eq3A_41 = arith.cmpi eq, %rem3A_39, %eq3A_40 : i32
    %convert_element_type3A_42 = arith.extui %eq3A_41 : i1 to i32
    %cond3A_43 = arith.constant 0 : i32
    %cond3A_44 = arith.cmpi ne, %convert_element_type3A_42, %cond3A_43 : i32
    scf.if %cond3A_44 {
      %dma_wait3A = arith.constant 0 : i32
      %dma_wait3A_53 = arith.constant 0 : i32
      %dma_wait3A_54 = tpu.memref_slice %arg9[%sub3A_38, %dma_wait3A, %dma_wait3A_53] : memref<112x1x128xi32, #tpu.memory_space<vmem>> -> memref<1x1x128xi32, #tpu.memory_space<vmem>>
      %dma_wait3A_55 = tpu.memref_squeeze %dma_wait3A_54 : memref<1x1x128xi32, #tpu.memory_space<vmem>> -> memref<128xi32, #tpu.memory_space<vmem>>
      %dma_wait3A_56 = arith.constant 0 : i32
      %dma_wait3A_57 = arith.constant 0 : i32
      %dma_wait3A_58 = tpu.memref_slice %arg12[%dma_wait3A_56, %dma_wait3A_57] : memref<10112x128xf32, #tpu.memory_space<vmem_shared>> -> memref<10112x128xf32, #tpu.memory_space<vmem_shared>>
      tpu.wait_indirect_dma semaphore(%arg14 : memref<!tpu.dma_semaphore, #tpu.memory_space<semaphore_mem>>) src(%arg10 : memref<128x128xf32, #tpu.memory_space<vmem>>) dst(%dma_wait3A_58 : memref<10112x128xf32, #tpu.memory_space<vmem_shared>>)
    } else {
    }
    %rem3A_45 = arith.constant 2 : i32
    %rem3A_46 = arith.remsi %sub3A_38, %rem3A_45 : i32
    %eq3A_47 = arith.constant 1 : i32
    %eq3A_48 = arith.cmpi eq, %rem3A_46, %eq3A_47 : i32
    %convert_element_type3A_49 = arith.extui %eq3A_48 : i1 to i32
    %cond3A_50 = arith.constant 0 : i32
    %cond3A_51 = arith.cmpi ne, %convert_element_type3A_49, %cond3A_50 : i32
    scf.if %cond3A_51 {
      %dma_wait3A = arith.constant 0 : i32
      %dma_wait3A_53 = arith.constant 0 : i32
      %dma_wait3A_54 = tpu.memref_slice %arg9[%sub3A_38, %dma_wait3A, %dma_wait3A_53] : memref<112x1x128xi32, #tpu.memory_space<vmem>> -> memref<1x1x128xi32, #tpu.memory_space<vmem>>
      %dma_wait3A_55 = tpu.memref_squeeze %dma_wait3A_54 : memref<1x1x128xi32, #tpu.memory_space<vmem>> -> memref<128xi32, #tpu.memory_space<vmem>>
      %dma_wait3A_56 = arith.constant 0 : i32
      %dma_wait3A_57 = arith.constant 0 : i32
      %dma_wait3A_58 = tpu.memref_slice %arg12[%dma_wait3A_56, %dma_wait3A_57] : memref<10112x128xf32, #tpu.memory_space<vmem_shared>> -> memref<10112x128xf32, #tpu.memory_space<vmem_shared>>
      tpu.wait_indirect_dma semaphore(%arg14 : memref<!tpu.dma_semaphore, #tpu.memory_space<semaphore_mem>>) src(%arg11 : memref<128x128xf32, #tpu.memory_space<vmem>>) dst(%dma_wait3A_58 : memref<10112x128xf32, #tpu.memory_space<vmem_shared>>)
    } else {
    }
    %barrier3A_52 = arith.constant 0 : index
    tpu.barrier barrier_id(%barrier3A_52)
    "tpu.region"() ({
      %run_scoped3A = tpu.sem_alloc : memref<!tpu.dma_semaphore, #tpu.memory_space<semaphore_mem>>
      %dma_start3A_53 = arith.constant 0 : i32
      %dma_start3A_54 = tpu.memref_slice %arg6[%arg0, %mul3A_10, %dma_start3A_53] : memref<2x10112x128xf32, #tpu.memory_space<hbm>> -> memref<1x632x128xf32, #tpu.memory_space<hbm>>
      %dma_start3A_55 = tpu.memref_squeeze %dma_start3A_54 : memref<1x632x128xf32, #tpu.memory_space<hbm>> -> memref<632x128xf32, #tpu.memory_space<hbm>>
      %dma_start3A_56 = arith.constant 0 : i32
      %dma_start3A_57 = tpu.memref_slice %arg12[%mul3A_10, %dma_start3A_56] : memref<10112x128xf32, #tpu.memory_space<vmem_shared>> -> memref<632x128xf32, #tpu.memory_space<vmem_shared>>
      tpu.enqueue_dma source(%dma_start3A_57 : memref<632x128xf32, #tpu.memory_space<vmem_shared>>) target(%dma_start3A_55 : memref<632x128xf32, #tpu.memory_space<hbm>>) target_semaphore(%run_scoped3A : memref<!tpu.dma_semaphore, #tpu.memory_space<semaphore_mem>>)
      %dma_wait3A = arith.constant 0 : i32
      %dma_wait3A_58 = tpu.memref_slice %arg6[%arg0, %mul3A_10, %dma_wait3A] : memref<2x10112x128xf32, #tpu.memory_space<hbm>> -> memref<1x632x128xf32, #tpu.memory_space<hbm>>
      %dma_wait3A_59 = tpu.memref_squeeze %dma_wait3A_58 : memref<1x632x128xf32, #tpu.memory_space<hbm>> -> memref<632x128xf32, #tpu.memory_space<hbm>>
      %dma_wait3A_60 = arith.constant 0 : i32
      %dma_wait3A_61 = tpu.memref_slice %arg12[%mul3A_10, %dma_wait3A_60] : memref<10112x128xf32, #tpu.memory_space<vmem_shared>> -> memref<632x128xf32, #tpu.memory_space<vmem_shared>>
      tpu.wait_dma2 semaphore(%run_scoped3A : memref<!tpu.dma_semaphore, #tpu.memory_space<semaphore_mem>>) src(%dma_wait3A_61 : memref<632x128xf32, #tpu.memory_space<vmem_shared>>) dst(%dma_wait3A_59 : memref<632x128xf32, #tpu.memory_space<hbm>>)
      tpu.yield
    }) : () -> ()
    return
  }
}

#map = affine_map<(d0, d1) -> (0, 0, 0)>
#map1 = affine_map<(d0, d1) -> (0)>
#map2 = affine_map<(d0, d1) -> (0, 0)>
module attributes {stable_mosaic.version = 14 : i64} {
  func.func @deg(%arg0: i32, %arg1: i32, %arg2: memref<2512x1x128xi32, #tpu.memory_space<hbm>>, %arg3: memref<128xf32, #tpu.memory_space<hbm>>, %arg4: memref<12288xf32, #tpu.memory_space<hbm>>, %arg5: memref<2x12288xf32, #tpu.memory_space<hbm>>, %arg6: memref<79x1x128xi32, #tpu.memory_space<vmem>>, %arg7: memref<128xf32, #tpu.memory_space<vmem>>, %arg8: memref<12288xf32, #tpu.memory_space<vmem_shared>>, %arg9: memref<!tpu.dma_semaphore, #tpu.memory_space<semaphore_mem>>) attributes {dimension_semantics = [#tpu.dimension_semantics<core_parallel>, #tpu.dimension_semantics<subcore_parallel>], iteration_bounds = array<i64: 2, 16>, scalar_prefetch = 0 : i64, scratch_operands = 4 : i64, tpu.core_type = #tpu.core_type<sc_vector_subcore>, window_params = [{transform_indices = #map}, {transform_indices = #map1}, {transform_indices = #map1}, {transform_indices = #map2}]} {
    %eq3A = arith.constant 0 : i32
    %eq3A_0 = arith.cmpi eq, %arg0, %eq3A : i32
    %jit3A = arith.constant 78 : i32
    %jit3A_1 = arith.constant 79 : i32
    %select_n3A = arith.select %eq3A_0, %jit3A, %jit3A_1 : i32
    %eq3A_2 = arith.constant 0 : i32
    %eq3A_3 = arith.cmpi eq, %arg0, %eq3A_2 : i32
    %mul3A = arith.constant 78 : i32
    %mul3A_4 = arith.muli %arg1, %mul3A : i32
    %mul3A_5 = arith.constant 79 : i32
    %mul3A_6 = arith.muli %arg1, %mul3A_5 : i32
    %add3A = arith.constant 1248 : i32
    %add3A_7 = arith.addi %add3A, %mul3A_6 : i32
    %select_n3A_8 = arith.select %eq3A_3, %mul3A_4, %add3A_7 : i32
    %mul3A_9 = arith.constant 768 : i32
    %mul3A_10 = arith.muli %arg1, %mul3A_9 : i32
    %eq3A_11 = arith.constant 0 : i32
    %eq3A_12 = arith.cmpi eq, %arg0, %eq3A_11 : i32
    %convert_element_type3A = arith.extui %eq3A_12 : i1 to i32
    %cond3A = arith.constant 0 : i32
    %cond3A_13 = arith.cmpi ne, %convert_element_type3A, %cond3A : i32
    scf.if %cond3A_13 {
      %mul3A_40 = arith.constant 78 : i32
      %mul3A_41 = arith.muli %arg1, %mul3A_40 : i32
      "tpu.region"() ({
        %run_scoped3A = tpu.sem_alloc : memref<!tpu.dma_semaphore, #tpu.memory_space<semaphore_mem>>
        %dma_start3A = arith.constant 0 : i32
        %dma_start3A_42 = arith.constant 0 : i32
        %dma_start3A_43 = arith.constant 0 : i32
        %dma_start3A_44 = tpu.memref_slice %arg6[%dma_start3A, %dma_start3A_42, %dma_start3A_43] : memref<79x1x128xi32, #tpu.memory_space<vmem>> -> memref<78x1x128xi32, #tpu.memory_space<vmem>>
        %dma_start3A_45 = arith.constant 0 : i32
        %dma_start3A_46 = arith.constant 0 : i32
        %dma_start3A_47 = tpu.memref_slice %arg2[%mul3A_41, %dma_start3A_45, %dma_start3A_46] : memref<2512x1x128xi32, #tpu.memory_space<hbm>> -> memref<78x1x128xi32, #tpu.memory_space<hbm>>
        %dma_start3A_48 = arith.constant 0 : i32
        %dma_start3A_49 = arith.constant 0 : i32
        %dma_start3A_50 = arith.constant 0 : i32
        %dma_start3A_51 = tpu.memref_slice %arg6[%dma_start3A_48, %dma_start3A_49, %dma_start3A_50] : memref<79x1x128xi32, #tpu.memory_space<vmem>> -> memref<78x1x128xi32, #tpu.memory_space<vmem>>
        %dma_start3A_52 = arith.constant 0 : i32
        %dma_start3A_53 = arith.constant 0 : i32
        %dma_start3A_54 = tpu.memref_slice %arg2[%mul3A_41, %dma_start3A_52, %dma_start3A_53] : memref<2512x1x128xi32, #tpu.memory_space<hbm>> -> memref<78x1x128xi32, #tpu.memory_space<hbm>>
        tpu.enqueue_dma source(%dma_start3A_54 : memref<78x1x128xi32, #tpu.memory_space<hbm>>) target(%dma_start3A_51 : memref<78x1x128xi32, #tpu.memory_space<vmem>>) target_semaphore(%run_scoped3A : memref<!tpu.dma_semaphore, #tpu.memory_space<semaphore_mem>>)
        %dma_wait3A = arith.constant 0 : i32
        %dma_wait3A_55 = arith.constant 0 : i32
        %dma_wait3A_56 = arith.constant 0 : i32
        %dma_wait3A_57 = tpu.memref_slice %arg6[%dma_wait3A, %dma_wait3A_55, %dma_wait3A_56] : memref<79x1x128xi32, #tpu.memory_space<vmem>> -> memref<78x1x128xi32, #tpu.memory_space<vmem>>
        %dma_wait3A_58 = arith.constant 0 : i32
        %dma_wait3A_59 = arith.constant 0 : i32
        %dma_wait3A_60 = tpu.memref_slice %arg2[%mul3A_41, %dma_wait3A_58, %dma_wait3A_59] : memref<2512x1x128xi32, #tpu.memory_space<hbm>> -> memref<78x1x128xi32, #tpu.memory_space<hbm>>
        %dma_wait3A_61 = arith.constant 0 : i32
        %dma_wait3A_62 = arith.constant 0 : i32
        %dma_wait3A_63 = arith.constant 0 : i32
        %dma_wait3A_64 = tpu.memref_slice %arg6[%dma_wait3A_61, %dma_wait3A_62, %dma_wait3A_63] : memref<79x1x128xi32, #tpu.memory_space<vmem>> -> memref<78x1x128xi32, #tpu.memory_space<vmem>>
        %dma_wait3A_65 = arith.constant 0 : i32
        %dma_wait3A_66 = arith.constant 0 : i32
        %dma_wait3A_67 = tpu.memref_slice %arg2[%mul3A_41, %dma_wait3A_65, %dma_wait3A_66] : memref<2512x1x128xi32, #tpu.memory_space<hbm>> -> memref<78x1x128xi32, #tpu.memory_space<hbm>>
        tpu.wait_dma2 semaphore(%run_scoped3A : memref<!tpu.dma_semaphore, #tpu.memory_space<semaphore_mem>>) src(%dma_wait3A_67 : memref<78x1x128xi32, #tpu.memory_space<hbm>>) dst(%dma_wait3A_64 : memref<78x1x128xi32, #tpu.memory_space<vmem>>)
        tpu.yield
      }) : () -> ()
    } else {
    }
    %eq3A_14 = arith.constant 1 : i32
    %eq3A_15 = arith.cmpi eq, %arg0, %eq3A_14 : i32
    %convert_element_type3A_16 = arith.extui %eq3A_15 : i1 to i32
    %cond3A_17 = arith.constant 0 : i32
    %cond3A_18 = arith.cmpi ne, %convert_element_type3A_16, %cond3A_17 : i32
    scf.if %cond3A_18 {
      %mul3A_40 = arith.constant 79 : i32
      %mul3A_41 = arith.muli %arg1, %mul3A_40 : i32
      %add3A_42 = arith.constant 1248 : i32
      %add3A_43 = arith.addi %add3A_42, %mul3A_41 : i32
      "tpu.region"() ({
        %run_scoped3A = tpu.sem_alloc : memref<!tpu.dma_semaphore, #tpu.memory_space<semaphore_mem>>
        %dma_start3A = arith.constant 0 : i32
        %dma_start3A_44 = arith.constant 0 : i32
        %dma_start3A_45 = arith.constant 0 : i32
        %dma_start3A_46 = tpu.memref_slice %arg6[%dma_start3A, %dma_start3A_44, %dma_start3A_45] : memref<79x1x128xi32, #tpu.memory_space<vmem>> -> memref<79x1x128xi32, #tpu.memory_space<vmem>>
        %dma_start3A_47 = arith.constant 0 : i32
        %dma_start3A_48 = arith.constant 0 : i32
        %dma_start3A_49 = tpu.memref_slice %arg2[%add3A_43, %dma_start3A_47, %dma_start3A_48] : memref<2512x1x128xi32, #tpu.memory_space<hbm>> -> memref<79x1x128xi32, #tpu.memory_space<hbm>>
        %dma_start3A_50 = arith.constant 0 : i32
        %dma_start3A_51 = arith.constant 0 : i32
        %dma_start3A_52 = arith.constant 0 : i32
        %dma_start3A_53 = tpu.memref_slice %arg6[%dma_start3A_50, %dma_start3A_51, %dma_start3A_52] : memref<79x1x128xi32, #tpu.memory_space<vmem>> -> memref<79x1x128xi32, #tpu.memory_space<vmem>>
        %dma_start3A_54 = arith.constant 0 : i32
        %dma_start3A_55 = arith.constant 0 : i32
        %dma_start3A_56 = tpu.memref_slice %arg2[%add3A_43, %dma_start3A_54, %dma_start3A_55] : memref<2512x1x128xi32, #tpu.memory_space<hbm>> -> memref<79x1x128xi32, #tpu.memory_space<hbm>>
        tpu.enqueue_dma source(%dma_start3A_56 : memref<79x1x128xi32, #tpu.memory_space<hbm>>) target(%dma_start3A_53 : memref<79x1x128xi32, #tpu.memory_space<vmem>>) target_semaphore(%run_scoped3A : memref<!tpu.dma_semaphore, #tpu.memory_space<semaphore_mem>>)
        %dma_wait3A = arith.constant 0 : i32
        %dma_wait3A_57 = arith.constant 0 : i32
        %dma_wait3A_58 = arith.constant 0 : i32
        %dma_wait3A_59 = tpu.memref_slice %arg6[%dma_wait3A, %dma_wait3A_57, %dma_wait3A_58] : memref<79x1x128xi32, #tpu.memory_space<vmem>> -> memref<79x1x128xi32, #tpu.memory_space<vmem>>
        %dma_wait3A_60 = arith.constant 0 : i32
        %dma_wait3A_61 = arith.constant 0 : i32
        %dma_wait3A_62 = tpu.memref_slice %arg2[%add3A_43, %dma_wait3A_60, %dma_wait3A_61] : memref<2512x1x128xi32, #tpu.memory_space<hbm>> -> memref<79x1x128xi32, #tpu.memory_space<hbm>>
        %dma_wait3A_63 = arith.constant 0 : i32
        %dma_wait3A_64 = arith.constant 0 : i32
        %dma_wait3A_65 = arith.constant 0 : i32
        %dma_wait3A_66 = tpu.memref_slice %arg6[%dma_wait3A_63, %dma_wait3A_64, %dma_wait3A_65] : memref<79x1x128xi32, #tpu.memory_space<vmem>> -> memref<79x1x128xi32, #tpu.memory_space<vmem>>
        %dma_wait3A_67 = arith.constant 0 : i32
        %dma_wait3A_68 = arith.constant 0 : i32
        %dma_wait3A_69 = tpu.memref_slice %arg2[%add3A_43, %dma_wait3A_67, %dma_wait3A_68] : memref<2512x1x128xi32, #tpu.memory_space<hbm>> -> memref<79x1x128xi32, #tpu.memory_space<hbm>>
        tpu.wait_dma2 semaphore(%run_scoped3A : memref<!tpu.dma_semaphore, #tpu.memory_space<semaphore_mem>>) src(%dma_wait3A_69 : memref<79x1x128xi32, #tpu.memory_space<hbm>>) dst(%dma_wait3A_66 : memref<79x1x128xi32, #tpu.memory_space<vmem>>)
        tpu.yield
      }) : () -> ()
    } else {
    }
    "tpu.region"() ({
      %run_scoped3A = tpu.sem_alloc : memref<!tpu.dma_semaphore, #tpu.memory_space<semaphore_mem>>
      tpu.enqueue_dma source(%arg3 : memref<128xf32, #tpu.memory_space<hbm>>) target(%arg7 : memref<128xf32, #tpu.memory_space<vmem>>) target_semaphore(%run_scoped3A : memref<!tpu.dma_semaphore, #tpu.memory_space<semaphore_mem>>)
      tpu.wait_dma2 semaphore(%run_scoped3A : memref<!tpu.dma_semaphore, #tpu.memory_space<semaphore_mem>>) src(%arg3 : memref<128xf32, #tpu.memory_space<hbm>>) dst(%arg7 : memref<128xf32, #tpu.memory_space<vmem>>)
      tpu.yield
    }) : () -> ()
    "tpu.region"() ({
      %run_scoped3A = tpu.sem_alloc : memref<!tpu.dma_semaphore, #tpu.memory_space<semaphore_mem>>
      %dma_start3A = tpu.memref_slice %arg8[%mul3A_10] : memref<12288xf32, #tpu.memory_space<vmem_shared>> -> memref<768xf32, #tpu.memory_space<vmem_shared>>
      %dma_start3A_40 = tpu.memref_slice %arg4[%mul3A_10] : memref<12288xf32, #tpu.memory_space<hbm>> -> memref<768xf32, #tpu.memory_space<hbm>>
      tpu.enqueue_dma source(%dma_start3A_40 : memref<768xf32, #tpu.memory_space<hbm>>) target(%dma_start3A : memref<768xf32, #tpu.memory_space<vmem_shared>>) target_semaphore(%run_scoped3A : memref<!tpu.dma_semaphore, #tpu.memory_space<semaphore_mem>>)
      %dma_wait3A = tpu.memref_slice %arg8[%mul3A_10] : memref<12288xf32, #tpu.memory_space<vmem_shared>> -> memref<768xf32, #tpu.memory_space<vmem_shared>>
      %dma_wait3A_41 = tpu.memref_slice %arg4[%mul3A_10] : memref<12288xf32, #tpu.memory_space<hbm>> -> memref<768xf32, #tpu.memory_space<hbm>>
      tpu.wait_dma2 semaphore(%run_scoped3A : memref<!tpu.dma_semaphore, #tpu.memory_space<semaphore_mem>>) src(%dma_wait3A_41 : memref<768xf32, #tpu.memory_space<hbm>>) dst(%dma_wait3A : memref<768xf32, #tpu.memory_space<vmem_shared>>)
      tpu.yield
    }) : () -> ()
    %barrier3A = arith.constant 0 : index
    tpu.barrier barrier_id(%barrier3A)
    %while3A = arith.constant 0 : i32
    %while3A_19 = arith.constant 0 : i32
    %while3A_20 = arith.subi %select_n3A, %while3A_19 : i32
    %while3A_21 = arith.addi %while3A_19, %while3A_20 : i32
    %while3A_22 = arith.constant 1 : i32
    %while3A_23 = arith.divsi %while3A_20, %while3A_22 : i32
    %while3A_24 = arith.muli %while3A_23, %while3A_22 : i32
    %while3A_25 = arith.addi %while3A_19, %while3A_24 : i32
    %while3A_26 = arith.constant 1 : i32
    scf.for %while3A_40 = %while3A_19 to %while3A_25 step %while3A_26  : i32 {
      %ge3A = arith.constant 8 : i32
      %ge3A_41 = arith.cmpi sge, %while3A_40, %ge3A : i32
      %convert_element_type3A_42 = arith.extui %ge3A_41 : i1 to i32
      %cond3A_43 = arith.constant 0 : i32
      %cond3A_44 = arith.cmpi ne, %convert_element_type3A_42, %cond3A_43 : i32
      scf.if %cond3A_44 {
        %sub3A_50 = arith.constant 8 : i32
        %sub3A_51 = arith.subi %while3A_40, %sub3A_50 : i32
        %dma_wait3A = arith.constant 0 : i32
        %dma_wait3A_52 = arith.constant 0 : i32
        %dma_wait3A_53 = tpu.memref_slice %arg6[%sub3A_51, %dma_wait3A, %dma_wait3A_52] : memref<79x1x128xi32, #tpu.memory_space<vmem>> -> memref<1x1x128xi32, #tpu.memory_space<vmem>>
        %dma_wait3A_54 = tpu.memref_squeeze %dma_wait3A_53 : memref<1x1x128xi32, #tpu.memory_space<vmem>> -> memref<128xi32, #tpu.memory_space<vmem>>
        %dma_wait3A_55 = arith.constant 0 : i32
        %dma_wait3A_56 = tpu.memref_slice %arg8[%dma_wait3A_55] : memref<12288xf32, #tpu.memory_space<vmem_shared>> -> memref<12288xf32, #tpu.memory_space<vmem_shared>>
        tpu.wait_indirect_dma semaphore(%arg9 : memref<!tpu.dma_semaphore, #tpu.memory_space<semaphore_mem>>) src(%arg7 : memref<128xf32, #tpu.memory_space<vmem>>) dst(%dma_wait3A_56 : memref<12288xf32, #tpu.memory_space<vmem_shared>>)
      } else {
      }
      %dma_start3A = arith.constant 0 : i32
      %dma_start3A_45 = arith.constant 0 : i32
      %dma_start3A_46 = tpu.memref_slice %arg6[%while3A_40, %dma_start3A, %dma_start3A_45] : memref<79x1x128xi32, #tpu.memory_space<vmem>> -> memref<1x1x128xi32, #tpu.memory_space<vmem>>
      %dma_start3A_47 = tpu.memref_squeeze %dma_start3A_46 : memref<1x1x128xi32, #tpu.memory_space<vmem>> -> memref<128xi32, #tpu.memory_space<vmem>>
      %dma_start3A_48 = arith.constant 0 : i32
      %dma_start3A_49 = tpu.memref_slice %arg8[%dma_start3A_48] : memref<12288xf32, #tpu.memory_space<vmem_shared>> -> memref<12288xf32, #tpu.memory_space<vmem_shared>>
      tpu.enqueue_indirect_dma source(%arg7 : memref<128xf32, #tpu.memory_space<vmem>>) target(%dma_start3A_49 : memref<12288xf32, #tpu.memory_space<vmem_shared>>) offsets(%dma_start3A_47 : memref<128xi32, #tpu.memory_space<vmem>>) semaphore(%arg9 : memref<!tpu.dma_semaphore, #tpu.memory_space<semaphore_mem>>) {add = true}
    }
    %while3A_27 = arith.constant 1 : i32
    scf.for %while3A_40 = %while3A_25 to %while3A_21 step %while3A_27  : i32 {
      %ge3A = arith.constant 8 : i32
      %ge3A_41 = arith.cmpi sge, %while3A_40, %ge3A : i32
      %convert_element_type3A_42 = arith.extui %ge3A_41 : i1 to i32
      %cond3A_43 = arith.constant 0 : i32
      %cond3A_44 = arith.cmpi ne, %convert_element_type3A_42, %cond3A_43 : i32
      scf.if %cond3A_44 {
        %sub3A_50 = arith.constant 8 : i32
        %sub3A_51 = arith.subi %while3A_40, %sub3A_50 : i32
        %dma_wait3A = arith.constant 0 : i32
        %dma_wait3A_52 = arith.constant 0 : i32
        %dma_wait3A_53 = tpu.memref_slice %arg6[%sub3A_51, %dma_wait3A, %dma_wait3A_52] : memref<79x1x128xi32, #tpu.memory_space<vmem>> -> memref<1x1x128xi32, #tpu.memory_space<vmem>>
        %dma_wait3A_54 = tpu.memref_squeeze %dma_wait3A_53 : memref<1x1x128xi32, #tpu.memory_space<vmem>> -> memref<128xi32, #tpu.memory_space<vmem>>
        %dma_wait3A_55 = arith.constant 0 : i32
        %dma_wait3A_56 = tpu.memref_slice %arg8[%dma_wait3A_55] : memref<12288xf32, #tpu.memory_space<vmem_shared>> -> memref<12288xf32, #tpu.memory_space<vmem_shared>>
        tpu.wait_indirect_dma semaphore(%arg9 : memref<!tpu.dma_semaphore, #tpu.memory_space<semaphore_mem>>) src(%arg7 : memref<128xf32, #tpu.memory_space<vmem>>) dst(%dma_wait3A_56 : memref<12288xf32, #tpu.memory_space<vmem_shared>>)
      } else {
      }
      %dma_start3A = arith.constant 0 : i32
      %dma_start3A_45 = arith.constant 0 : i32
      %dma_start3A_46 = tpu.memref_slice %arg6[%while3A_40, %dma_start3A, %dma_start3A_45] : memref<79x1x128xi32, #tpu.memory_space<vmem>> -> memref<1x1x128xi32, #tpu.memory_space<vmem>>
      %dma_start3A_47 = tpu.memref_squeeze %dma_start3A_46 : memref<1x1x128xi32, #tpu.memory_space<vmem>> -> memref<128xi32, #tpu.memory_space<vmem>>
      %dma_start3A_48 = arith.constant 0 : i32
      %dma_start3A_49 = tpu.memref_slice %arg8[%dma_start3A_48] : memref<12288xf32, #tpu.memory_space<vmem_shared>> -> memref<12288xf32, #tpu.memory_space<vmem_shared>>
      tpu.enqueue_indirect_dma source(%arg7 : memref<128xf32, #tpu.memory_space<vmem>>) target(%dma_start3A_49 : memref<12288xf32, #tpu.memory_space<vmem_shared>>) offsets(%dma_start3A_47 : memref<128xi32, #tpu.memory_space<vmem>>) semaphore(%arg9 : memref<!tpu.dma_semaphore, #tpu.memory_space<semaphore_mem>>) {add = true}
    }
    %sub3A = arith.constant 8 : i32
    %sub3A_28 = arith.subi %select_n3A, %sub3A : i32
    %max3A = arith.constant 0 : i32
    %max3A_29 = arith.maxsi %sub3A_28, %max3A : i32
    %while3A_30 = arith.constant 0 : i32
    %while3A_31 = arith.subi %select_n3A, %max3A_29 : i32
    %while3A_32 = arith.addi %max3A_29, %while3A_31 : i32
    %while3A_33 = arith.constant 1 : i32
    %while3A_34 = arith.divsi %while3A_31, %while3A_33 : i32
    %while3A_35 = arith.muli %while3A_34, %while3A_33 : i32
    %while3A_36 = arith.addi %max3A_29, %while3A_35 : i32
    %while3A_37 = arith.constant 1 : i32
    scf.for %while3A_40 = %max3A_29 to %while3A_36 step %while3A_37  : i32 {
      %dma_wait3A = arith.constant 0 : i32
      %dma_wait3A_41 = arith.constant 0 : i32
      %dma_wait3A_42 = tpu.memref_slice %arg6[%while3A_40, %dma_wait3A, %dma_wait3A_41] : memref<79x1x128xi32, #tpu.memory_space<vmem>> -> memref<1x1x128xi32, #tpu.memory_space<vmem>>
      %dma_wait3A_43 = tpu.memref_squeeze %dma_wait3A_42 : memref<1x1x128xi32, #tpu.memory_space<vmem>> -> memref<128xi32, #tpu.memory_space<vmem>>
      %dma_wait3A_44 = arith.constant 0 : i32
      %dma_wait3A_45 = tpu.memref_slice %arg8[%dma_wait3A_44] : memref<12288xf32, #tpu.memory_space<vmem_shared>> -> memref<12288xf32, #tpu.memory_space<vmem_shared>>
      tpu.wait_indirect_dma semaphore(%arg9 : memref<!tpu.dma_semaphore, #tpu.memory_space<semaphore_mem>>) src(%arg7 : memref<128xf32, #tpu.memory_space<vmem>>) dst(%dma_wait3A_45 : memref<12288xf32, #tpu.memory_space<vmem_shared>>)
    }
    %while3A_38 = arith.constant 1 : i32
    scf.for %while3A_40 = %while3A_36 to %while3A_32 step %while3A_38  : i32 {
      %dma_wait3A = arith.constant 0 : i32
      %dma_wait3A_41 = arith.constant 0 : i32
      %dma_wait3A_42 = tpu.memref_slice %arg6[%while3A_40, %dma_wait3A, %dma_wait3A_41] : memref<79x1x128xi32, #tpu.memory_space<vmem>> -> memref<1x1x128xi32, #tpu.memory_space<vmem>>
      %dma_wait3A_43 = tpu.memref_squeeze %dma_wait3A_42 : memref<1x1x128xi32, #tpu.memory_space<vmem>> -> memref<128xi32, #tpu.memory_space<vmem>>
      %dma_wait3A_44 = arith.constant 0 : i32
      %dma_wait3A_45 = tpu.memref_slice %arg8[%dma_wait3A_44] : memref<12288xf32, #tpu.memory_space<vmem_shared>> -> memref<12288xf32, #tpu.memory_space<vmem_shared>>
      tpu.wait_indirect_dma semaphore(%arg9 : memref<!tpu.dma_semaphore, #tpu.memory_space<semaphore_mem>>) src(%arg7 : memref<128xf32, #tpu.memory_space<vmem>>) dst(%dma_wait3A_45 : memref<12288xf32, #tpu.memory_space<vmem_shared>>)
    }
    %barrier3A_39 = arith.constant 0 : index
    tpu.barrier barrier_id(%barrier3A_39)
    "tpu.region"() ({
      %run_scoped3A = tpu.sem_alloc : memref<!tpu.dma_semaphore, #tpu.memory_space<semaphore_mem>>
      %dma_start3A = tpu.memref_slice %arg5[%arg0, %mul3A_10] : memref<2x12288xf32, #tpu.memory_space<hbm>> -> memref<1x768xf32, #tpu.memory_space<hbm>>
      %dma_start3A_40 = tpu.memref_squeeze %dma_start3A : memref<1x768xf32, #tpu.memory_space<hbm>> -> memref<768xf32, #tpu.memory_space<hbm>>
      %dma_start3A_41 = tpu.memref_slice %arg8[%mul3A_10] : memref<12288xf32, #tpu.memory_space<vmem_shared>> -> memref<768xf32, #tpu.memory_space<vmem_shared>>
      tpu.enqueue_dma source(%dma_start3A_41 : memref<768xf32, #tpu.memory_space<vmem_shared>>) target(%dma_start3A_40 : memref<768xf32, #tpu.memory_space<hbm>>) target_semaphore(%run_scoped3A : memref<!tpu.dma_semaphore, #tpu.memory_space<semaphore_mem>>)
      %dma_wait3A = tpu.memref_slice %arg5[%arg0, %mul3A_10] : memref<2x12288xf32, #tpu.memory_space<hbm>> -> memref<1x768xf32, #tpu.memory_space<hbm>>
      %dma_wait3A_42 = tpu.memref_squeeze %dma_wait3A : memref<1x768xf32, #tpu.memory_space<hbm>> -> memref<768xf32, #tpu.memory_space<hbm>>
      %dma_wait3A_43 = tpu.memref_slice %arg8[%mul3A_10] : memref<12288xf32, #tpu.memory_space<vmem_shared>> -> memref<768xf32, #tpu.memory_space<vmem_shared>>
      tpu.wait_dma2 semaphore(%run_scoped3A : memref<!tpu.dma_semaphore, #tpu.memory_space<semaphore_mem>>) src(%dma_wait3A_43 : memref<768xf32, #tpu.memory_space<vmem_shared>>) dst(%dma_wait3A_42 : memref<768xf32, #tpu.memory_space<hbm>>)
      tpu.yield
    }) : () -> ()
    return
  }
}

#map = affine_map<(d0, d1) -> (0, 0)>
#map1 = affine_map<(d0, d1) -> (0, 0, 0)>
module attributes {stable_mosaic.version = 14 : i64} {
  func.func @edge(%arg0: i32, %arg1: i32, %arg2: memref<10000x16xf32, #tpu.memory_space<hbm>>, %arg3: memref<2512x1x128xi32, #tpu.memory_space<hbm>>, %arg4: memref<2512x1x128xi32, #tpu.memory_space<hbm>>, %arg5: memref<10112x16xf32, #tpu.memory_space<hbm>>, %arg6: memref<2x10112x16xf32, #tpu.memory_space<hbm>>, %arg7: memref<1x128xi32, #tpu.memory_space<vmem>>, %arg8: memref<1x128xi32, #tpu.memory_space<vmem>>, %arg9: memref<1x128xi32, #tpu.memory_space<vmem>>, %arg10: memref<1x128xi32, #tpu.memory_space<vmem>>, %arg11: memref<128x16xf32, #tpu.memory_space<vmem>>, %arg12: memref<128x16xf32, #tpu.memory_space<vmem>>, %arg13: memref<128x16xf32, #tpu.memory_space<vmem>>, %arg14: memref<128x16xf32, #tpu.memory_space<vmem>>, %arg15: memref<79x1x128xi32, #tpu.memory_space<vmem>>, %arg16: memref<10112x16xf32, #tpu.memory_space<vmem_shared>>, %arg17: memref<!tpu.dma_semaphore, #tpu.memory_space<semaphore_mem>>, %arg18: memref<!tpu.dma_semaphore, #tpu.memory_space<semaphore_mem>>, %arg19: memref<!tpu.dma_semaphore, #tpu.memory_space<semaphore_mem>>) attributes {dimension_semantics = [#tpu.dimension_semantics<core_parallel>, #tpu.dimension_semantics<subcore_parallel>], iteration_bounds = array<i64: 2, 16>, scalar_prefetch = 0 : i64, scratch_operands = 13 : i64, tpu.core_type = #tpu.core_type<sc_vector_subcore>, window_params = [{transform_indices = #map}, {transform_indices = #map1}, {transform_indices = #map1}, {transform_indices = #map}, {transform_indices = #map1}]} {
    %eq3A = arith.constant 0 : i32
    %eq3A_0 = arith.cmpi eq, %arg0, %eq3A : i32
    %jit3A = arith.constant 78 : i32
    %jit3A_1 = arith.constant 79 : i32
    %select_n3A = arith.select %eq3A_0, %jit3A, %jit3A_1 : i32
    %eq3A_2 = arith.constant 0 : i32
    %eq3A_3 = arith.cmpi eq, %arg0, %eq3A_2 : i32
    %mul3A = arith.constant 78 : i32
    %mul3A_4 = arith.muli %arg1, %mul3A : i32
    %mul3A_5 = arith.constant 79 : i32
    %mul3A_6 = arith.muli %arg1, %mul3A_5 : i32
    %add3A = arith.constant 1248 : i32
    %add3A_7 = arith.addi %add3A, %mul3A_6 : i32
    %select_n3A_8 = arith.select %eq3A_3, %mul3A_4, %add3A_7 : i32
    %mul3A_9 = arith.constant 632 : i32
    %mul3A_10 = arith.muli %arg1, %mul3A_9 : i32
    %eq3A_11 = arith.constant 0 : i32
    %eq3A_12 = arith.cmpi eq, %arg0, %eq3A_11 : i32
    %convert_element_type3A = arith.extui %eq3A_12 : i1 to i32
    %cond3A = arith.constant 0 : i32
    %cond3A_13 = arith.cmpi ne, %convert_element_type3A, %cond3A : i32
    scf.if %cond3A_13 {
      %mul3A_166 = arith.constant 78 : i32
      %mul3A_167 = arith.muli %arg1, %mul3A_166 : i32
      "tpu.region"() ({
        %run_scoped3A = tpu.sem_alloc : memref<!tpu.dma_semaphore, #tpu.memory_space<semaphore_mem>>
        %dma_start3A_168 = arith.constant 0 : i32
        %dma_start3A_169 = arith.constant 0 : i32
        %dma_start3A_170 = arith.constant 0 : i32
        %dma_start3A_171 = tpu.memref_slice %arg15[%dma_start3A_168, %dma_start3A_169, %dma_start3A_170] : memref<79x1x128xi32, #tpu.memory_space<vmem>> -> memref<78x1x128xi32, #tpu.memory_space<vmem>>
        %dma_start3A_172 = arith.constant 0 : i32
        %dma_start3A_173 = arith.constant 0 : i32
        %dma_start3A_174 = tpu.memref_slice %arg4[%mul3A_167, %dma_start3A_172, %dma_start3A_173] : memref<2512x1x128xi32, #tpu.memory_space<hbm>> -> memref<78x1x128xi32, #tpu.memory_space<hbm>>
        %dma_start3A_175 = arith.constant 0 : i32
        %dma_start3A_176 = arith.constant 0 : i32
        %dma_start3A_177 = arith.constant 0 : i32
        %dma_start3A_178 = tpu.memref_slice %arg15[%dma_start3A_175, %dma_start3A_176, %dma_start3A_177] : memref<79x1x128xi32, #tpu.memory_space<vmem>> -> memref<78x1x128xi32, #tpu.memory_space<vmem>>
        %dma_start3A_179 = arith.constant 0 : i32
        %dma_start3A_180 = arith.constant 0 : i32
        %dma_start3A_181 = tpu.memref_slice %arg4[%mul3A_167, %dma_start3A_179, %dma_start3A_180] : memref<2512x1x128xi32, #tpu.memory_space<hbm>> -> memref<78x1x128xi32, #tpu.memory_space<hbm>>
        tpu.enqueue_dma source(%dma_start3A_181 : memref<78x1x128xi32, #tpu.memory_space<hbm>>) target(%dma_start3A_178 : memref<78x1x128xi32, #tpu.memory_space<vmem>>) target_semaphore(%run_scoped3A : memref<!tpu.dma_semaphore, #tpu.memory_space<semaphore_mem>>)
        %dma_wait3A = arith.constant 0 : i32
        %dma_wait3A_182 = arith.constant 0 : i32
        %dma_wait3A_183 = arith.constant 0 : i32
        %dma_wait3A_184 = tpu.memref_slice %arg15[%dma_wait3A, %dma_wait3A_182, %dma_wait3A_183] : memref<79x1x128xi32, #tpu.memory_space<vmem>> -> memref<78x1x128xi32, #tpu.memory_space<vmem>>
        %dma_wait3A_185 = arith.constant 0 : i32
        %dma_wait3A_186 = arith.constant 0 : i32
        %dma_wait3A_187 = tpu.memref_slice %arg4[%mul3A_167, %dma_wait3A_185, %dma_wait3A_186] : memref<2512x1x128xi32, #tpu.memory_space<hbm>> -> memref<78x1x128xi32, #tpu.memory_space<hbm>>
        %dma_wait3A_188 = arith.constant 0 : i32
        %dma_wait3A_189 = arith.constant 0 : i32
        %dma_wait3A_190 = arith.constant 0 : i32
        %dma_wait3A_191 = tpu.memref_slice %arg15[%dma_wait3A_188, %dma_wait3A_189, %dma_wait3A_190] : memref<79x1x128xi32, #tpu.memory_space<vmem>> -> memref<78x1x128xi32, #tpu.memory_space<vmem>>
        %dma_wait3A_192 = arith.constant 0 : i32
        %dma_wait3A_193 = arith.constant 0 : i32
        %dma_wait3A_194 = tpu.memref_slice %arg4[%mul3A_167, %dma_wait3A_192, %dma_wait3A_193] : memref<2512x1x128xi32, #tpu.memory_space<hbm>> -> memref<78x1x128xi32, #tpu.memory_space<hbm>>
        tpu.wait_dma2 semaphore(%run_scoped3A : memref<!tpu.dma_semaphore, #tpu.memory_space<semaphore_mem>>) src(%dma_wait3A_194 : memref<78x1x128xi32, #tpu.memory_space<hbm>>) dst(%dma_wait3A_191 : memref<78x1x128xi32, #tpu.memory_space<vmem>>)
        tpu.yield
      }) : () -> ()
    } else {
    }
    %eq3A_14 = arith.constant 1 : i32
    %eq3A_15 = arith.cmpi eq, %arg0, %eq3A_14 : i32
    %convert_element_type3A_16 = arith.extui %eq3A_15 : i1 to i32
    %cond3A_17 = arith.constant 0 : i32
    %cond3A_18 = arith.cmpi ne, %convert_element_type3A_16, %cond3A_17 : i32
    scf.if %cond3A_18 {
      %mul3A_166 = arith.constant 79 : i32
      %mul3A_167 = arith.muli %arg1, %mul3A_166 : i32
      %add3A_168 = arith.constant 1248 : i32
      %add3A_169 = arith.addi %add3A_168, %mul3A_167 : i32
      "tpu.region"() ({
        %run_scoped3A = tpu.sem_alloc : memref<!tpu.dma_semaphore, #tpu.memory_space<semaphore_mem>>
        %dma_start3A_170 = arith.constant 0 : i32
        %dma_start3A_171 = arith.constant 0 : i32
        %dma_start3A_172 = arith.constant 0 : i32
        %dma_start3A_173 = tpu.memref_slice %arg15[%dma_start3A_170, %dma_start3A_171, %dma_start3A_172] : memref<79x1x128xi32, #tpu.memory_space<vmem>> -> memref<79x1x128xi32, #tpu.memory_space<vmem>>
        %dma_start3A_174 = arith.constant 0 : i32
        %dma_start3A_175 = arith.constant 0 : i32
        %dma_start3A_176 = tpu.memref_slice %arg4[%add3A_169, %dma_start3A_174, %dma_start3A_175] : memref<2512x1x128xi32, #tpu.memory_space<hbm>> -> memref<79x1x128xi32, #tpu.memory_space<hbm>>
        %dma_start3A_177 = arith.constant 0 : i32
        %dma_start3A_178 = arith.constant 0 : i32
        %dma_start3A_179 = arith.constant 0 : i32
        %dma_start3A_180 = tpu.memref_slice %arg15[%dma_start3A_177, %dma_start3A_178, %dma_start3A_179] : memref<79x1x128xi32, #tpu.memory_space<vmem>> -> memref<79x1x128xi32, #tpu.memory_space<vmem>>
        %dma_start3A_181 = arith.constant 0 : i32
        %dma_start3A_182 = arith.constant 0 : i32
        %dma_start3A_183 = tpu.memref_slice %arg4[%add3A_169, %dma_start3A_181, %dma_start3A_182] : memref<2512x1x128xi32, #tpu.memory_space<hbm>> -> memref<79x1x128xi32, #tpu.memory_space<hbm>>
        tpu.enqueue_dma source(%dma_start3A_183 : memref<79x1x128xi32, #tpu.memory_space<hbm>>) target(%dma_start3A_180 : memref<79x1x128xi32, #tpu.memory_space<vmem>>) target_semaphore(%run_scoped3A : memref<!tpu.dma_semaphore, #tpu.memory_space<semaphore_mem>>)
        %dma_wait3A = arith.constant 0 : i32
        %dma_wait3A_184 = arith.constant 0 : i32
        %dma_wait3A_185 = arith.constant 0 : i32
        %dma_wait3A_186 = tpu.memref_slice %arg15[%dma_wait3A, %dma_wait3A_184, %dma_wait3A_185] : memref<79x1x128xi32, #tpu.memory_space<vmem>> -> memref<79x1x128xi32, #tpu.memory_space<vmem>>
        %dma_wait3A_187 = arith.constant 0 : i32
        %dma_wait3A_188 = arith.constant 0 : i32
        %dma_wait3A_189 = tpu.memref_slice %arg4[%add3A_169, %dma_wait3A_187, %dma_wait3A_188] : memref<2512x1x128xi32, #tpu.memory_space<hbm>> -> memref<79x1x128xi32, #tpu.memory_space<hbm>>
        %dma_wait3A_190 = arith.constant 0 : i32
        %dma_wait3A_191 = arith.constant 0 : i32
        %dma_wait3A_192 = arith.constant 0 : i32
        %dma_wait3A_193 = tpu.memref_slice %arg15[%dma_wait3A_190, %dma_wait3A_191, %dma_wait3A_192] : memref<79x1x128xi32, #tpu.memory_space<vmem>> -> memref<79x1x128xi32, #tpu.memory_space<vmem>>
        %dma_wait3A_194 = arith.constant 0 : i32
        %dma_wait3A_195 = arith.constant 0 : i32
        %dma_wait3A_196 = tpu.memref_slice %arg4[%add3A_169, %dma_wait3A_194, %dma_wait3A_195] : memref<2512x1x128xi32, #tpu.memory_space<hbm>> -> memref<79x1x128xi32, #tpu.memory_space<hbm>>
        tpu.wait_dma2 semaphore(%run_scoped3A : memref<!tpu.dma_semaphore, #tpu.memory_space<semaphore_mem>>) src(%dma_wait3A_196 : memref<79x1x128xi32, #tpu.memory_space<hbm>>) dst(%dma_wait3A_193 : memref<79x1x128xi32, #tpu.memory_space<vmem>>)
        tpu.yield
      }) : () -> ()
    } else {
    }
    "tpu.region"() ({
      %run_scoped3A = tpu.sem_alloc : memref<!tpu.dma_semaphore, #tpu.memory_space<semaphore_mem>>
      %dma_start3A_166 = arith.constant 0 : i32
      %dma_start3A_167 = arith.constant 0 : i32
      %dma_start3A_168 = tpu.memref_slice %arg3[%select_n3A_8, %dma_start3A_166, %dma_start3A_167] : memref<2512x1x128xi32, #tpu.memory_space<hbm>> -> memref<1x1x128xi32, #tpu.memory_space<hbm>>
      %dma_start3A_169 = tpu.memref_squeeze %dma_start3A_168 : memref<1x1x128xi32, #tpu.memory_space<hbm>> -> memref<1x128xi32, #tpu.memory_space<hbm>>
      %dma_start3A_170 = arith.constant 0 : i32
      %dma_start3A_171 = arith.constant 0 : i32
      %dma_start3A_172 = tpu.memref_slice %arg3[%select_n3A_8, %dma_start3A_170, %dma_start3A_171] : memref<2512x1x128xi32, #tpu.memory_space<hbm>> -> memref<1x1x128xi32, #tpu.memory_space<hbm>>
      %dma_start3A_173 = tpu.memref_squeeze %dma_start3A_172 : memref<1x1x128xi32, #tpu.memory_space<hbm>> -> memref<1x128xi32, #tpu.memory_space<hbm>>
      tpu.enqueue_dma source(%dma_start3A_173 : memref<1x128xi32, #tpu.memory_space<hbm>>) target(%arg7 : memref<1x128xi32, #tpu.memory_space<vmem>>) target_semaphore(%run_scoped3A : memref<!tpu.dma_semaphore, #tpu.memory_space<semaphore_mem>>)
      %dma_wait3A = arith.constant 0 : i32
      %dma_wait3A_174 = arith.constant 0 : i32
      %dma_wait3A_175 = tpu.memref_slice %arg3[%select_n3A_8, %dma_wait3A, %dma_wait3A_174] : memref<2512x1x128xi32, #tpu.memory_space<hbm>> -> memref<1x1x128xi32, #tpu.memory_space<hbm>>
      %dma_wait3A_176 = tpu.memref_squeeze %dma_wait3A_175 : memref<1x1x128xi32, #tpu.memory_space<hbm>> -> memref<1x128xi32, #tpu.memory_space<hbm>>
      %dma_wait3A_177 = arith.constant 0 : i32
      %dma_wait3A_178 = arith.constant 0 : i32
      %dma_wait3A_179 = tpu.memref_slice %arg3[%select_n3A_8, %dma_wait3A_177, %dma_wait3A_178] : memref<2512x1x128xi32, #tpu.memory_space<hbm>> -> memref<1x1x128xi32, #tpu.memory_space<hbm>>
      %dma_wait3A_180 = tpu.memref_squeeze %dma_wait3A_179 : memref<1x1x128xi32, #tpu.memory_space<hbm>> -> memref<1x128xi32, #tpu.memory_space<hbm>>
      tpu.wait_dma2 semaphore(%run_scoped3A : memref<!tpu.dma_semaphore, #tpu.memory_space<semaphore_mem>>) src(%dma_wait3A_180 : memref<1x128xi32, #tpu.memory_space<hbm>>) dst(%arg7 : memref<1x128xi32, #tpu.memory_space<vmem>>)
      tpu.yield
    }) : () -> ()
    %dma_start3A = arith.constant 0 : i32
    %dma_start3A_19 = arith.constant 0 : i32
    %dma_start3A_20 = tpu.memref_slice %arg7[%dma_start3A, %dma_start3A_19] : memref<1x128xi32, #tpu.memory_space<vmem>> -> memref<1x128xi32, #tpu.memory_space<vmem>>
    %dma_start3A_21 = tpu.memref_squeeze %dma_start3A_20 : memref<1x128xi32, #tpu.memory_space<vmem>> -> memref<128xi32, #tpu.memory_space<vmem>>
    %dma_start3A_22 = arith.constant 0 : i32
    %dma_start3A_23 = arith.constant 0 : i32
    %dma_start3A_24 = tpu.memref_slice %arg2[%dma_start3A_22, %dma_start3A_23] : memref<10000x16xf32, #tpu.memory_space<hbm>> -> memref<10000x16xf32, #tpu.memory_space<hbm>>
    tpu.enqueue_indirect_dma source(%dma_start3A_24 : memref<10000x16xf32, #tpu.memory_space<hbm>>) target(%arg11 : memref<128x16xf32, #tpu.memory_space<vmem>>) offsets(%dma_start3A_21 : memref<128xi32, #tpu.memory_space<vmem>>) semaphore(%arg17 : memref<!tpu.dma_semaphore, #tpu.memory_space<semaphore_mem>>)
    %gt3A = arith.constant 1 : i32
    %gt3A_25 = arith.cmpi sgt, %select_n3A, %gt3A : i32
    %convert_element_type3A_26 = arith.extui %gt3A_25 : i1 to i32
    %cond3A_27 = arith.constant 0 : i32
    %cond3A_28 = arith.cmpi ne, %convert_element_type3A_26, %cond3A_27 : i32
    scf.if %cond3A_28 {
      %add3A_166 = arith.constant 1 : i32
      %add3A_167 = arith.addi %select_n3A_8, %add3A_166 : i32
      %dma_start3A_168 = arith.constant 0 : i32
      %dma_start3A_169 = arith.constant 0 : i32
      %dma_start3A_170 = tpu.memref_slice %arg3[%add3A_167, %dma_start3A_168, %dma_start3A_169] : memref<2512x1x128xi32, #tpu.memory_space<hbm>> -> memref<1x1x128xi32, #tpu.memory_space<hbm>>
      %dma_start3A_171 = tpu.memref_squeeze %dma_start3A_170 : memref<1x1x128xi32, #tpu.memory_space<hbm>> -> memref<1x128xi32, #tpu.memory_space<hbm>>
      %dma_start3A_172 = arith.constant 0 : i32
      %dma_start3A_173 = arith.constant 0 : i32
      %dma_start3A_174 = tpu.memref_slice %arg3[%add3A_167, %dma_start3A_172, %dma_start3A_173] : memref<2512x1x128xi32, #tpu.memory_space<hbm>> -> memref<1x1x128xi32, #tpu.memory_space<hbm>>
      %dma_start3A_175 = tpu.memref_squeeze %dma_start3A_174 : memref<1x1x128xi32, #tpu.memory_space<hbm>> -> memref<1x128xi32, #tpu.memory_space<hbm>>
      tpu.enqueue_dma source(%dma_start3A_175 : memref<1x128xi32, #tpu.memory_space<hbm>>) target(%arg8 : memref<1x128xi32, #tpu.memory_space<vmem>>) target_semaphore(%arg19 : memref<!tpu.dma_semaphore, #tpu.memory_space<semaphore_mem>>)
    } else {
    }
    %gt3A_29 = arith.constant 2 : i32
    %gt3A_30 = arith.cmpi sgt, %select_n3A, %gt3A_29 : i32
    %convert_element_type3A_31 = arith.extui %gt3A_30 : i1 to i32
    %cond3A_32 = arith.constant 0 : i32
    %cond3A_33 = arith.cmpi ne, %convert_element_type3A_31, %cond3A_32 : i32
    scf.if %cond3A_33 {
      %add3A_166 = arith.constant 2 : i32
      %add3A_167 = arith.addi %select_n3A_8, %add3A_166 : i32
      %dma_start3A_168 = arith.constant 0 : i32
      %dma_start3A_169 = arith.constant 0 : i32
      %dma_start3A_170 = tpu.memref_slice %arg3[%add3A_167, %dma_start3A_168, %dma_start3A_169] : memref<2512x1x128xi32, #tpu.memory_space<hbm>> -> memref<1x1x128xi32, #tpu.memory_space<hbm>>
      %dma_start3A_171 = tpu.memref_squeeze %dma_start3A_170 : memref<1x1x128xi32, #tpu.memory_space<hbm>> -> memref<1x128xi32, #tpu.memory_space<hbm>>
      %dma_start3A_172 = arith.constant 0 : i32
      %dma_start3A_173 = arith.constant 0 : i32
      %dma_start3A_174 = tpu.memref_slice %arg3[%add3A_167, %dma_start3A_172, %dma_start3A_173] : memref<2512x1x128xi32, #tpu.memory_space<hbm>> -> memref<1x1x128xi32, #tpu.memory_space<hbm>>
      %dma_start3A_175 = tpu.memref_squeeze %dma_start3A_174 : memref<1x1x128xi32, #tpu.memory_space<hbm>> -> memref<1x128xi32, #tpu.memory_space<hbm>>
      tpu.enqueue_dma source(%dma_start3A_175 : memref<1x128xi32, #tpu.memory_space<hbm>>) target(%arg9 : memref<1x128xi32, #tpu.memory_space<vmem>>) target_semaphore(%arg19 : memref<!tpu.dma_semaphore, #tpu.memory_space<semaphore_mem>>)
    } else {
    }
    "tpu.region"() ({
      %run_scoped3A = tpu.sem_alloc : memref<!tpu.dma_semaphore, #tpu.memory_space<semaphore_mem>>
      %dma_start3A_166 = arith.constant 0 : i32
      %dma_start3A_167 = tpu.memref_slice %arg16[%mul3A_10, %dma_start3A_166] : memref<10112x16xf32, #tpu.memory_space<vmem_shared>> -> memref<632x16xf32, #tpu.memory_space<vmem_shared>>
      %dma_start3A_168 = arith.constant 0 : i32
      %dma_start3A_169 = tpu.memref_slice %arg5[%mul3A_10, %dma_start3A_168] : memref<10112x16xf32, #tpu.memory_space<hbm>> -> memref<632x16xf32, #tpu.memory_space<hbm>>
      tpu.enqueue_dma source(%dma_start3A_169 : memref<632x16xf32, #tpu.memory_space<hbm>>) target(%dma_start3A_167 : memref<632x16xf32, #tpu.memory_space<vmem_shared>>) target_semaphore(%run_scoped3A : memref<!tpu.dma_semaphore, #tpu.memory_space<semaphore_mem>>)
      %dma_wait3A = arith.constant 0 : i32
      %dma_wait3A_170 = tpu.memref_slice %arg16[%mul3A_10, %dma_wait3A] : memref<10112x16xf32, #tpu.memory_space<vmem_shared>> -> memref<632x16xf32, #tpu.memory_space<vmem_shared>>
      %dma_wait3A_171 = arith.constant 0 : i32
      %dma_wait3A_172 = tpu.memref_slice %arg5[%mul3A_10, %dma_wait3A_171] : memref<10112x16xf32, #tpu.memory_space<hbm>> -> memref<632x16xf32, #tpu.memory_space<hbm>>
      tpu.wait_dma2 semaphore(%run_scoped3A : memref<!tpu.dma_semaphore, #tpu.memory_space<semaphore_mem>>) src(%dma_wait3A_172 : memref<632x16xf32, #tpu.memory_space<hbm>>) dst(%dma_wait3A_170 : memref<632x16xf32, #tpu.memory_space<vmem_shared>>)
      tpu.yield
    }) : () -> ()
    %barrier3A = arith.constant 0 : index
    tpu.barrier barrier_id(%barrier3A)
    %while3A = arith.constant 0 : i32
    %while3A_34 = arith.constant 0 : i32
    %while3A_35 = arith.subi %select_n3A, %while3A_34 : i32
    %while3A_36 = arith.addi %while3A_34, %while3A_35 : i32
    %while3A_37 = arith.constant 1 : i32
    %while3A_38 = arith.divsi %while3A_35, %while3A_37 : i32
    %while3A_39 = arith.muli %while3A_38, %while3A_37 : i32
    %while3A_40 = arith.addi %while3A_34, %while3A_39 : i32
    %while3A_41 = arith.constant 1 : i32
    scf.for %while3A_166 = %while3A_34 to %while3A_40 step %while3A_41  : i32 {
      %rem3A_167 = arith.constant 4 : i32
      %rem3A_168 = arith.remsi %while3A_166, %rem3A_167 : i32
      %eq3A_169 = arith.constant 0 : i32
      %eq3A_170 = arith.cmpi eq, %rem3A_168, %eq3A_169 : i32
      %convert_element_type3A_171 = arith.extui %eq3A_170 : i1 to i32
      %cond3A_172 = arith.constant 0 : i32
      %cond3A_173 = arith.cmpi ne, %convert_element_type3A_171, %cond3A_172 : i32
      scf.if %cond3A_173 {
        %ge3A_189 = arith.constant 3 : i32
        %ge3A_190 = arith.cmpi sge, %while3A_166, %ge3A_189 : i32
        %convert_element_type3A_191 = arith.extui %ge3A_190 : i1 to i32
        %cond3A_192 = arith.constant 0 : i32
        %cond3A_193 = arith.cmpi ne, %convert_element_type3A_191, %cond3A_192 : i32
        scf.if %cond3A_193 {
          %sub3A_218 = arith.constant 3 : i32
          %sub3A_219 = arith.subi %while3A_166, %sub3A_218 : i32
          %dma_wait3A_220 = arith.constant 0 : i32
          %dma_wait3A_221 = arith.constant 0 : i32
          %dma_wait3A_222 = tpu.memref_slice %arg15[%sub3A_219, %dma_wait3A_220, %dma_wait3A_221] : memref<79x1x128xi32, #tpu.memory_space<vmem>> -> memref<1x1x128xi32, #tpu.memory_space<vmem>>
          %dma_wait3A_223 = tpu.memref_squeeze %dma_wait3A_222 : memref<1x1x128xi32, #tpu.memory_space<vmem>> -> memref<128xi32, #tpu.memory_space<vmem>>
          %dma_wait3A_224 = arith.constant 0 : i32
          %dma_wait3A_225 = arith.constant 0 : i32
          %dma_wait3A_226 = tpu.memref_slice %arg16[%dma_wait3A_224, %dma_wait3A_225] : memref<10112x16xf32, #tpu.memory_space<vmem_shared>> -> memref<10112x16xf32, #tpu.memory_space<vmem_shared>>
          tpu.wait_indirect_dma semaphore(%arg18 : memref<!tpu.dma_semaphore, #tpu.memory_space<semaphore_mem>>) src(%arg12 : memref<128x16xf32, #tpu.memory_space<vmem>>) dst(%dma_wait3A_226 : memref<10112x16xf32, #tpu.memory_space<vmem_shared>>)
        } else {
        }
        %add3A_194 = arith.constant 1 : i32
        %add3A_195 = arith.addi %while3A_166, %add3A_194 : i32
        %lt3A = arith.cmpi slt, %add3A_195, %select_n3A : i32
        %convert_element_type3A_196 = arith.extui %lt3A : i1 to i32
        %cond3A_197 = arith.constant 0 : i32
        %cond3A_198 = arith.cmpi ne, %convert_element_type3A_196, %cond3A_197 : i32
        scf.if %cond3A_198 {
          %add3A_218 = arith.addi %select_n3A_8, %while3A_166 : i32
          %add3A_219 = arith.constant 1 : i32
          %add3A_220 = arith.addi %add3A_218, %add3A_219 : i32
          %dma_wait3A_221 = arith.constant 0 : i32
          %dma_wait3A_222 = arith.constant 0 : i32
          %dma_wait3A_223 = tpu.memref_slice %arg3[%add3A_220, %dma_wait3A_221, %dma_wait3A_222] : memref<2512x1x128xi32, #tpu.memory_space<hbm>> -> memref<1x1x128xi32, #tpu.memory_space<hbm>>
          %dma_wait3A_224 = tpu.memref_squeeze %dma_wait3A_223 : memref<1x1x128xi32, #tpu.memory_space<hbm>> -> memref<1x128xi32, #tpu.memory_space<hbm>>
          %dma_wait3A_225 = arith.constant 0 : i32
          %dma_wait3A_226 = arith.constant 0 : i32
          %dma_wait3A_227 = tpu.memref_slice %arg3[%add3A_220, %dma_wait3A_225, %dma_wait3A_226] : memref<2512x1x128xi32, #tpu.memory_space<hbm>> -> memref<1x1x128xi32, #tpu.memory_space<hbm>>
          %dma_wait3A_228 = tpu.memref_squeeze %dma_wait3A_227 : memref<1x1x128xi32, #tpu.memory_space<hbm>> -> memref<1x128xi32, #tpu.memory_space<hbm>>
          tpu.wait_dma2 semaphore(%arg19 : memref<!tpu.dma_semaphore, #tpu.memory_space<semaphore_mem>>) src(%dma_wait3A_228 : memref<1x128xi32, #tpu.memory_space<hbm>>) dst(%arg8 : memref<1x128xi32, #tpu.memory_space<vmem>>)
          %dma_start3A_229 = arith.constant 0 : i32
          %dma_start3A_230 = arith.constant 0 : i32
          %dma_start3A_231 = tpu.memref_slice %arg8[%dma_start3A_229, %dma_start3A_230] : memref<1x128xi32, #tpu.memory_space<vmem>> -> memref<1x128xi32, #tpu.memory_space<vmem>>
          %dma_start3A_232 = tpu.memref_squeeze %dma_start3A_231 : memref<1x128xi32, #tpu.memory_space<vmem>> -> memref<128xi32, #tpu.memory_space<vmem>>
          %dma_start3A_233 = arith.constant 0 : i32
          %dma_start3A_234 = arith.constant 0 : i32
          %dma_start3A_235 = tpu.memref_slice %arg2[%dma_start3A_233, %dma_start3A_234] : memref<10000x16xf32, #tpu.memory_space<hbm>> -> memref<10000x16xf32, #tpu.memory_space<hbm>>
          tpu.enqueue_indirect_dma source(%dma_start3A_235 : memref<10000x16xf32, #tpu.memory_space<hbm>>) target(%arg12 : memref<128x16xf32, #tpu.memory_space<vmem>>) offsets(%dma_start3A_232 : memref<128xi32, #tpu.memory_space<vmem>>) semaphore(%arg17 : memref<!tpu.dma_semaphore, #tpu.memory_space<semaphore_mem>>)
        } else {
        }
        %add3A_199 = arith.constant 3 : i32
        %add3A_200 = arith.addi %while3A_166, %add3A_199 : i32
        %lt3A_201 = arith.cmpi slt, %add3A_200, %select_n3A : i32
        %convert_element_type3A_202 = arith.extui %lt3A_201 : i1 to i32
        %cond3A_203 = arith.constant 0 : i32
        %cond3A_204 = arith.cmpi ne, %convert_element_type3A_202, %cond3A_203 : i32
        scf.if %cond3A_204 {
          %add3A_218 = arith.addi %select_n3A_8, %while3A_166 : i32
          %add3A_219 = arith.constant 3 : i32
          %add3A_220 = arith.addi %add3A_218, %add3A_219 : i32
          %dma_start3A_221 = arith.constant 0 : i32
          %dma_start3A_222 = arith.constant 0 : i32
          %dma_start3A_223 = tpu.memref_slice %arg3[%add3A_220, %dma_start3A_221, %dma_start3A_222] : memref<2512x1x128xi32, #tpu.memory_space<hbm>> -> memref<1x1x128xi32, #tpu.memory_space<hbm>>
          %dma_start3A_224 = tpu.memref_squeeze %dma_start3A_223 : memref<1x1x128xi32, #tpu.memory_space<hbm>> -> memref<1x128xi32, #tpu.memory_space<hbm>>
          %dma_start3A_225 = arith.constant 0 : i32
          %dma_start3A_226 = arith.constant 0 : i32
          %dma_start3A_227 = tpu.memref_slice %arg3[%add3A_220, %dma_start3A_225, %dma_start3A_226] : memref<2512x1x128xi32, #tpu.memory_space<hbm>> -> memref<1x1x128xi32, #tpu.memory_space<hbm>>
          %dma_start3A_228 = tpu.memref_squeeze %dma_start3A_227 : memref<1x1x128xi32, #tpu.memory_space<hbm>> -> memref<1x128xi32, #tpu.memory_space<hbm>>
          tpu.enqueue_dma source(%dma_start3A_228 : memref<1x128xi32, #tpu.memory_space<hbm>>) target(%arg10 : memref<1x128xi32, #tpu.memory_space<vmem>>) target_semaphore(%arg19 : memref<!tpu.dma_semaphore, #tpu.memory_space<semaphore_mem>>)
        } else {
        }
        %dma_wait3A = arith.constant 0 : i32
        %dma_wait3A_205 = arith.constant 0 : i32
        %dma_wait3A_206 = tpu.memref_slice %arg7[%dma_wait3A, %dma_wait3A_205] : memref<1x128xi32, #tpu.memory_space<vmem>> -> memref<1x128xi32, #tpu.memory_space<vmem>>
        %dma_wait3A_207 = tpu.memref_squeeze %dma_wait3A_206 : memref<1x128xi32, #tpu.memory_space<vmem>> -> memref<128xi32, #tpu.memory_space<vmem>>
        %dma_wait3A_208 = arith.constant 0 : i32
        %dma_wait3A_209 = arith.constant 0 : i32
        %dma_wait3A_210 = tpu.memref_slice %arg2[%dma_wait3A_208, %dma_wait3A_209] : memref<10000x16xf32, #tpu.memory_space<hbm>> -> memref<10000x16xf32, #tpu.memory_space<hbm>>
        tpu.wait_indirect_dma semaphore(%arg17 : memref<!tpu.dma_semaphore, #tpu.memory_space<semaphore_mem>>) src(%dma_wait3A_210 : memref<10000x16xf32, #tpu.memory_space<hbm>>) dst(%arg11 : memref<128x16xf32, #tpu.memory_space<vmem>>)
        %dma_start3A_211 = arith.constant 0 : i32
        %dma_start3A_212 = arith.constant 0 : i32
        %dma_start3A_213 = tpu.memref_slice %arg15[%while3A_166, %dma_start3A_211, %dma_start3A_212] : memref<79x1x128xi32, #tpu.memory_space<vmem>> -> memref<1x1x128xi32, #tpu.memory_space<vmem>>
        %dma_start3A_214 = tpu.memref_squeeze %dma_start3A_213 : memref<1x1x128xi32, #tpu.memory_space<vmem>> -> memref<128xi32, #tpu.memory_space<vmem>>
        %dma_start3A_215 = arith.constant 0 : i32
        %dma_start3A_216 = arith.constant 0 : i32
        %dma_start3A_217 = tpu.memref_slice %arg16[%dma_start3A_215, %dma_start3A_216] : memref<10112x16xf32, #tpu.memory_space<vmem_shared>> -> memref<10112x16xf32, #tpu.memory_space<vmem_shared>>
        tpu.enqueue_indirect_dma source(%arg11 : memref<128x16xf32, #tpu.memory_space<vmem>>) target(%dma_start3A_217 : memref<10112x16xf32, #tpu.memory_space<vmem_shared>>) offsets(%dma_start3A_214 : memref<128xi32, #tpu.memory_space<vmem>>) semaphore(%arg18 : memref<!tpu.dma_semaphore, #tpu.memory_space<semaphore_mem>>) {add = true}
      } else {
      }
      %eq3A_174 = arith.constant 1 : i32
      %eq3A_175 = arith.cmpi eq, %rem3A_168, %eq3A_174 : i32
      %convert_element_type3A_176 = arith.extui %eq3A_175 : i1 to i32
      %cond3A_177 = arith.constant 0 : i32
      %cond3A_178 = arith.cmpi ne, %convert_element_type3A_176, %cond3A_177 : i32
      scf.if %cond3A_178 {
        %ge3A_189 = arith.constant 3 : i32
        %ge3A_190 = arith.cmpi sge, %while3A_166, %ge3A_189 : i32
        %convert_element_type3A_191 = arith.extui %ge3A_190 : i1 to i32
        %cond3A_192 = arith.constant 0 : i32
        %cond3A_193 = arith.cmpi ne, %convert_element_type3A_191, %cond3A_192 : i32
        scf.if %cond3A_193 {
          %sub3A_218 = arith.constant 3 : i32
          %sub3A_219 = arith.subi %while3A_166, %sub3A_218 : i32
          %dma_wait3A_220 = arith.constant 0 : i32
          %dma_wait3A_221 = arith.constant 0 : i32
          %dma_wait3A_222 = tpu.memref_slice %arg15[%sub3A_219, %dma_wait3A_220, %dma_wait3A_221] : memref<79x1x128xi32, #tpu.memory_space<vmem>> -> memref<1x1x128xi32, #tpu.memory_space<vmem>>
          %dma_wait3A_223 = tpu.memref_squeeze %dma_wait3A_222 : memref<1x1x128xi32, #tpu.memory_space<vmem>> -> memref<128xi32, #tpu.memory_space<vmem>>
          %dma_wait3A_224 = arith.constant 0 : i32
          %dma_wait3A_225 = arith.constant 0 : i32
          %dma_wait3A_226 = tpu.memref_slice %arg16[%dma_wait3A_224, %dma_wait3A_225] : memref<10112x16xf32, #tpu.memory_space<vmem_shared>> -> memref<10112x16xf32, #tpu.memory_space<vmem_shared>>
          tpu.wait_indirect_dma semaphore(%arg18 : memref<!tpu.dma_semaphore, #tpu.memory_space<semaphore_mem>>) src(%arg13 : memref<128x16xf32, #tpu.memory_space<vmem>>) dst(%dma_wait3A_226 : memref<10112x16xf32, #tpu.memory_space<vmem_shared>>)
        } else {
        }
        %add3A_194 = arith.constant 1 : i32
        %add3A_195 = arith.addi %while3A_166, %add3A_194 : i32
        %lt3A = arith.cmpi slt, %add3A_195, %select_n3A : i32
        %convert_element_type3A_196 = arith.extui %lt3A : i1 to i32
        %cond3A_197 = arith.constant 0 : i32
        %cond3A_198 = arith.cmpi ne, %convert_element_type3A_196, %cond3A_197 : i32
        scf.if %cond3A_198 {
          %add3A_218 = arith.addi %select_n3A_8, %while3A_166 : i32
          %add3A_219 = arith.constant 1 : i32
          %add3A_220 = arith.addi %add3A_218, %add3A_219 : i32
          %dma_wait3A_221 = arith.constant 0 : i32
          %dma_wait3A_222 = arith.constant 0 : i32
          %dma_wait3A_223 = tpu.memref_slice %arg3[%add3A_220, %dma_wait3A_221, %dma_wait3A_222] : memref<2512x1x128xi32, #tpu.memory_space<hbm>> -> memref<1x1x128xi32, #tpu.memory_space<hbm>>
          %dma_wait3A_224 = tpu.memref_squeeze %dma_wait3A_223 : memref<1x1x128xi32, #tpu.memory_space<hbm>> -> memref<1x128xi32, #tpu.memory_space<hbm>>
          %dma_wait3A_225 = arith.constant 0 : i32
          %dma_wait3A_226 = arith.constant 0 : i32
          %dma_wait3A_227 = tpu.memref_slice %arg3[%add3A_220, %dma_wait3A_225, %dma_wait3A_226] : memref<2512x1x128xi32, #tpu.memory_space<hbm>> -> memref<1x1x128xi32, #tpu.memory_space<hbm>>
          %dma_wait3A_228 = tpu.memref_squeeze %dma_wait3A_227 : memref<1x1x128xi32, #tpu.memory_space<hbm>> -> memref<1x128xi32, #tpu.memory_space<hbm>>
          tpu.wait_dma2 semaphore(%arg19 : memref<!tpu.dma_semaphore, #tpu.memory_space<semaphore_mem>>) src(%dma_wait3A_228 : memref<1x128xi32, #tpu.memory_space<hbm>>) dst(%arg9 : memref<1x128xi32, #tpu.memory_space<vmem>>)
          %dma_start3A_229 = arith.constant 0 : i32
          %dma_start3A_230 = arith.constant 0 : i32
          %dma_start3A_231 = tpu.memref_slice %arg9[%dma_start3A_229, %dma_start3A_230] : memref<1x128xi32, #tpu.memory_space<vmem>> -> memref<1x128xi32, #tpu.memory_space<vmem>>
          %dma_start3A_232 = tpu.memref_squeeze %dma_start3A_231 : memref<1x128xi32, #tpu.memory_space<vmem>> -> memref<128xi32, #tpu.memory_space<vmem>>
          %dma_start3A_233 = arith.constant 0 : i32
          %dma_start3A_234 = arith.constant 0 : i32
          %dma_start3A_235 = tpu.memref_slice %arg2[%dma_start3A_233, %dma_start3A_234] : memref<10000x16xf32, #tpu.memory_space<hbm>> -> memref<10000x16xf32, #tpu.memory_space<hbm>>
          tpu.enqueue_indirect_dma source(%dma_start3A_235 : memref<10000x16xf32, #tpu.memory_space<hbm>>) target(%arg13 : memref<128x16xf32, #tpu.memory_space<vmem>>) offsets(%dma_start3A_232 : memref<128xi32, #tpu.memory_space<vmem>>) semaphore(%arg17 : memref<!tpu.dma_semaphore, #tpu.memory_space<semaphore_mem>>)
        } else {
        }
        %add3A_199 = arith.constant 3 : i32
        %add3A_200 = arith.addi %while3A_166, %add3A_199 : i32
        %lt3A_201 = arith.cmpi slt, %add3A_200, %select_n3A : i32
        %convert_element_type3A_202 = arith.extui %lt3A_201 : i1 to i32
        %cond3A_203 = arith.constant 0 : i32
        %cond3A_204 = arith.cmpi ne, %convert_element_type3A_202, %cond3A_203 : i32
        scf.if %cond3A_204 {
          %add3A_218 = arith.addi %select_n3A_8, %while3A_166 : i32
          %add3A_219 = arith.constant 3 : i32
          %add3A_220 = arith.addi %add3A_218, %add3A_219 : i32
          %dma_start3A_221 = arith.constant 0 : i32
          %dma_start3A_222 = arith.constant 0 : i32
          %dma_start3A_223 = tpu.memref_slice %arg3[%add3A_220, %dma_start3A_221, %dma_start3A_222] : memref<2512x1x128xi32, #tpu.memory_space<hbm>> -> memref<1x1x128xi32, #tpu.memory_space<hbm>>
          %dma_start3A_224 = tpu.memref_squeeze %dma_start3A_223 : memref<1x1x128xi32, #tpu.memory_space<hbm>> -> memref<1x128xi32, #tpu.memory_space<hbm>>
          %dma_start3A_225 = arith.constant 0 : i32
          %dma_start3A_226 = arith.constant 0 : i32
          %dma_start3A_227 = tpu.memref_slice %arg3[%add3A_220, %dma_start3A_225, %dma_start3A_226] : memref<2512x1x128xi32, #tpu.memory_space<hbm>> -> memref<1x1x128xi32, #tpu.memory_space<hbm>>
          %dma_start3A_228 = tpu.memref_squeeze %dma_start3A_227 : memref<1x1x128xi32, #tpu.memory_space<hbm>> -> memref<1x128xi32, #tpu.memory_space<hbm>>
          tpu.enqueue_dma source(%dma_start3A_228 : memref<1x128xi32, #tpu.memory_space<hbm>>) target(%arg7 : memref<1x128xi32, #tpu.memory_space<vmem>>) target_semaphore(%arg19 : memref<!tpu.dma_semaphore, #tpu.memory_space<semaphore_mem>>)
        } else {
        }
        %dma_wait3A = arith.constant 0 : i32
        %dma_wait3A_205 = arith.constant 0 : i32
        %dma_wait3A_206 = tpu.memref_slice %arg8[%dma_wait3A, %dma_wait3A_205] : memref<1x128xi32, #tpu.memory_space<vmem>> -> memref<1x128xi32, #tpu.memory_space<vmem>>
        %dma_wait3A_207 = tpu.memref_squeeze %dma_wait3A_206 : memref<1x128xi32, #tpu.memory_space<vmem>> -> memref<128xi32, #tpu.memory_space<vmem>>
        %dma_wait3A_208 = arith.constant 0 : i32
        %dma_wait3A_209 = arith.constant 0 : i32
        %dma_wait3A_210 = tpu.memref_slice %arg2[%dma_wait3A_208, %dma_wait3A_209] : memref<10000x16xf32, #tpu.memory_space<hbm>> -> memref<10000x16xf32, #tpu.memory_space<hbm>>
        tpu.wait_indirect_dma semaphore(%arg17 : memref<!tpu.dma_semaphore, #tpu.memory_space<semaphore_mem>>) src(%dma_wait3A_210 : memref<10000x16xf32, #tpu.memory_space<hbm>>) dst(%arg12 : memref<128x16xf32, #tpu.memory_space<vmem>>)
        %dma_start3A_211 = arith.constant 0 : i32
        %dma_start3A_212 = arith.constant 0 : i32
        %dma_start3A_213 = tpu.memref_slice %arg15[%while3A_166, %dma_start3A_211, %dma_start3A_212] : memref<79x1x128xi32, #tpu.memory_space<vmem>> -> memref<1x1x128xi32, #tpu.memory_space<vmem>>
        %dma_start3A_214 = tpu.memref_squeeze %dma_start3A_213 : memref<1x1x128xi32, #tpu.memory_space<vmem>> -> memref<128xi32, #tpu.memory_space<vmem>>
        %dma_start3A_215 = arith.constant 0 : i32
        %dma_start3A_216 = arith.constant 0 : i32
        %dma_start3A_217 = tpu.memref_slice %arg16[%dma_start3A_215, %dma_start3A_216] : memref<10112x16xf32, #tpu.memory_space<vmem_shared>> -> memref<10112x16xf32, #tpu.memory_space<vmem_shared>>
        tpu.enqueue_indirect_dma source(%arg12 : memref<128x16xf32, #tpu.memory_space<vmem>>) target(%dma_start3A_217 : memref<10112x16xf32, #tpu.memory_space<vmem_shared>>) offsets(%dma_start3A_214 : memref<128xi32, #tpu.memory_space<vmem>>) semaphore(%arg18 : memref<!tpu.dma_semaphore, #tpu.memory_space<semaphore_mem>>) {add = true}
      } else {
      }
      %eq3A_179 = arith.constant 2 : i32
      %eq3A_180 = arith.cmpi eq, %rem3A_168, %eq3A_179 : i32
      %convert_element_type3A_181 = arith.extui %eq3A_180 : i1 to i32
      %cond3A_182 = arith.constant 0 : i32
      %cond3A_183 = arith.cmpi ne, %convert_element_type3A_181, %cond3A_182 : i32
      scf.if %cond3A_183 {
        %ge3A_189 = arith.constant 3 : i32
        %ge3A_190 = arith.cmpi sge, %while3A_166, %ge3A_189 : i32
        %convert_element_type3A_191 = arith.extui %ge3A_190 : i1 to i32
        %cond3A_192 = arith.constant 0 : i32
        %cond3A_193 = arith.cmpi ne, %convert_element_type3A_191, %cond3A_192 : i32
        scf.if %cond3A_193 {
          %sub3A_218 = arith.constant 3 : i32
          %sub3A_219 = arith.subi %while3A_166, %sub3A_218 : i32
          %dma_wait3A_220 = arith.constant 0 : i32
          %dma_wait3A_221 = arith.constant 0 : i32
          %dma_wait3A_222 = tpu.memref_slice %arg15[%sub3A_219, %dma_wait3A_220, %dma_wait3A_221] : memref<79x1x128xi32, #tpu.memory_space<vmem>> -> memref<1x1x128xi32, #tpu.memory_space<vmem>>
          %dma_wait3A_223 = tpu.memref_squeeze %dma_wait3A_222 : memref<1x1x128xi32, #tpu.memory_space<vmem>> -> memref<128xi32, #tpu.memory_space<vmem>>
          %dma_wait3A_224 = arith.constant 0 : i32
          %dma_wait3A_225 = arith.constant 0 : i32
          %dma_wait3A_226 = tpu.memref_slice %arg16[%dma_wait3A_224, %dma_wait3A_225] : memref<10112x16xf32, #tpu.memory_space<vmem_shared>> -> memref<10112x16xf32, #tpu.memory_space<vmem_shared>>
          tpu.wait_indirect_dma semaphore(%arg18 : memref<!tpu.dma_semaphore, #tpu.memory_space<semaphore_mem>>) src(%arg14 : memref<128x16xf32, #tpu.memory_space<vmem>>) dst(%dma_wait3A_226 : memref<10112x16xf32, #tpu.memory_space<vmem_shared>>)
        } else {
        }
        %add3A_194 = arith.constant 1 : i32
        %add3A_195 = arith.addi %while3A_166, %add3A_194 : i32
        %lt3A = arith.cmpi slt, %add3A_195, %select_n3A : i32
        %convert_element_type3A_196 = arith.extui %lt3A : i1 to i32
        %cond3A_197 = arith.constant 0 : i32
        %cond3A_198 = arith.cmpi ne, %convert_element_type3A_196, %cond3A_197 : i32
        scf.if %cond3A_198 {
          %add3A_218 = arith.addi %select_n3A_8, %while3A_166 : i32
          %add3A_219 = arith.constant 1 : i32
          %add3A_220 = arith.addi %add3A_218, %add3A_219 : i32
          %dma_wait3A_221 = arith.constant 0 : i32
          %dma_wait3A_222 = arith.constant 0 : i32
          %dma_wait3A_223 = tpu.memref_slice %arg3[%add3A_220, %dma_wait3A_221, %dma_wait3A_222] : memref<2512x1x128xi32, #tpu.memory_space<hbm>> -> memref<1x1x128xi32, #tpu.memory_space<hbm>>
          %dma_wait3A_224 = tpu.memref_squeeze %dma_wait3A_223 : memref<1x1x128xi32, #tpu.memory_space<hbm>> -> memref<1x128xi32, #tpu.memory_space<hbm>>
          %dma_wait3A_225 = arith.constant 0 : i32
          %dma_wait3A_226 = arith.constant 0 : i32
          %dma_wait3A_227 = tpu.memref_slice %arg3[%add3A_220, %dma_wait3A_225, %dma_wait3A_226] : memref<2512x1x128xi32, #tpu.memory_space<hbm>> -> memref<1x1x128xi32, #tpu.memory_space<hbm>>
          %dma_wait3A_228 = tpu.memref_squeeze %dma_wait3A_227 : memref<1x1x128xi32, #tpu.memory_space<hbm>> -> memref<1x128xi32, #tpu.memory_space<hbm>>
          tpu.wait_dma2 semaphore(%arg19 : memref<!tpu.dma_semaphore, #tpu.memory_space<semaphore_mem>>) src(%dma_wait3A_228 : memref<1x128xi32, #tpu.memory_space<hbm>>) dst(%arg10 : memref<1x128xi32, #tpu.memory_space<vmem>>)
          %dma_start3A_229 = arith.constant 0 : i32
          %dma_start3A_230 = arith.constant 0 : i32
          %dma_start3A_231 = tpu.memref_slice %arg10[%dma_start3A_229, %dma_start3A_230] : memref<1x128xi32, #tpu.memory_space<vmem>> -> memref<1x128xi32, #tpu.memory_space<vmem>>
          %dma_start3A_232 = tpu.memref_squeeze %dma_start3A_231 : memref<1x128xi32, #tpu.memory_space<vmem>> -> memref<128xi32, #tpu.memory_space<vmem>>
          %dma_start3A_233 = arith.constant 0 : i32
          %dma_start3A_234 = arith.constant 0 : i32
          %dma_start3A_235 = tpu.memref_slice %arg2[%dma_start3A_233, %dma_start3A_234] : memref<10000x16xf32, #tpu.memory_space<hbm>> -> memref<10000x16xf32, #tpu.memory_space<hbm>>
          tpu.enqueue_indirect_dma source(%dma_start3A_235 : memref<10000x16xf32, #tpu.memory_space<hbm>>) target(%arg14 : memref<128x16xf32, #tpu.memory_space<vmem>>) offsets(%dma_start3A_232 : memref<128xi32, #tpu.memory_space<vmem>>) semaphore(%arg17 : memref<!tpu.dma_semaphore, #tpu.memory_space<semaphore_mem>>)
        } else {
        }
        %add3A_199 = arith.constant 3 : i32
        %add3A_200 = arith.addi %while3A_166, %add3A_199 : i32
        %lt3A_201 = arith.cmpi slt, %add3A_200, %select_n3A : i32
        %convert_element_type3A_202 = arith.extui %lt3A_201 : i1 to i32
        %cond3A_203 = arith.constant 0 : i32
        %cond3A_204 = arith.cmpi ne, %convert_element_type3A_202, %cond3A_203 : i32
        scf.if %cond3A_204 {
          %add3A_218 = arith.addi %select_n3A_8, %while3A_166 : i32
          %add3A_219 = arith.constant 3 : i32
          %add3A_220 = arith.addi %add3A_218, %add3A_219 : i32
          %dma_start3A_221 = arith.constant 0 : i32
          %dma_start3A_222 = arith.constant 0 : i32
          %dma_start3A_223 = tpu.memref_slice %arg3[%add3A_220, %dma_start3A_221, %dma_start3A_222] : memref<2512x1x128xi32, #tpu.memory_space<hbm>> -> memref<1x1x128xi32, #tpu.memory_space<hbm>>
          %dma_start3A_224 = tpu.memref_squeeze %dma_start3A_223 : memref<1x1x128xi32, #tpu.memory_space<hbm>> -> memref<1x128xi32, #tpu.memory_space<hbm>>
          %dma_start3A_225 = arith.constant 0 : i32
          %dma_start3A_226 = arith.constant 0 : i32
          %dma_start3A_227 = tpu.memref_slice %arg3[%add3A_220, %dma_start3A_225, %dma_start3A_226] : memref<2512x1x128xi32, #tpu.memory_space<hbm>> -> memref<1x1x128xi32, #tpu.memory_space<hbm>>
          %dma_start3A_228 = tpu.memref_squeeze %dma_start3A_227 : memref<1x1x128xi32, #tpu.memory_space<hbm>> -> memref<1x128xi32, #tpu.memory_space<hbm>>
          tpu.enqueue_dma source(%dma_start3A_228 : memref<1x128xi32, #tpu.memory_space<hbm>>) target(%arg8 : memref<1x128xi32, #tpu.memory_space<vmem>>) target_semaphore(%arg19 : memref<!tpu.dma_semaphore, #tpu.memory_space<semaphore_mem>>)
        } else {
        }
        %dma_wait3A = arith.constant 0 : i32
        %dma_wait3A_205 = arith.constant 0 : i32
        %dma_wait3A_206 = tpu.memref_slice %arg9[%dma_wait3A, %dma_wait3A_205] : memref<1x128xi32, #tpu.memory_space<vmem>> -> memref<1x128xi32, #tpu.memory_space<vmem>>
        %dma_wait3A_207 = tpu.memref_squeeze %dma_wait3A_206 : memref<1x128xi32, #tpu.memory_space<vmem>> -> memref<128xi32, #tpu.memory_space<vmem>>
        %dma_wait3A_208 = arith.constant 0 : i32
        %dma_wait3A_209 = arith.constant 0 : i32
        %dma_wait3A_210 = tpu.memref_slice %arg2[%dma_wait3A_208, %dma_wait3A_209] : memref<10000x16xf32, #tpu.memory_space<hbm>> -> memref<10000x16xf32, #tpu.memory_space<hbm>>
        tpu.wait_indirect_dma semaphore(%arg17 : memref<!tpu.dma_semaphore, #tpu.memory_space<semaphore_mem>>) src(%dma_wait3A_210 : memref<10000x16xf32, #tpu.memory_space<hbm>>) dst(%arg13 : memref<128x16xf32, #tpu.memory_space<vmem>>)
        %dma_start3A_211 = arith.constant 0 : i32
        %dma_start3A_212 = arith.constant 0 : i32
        %dma_start3A_213 = tpu.memref_slice %arg15[%while3A_166, %dma_start3A_211, %dma_start3A_212] : memref<79x1x128xi32, #tpu.memory_space<vmem>> -> memref<1x1x128xi32, #tpu.memory_space<vmem>>
        %dma_start3A_214 = tpu.memref_squeeze %dma_start3A_213 : memref<1x1x128xi32, #tpu.memory_space<vmem>> -> memref<128xi32, #tpu.memory_space<vmem>>
        %dma_start3A_215 = arith.constant 0 : i32
        %dma_start3A_216 = arith.constant 0 : i32
        %dma_start3A_217 = tpu.memref_slice %arg16[%dma_start3A_215, %dma_start3A_216] : memref<10112x16xf32, #tpu.memory_space<vmem_shared>> -> memref<10112x16xf32, #tpu.memory_space<vmem_shared>>
        tpu.enqueue_indirect_dma source(%arg13 : memref<128x16xf32, #tpu.memory_space<vmem>>) target(%dma_start3A_217 : memref<10112x16xf32, #tpu.memory_space<vmem_shared>>) offsets(%dma_start3A_214 : memref<128xi32, #tpu.memory_space<vmem>>) semaphore(%arg18 : memref<!tpu.dma_semaphore, #tpu.memory_space<semaphore_mem>>) {add = true}
      } else {
      }
      %eq3A_184 = arith.constant 3 : i32
      %eq3A_185 = arith.cmpi eq, %rem3A_168, %eq3A_184 : i32
      %convert_element_type3A_186 = arith.extui %eq3A_185 : i1 to i32
      %cond3A_187 = arith.constant 0 : i32
      %cond3A_188 = arith.cmpi ne, %convert_element_type3A_186, %cond3A_187 : i32
      scf.if %cond3A_188 {
        %ge3A_189 = arith.constant 3 : i32
        %ge3A_190 = arith.cmpi sge, %while3A_166, %ge3A_189 : i32
        %convert_element_type3A_191 = arith.extui %ge3A_190 : i1 to i32
        %cond3A_192 = arith.constant 0 : i32
        %cond3A_193 = arith.cmpi ne, %convert_element_type3A_191, %cond3A_192 : i32
        scf.if %cond3A_193 {
          %sub3A_218 = arith.constant 3 : i32
          %sub3A_219 = arith.subi %while3A_166, %sub3A_218 : i32
          %dma_wait3A_220 = arith.constant 0 : i32
          %dma_wait3A_221 = arith.constant 0 : i32
          %dma_wait3A_222 = tpu.memref_slice %arg15[%sub3A_219, %dma_wait3A_220, %dma_wait3A_221] : memref<79x1x128xi32, #tpu.memory_space<vmem>> -> memref<1x1x128xi32, #tpu.memory_space<vmem>>
          %dma_wait3A_223 = tpu.memref_squeeze %dma_wait3A_222 : memref<1x1x128xi32, #tpu.memory_space<vmem>> -> memref<128xi32, #tpu.memory_space<vmem>>
          %dma_wait3A_224 = arith.constant 0 : i32
          %dma_wait3A_225 = arith.constant 0 : i32
          %dma_wait3A_226 = tpu.memref_slice %arg16[%dma_wait3A_224, %dma_wait3A_225] : memref<10112x16xf32, #tpu.memory_space<vmem_shared>> -> memref<10112x16xf32, #tpu.memory_space<vmem_shared>>
          tpu.wait_indirect_dma semaphore(%arg18 : memref<!tpu.dma_semaphore, #tpu.memory_space<semaphore_mem>>) src(%arg11 : memref<128x16xf32, #tpu.memory_space<vmem>>) dst(%dma_wait3A_226 : memref<10112x16xf32, #tpu.memory_space<vmem_shared>>)
        } else {
        }
        %add3A_194 = arith.constant 1 : i32
        %add3A_195 = arith.addi %while3A_166, %add3A_194 : i32
        %lt3A = arith.cmpi slt, %add3A_195, %select_n3A : i32
        %convert_element_type3A_196 = arith.extui %lt3A : i1 to i32
        %cond3A_197 = arith.constant 0 : i32
        %cond3A_198 = arith.cmpi ne, %convert_element_type3A_196, %cond3A_197 : i32
        scf.if %cond3A_198 {
          %add3A_218 = arith.addi %select_n3A_8, %while3A_166 : i32
          %add3A_219 = arith.constant 1 : i32
          %add3A_220 = arith.addi %add3A_218, %add3A_219 : i32
          %dma_wait3A_221 = arith.constant 0 : i32
          %dma_wait3A_222 = arith.constant 0 : i32
          %dma_wait3A_223 = tpu.memref_slice %arg3[%add3A_220, %dma_wait3A_221, %dma_wait3A_222] : memref<2512x1x128xi32, #tpu.memory_space<hbm>> -> memref<1x1x128xi32, #tpu.memory_space<hbm>>
          %dma_wait3A_224 = tpu.memref_squeeze %dma_wait3A_223 : memref<1x1x128xi32, #tpu.memory_space<hbm>> -> memref<1x128xi32, #tpu.memory_space<hbm>>
          %dma_wait3A_225 = arith.constant 0 : i32
          %dma_wait3A_226 = arith.constant 0 : i32
          %dma_wait3A_227 = tpu.memref_slice %arg3[%add3A_220, %dma_wait3A_225, %dma_wait3A_226] : memref<2512x1x128xi32, #tpu.memory_space<hbm>> -> memref<1x1x128xi32, #tpu.memory_space<hbm>>
          %dma_wait3A_228 = tpu.memref_squeeze %dma_wait3A_227 : memref<1x1x128xi32, #tpu.memory_space<hbm>> -> memref<1x128xi32, #tpu.memory_space<hbm>>
          tpu.wait_dma2 semaphore(%arg19 : memref<!tpu.dma_semaphore, #tpu.memory_space<semaphore_mem>>) src(%dma_wait3A_228 : memref<1x128xi32, #tpu.memory_space<hbm>>) dst(%arg7 : memref<1x128xi32, #tpu.memory_space<vmem>>)
          %dma_start3A_229 = arith.constant 0 : i32
          %dma_start3A_230 = arith.constant 0 : i32
          %dma_start3A_231 = tpu.memref_slice %arg7[%dma_start3A_229, %dma_start3A_230] : memref<1x128xi32, #tpu.memory_space<vmem>> -> memref<1x128xi32, #tpu.memory_space<vmem>>
          %dma_start3A_232 = tpu.memref_squeeze %dma_start3A_231 : memref<1x128xi32, #tpu.memory_space<vmem>> -> memref<128xi32, #tpu.memory_space<vmem>>
          %dma_start3A_233 = arith.constant 0 : i32
          %dma_start3A_234 = arith.constant 0 : i32
          %dma_start3A_235 = tpu.memref_slice %arg2[%dma_start3A_233, %dma_start3A_234] : memref<10000x16xf32, #tpu.memory_space<hbm>> -> memref<10000x16xf32, #tpu.memory_space<hbm>>
          tpu.enqueue_indirect_dma source(%dma_start3A_235 : memref<10000x16xf32, #tpu.memory_space<hbm>>) target(%arg11 : memref<128x16xf32, #tpu.memory_space<vmem>>) offsets(%dma_start3A_232 : memref<128xi32, #tpu.memory_space<vmem>>) semaphore(%arg17 : memref<!tpu.dma_semaphore, #tpu.memory_space<semaphore_mem>>)
        } else {
        }
        %add3A_199 = arith.constant 3 : i32
        %add3A_200 = arith.addi %while3A_166, %add3A_199 : i32
        %lt3A_201 = arith.cmpi slt, %add3A_200, %select_n3A : i32
        %convert_element_type3A_202 = arith.extui %lt3A_201 : i1 to i32
        %cond3A_203 = arith.constant 0 : i32
        %cond3A_204 = arith.cmpi ne, %convert_element_type3A_202, %cond3A_203 : i32
        scf.if %cond3A_204 {
          %add3A_218 = arith.addi %select_n3A_8, %while3A_166 : i32
          %add3A_219 = arith.constant 3 : i32
          %add3A_220 = arith.addi %add3A_218, %add3A_219 : i32
          %dma_start3A_221 = arith.constant 0 : i32
          %dma_start3A_222 = arith.constant 0 : i32
          %dma_start3A_223 = tpu.memref_slice %arg3[%add3A_220, %dma_start3A_221, %dma_start3A_222] : memref<2512x1x128xi32, #tpu.memory_space<hbm>> -> memref<1x1x128xi32, #tpu.memory_space<hbm>>
          %dma_start3A_224 = tpu.memref_squeeze %dma_start3A_223 : memref<1x1x128xi32, #tpu.memory_space<hbm>> -> memref<1x128xi32, #tpu.memory_space<hbm>>
          %dma_start3A_225 = arith.constant 0 : i32
          %dma_start3A_226 = arith.constant 0 : i32
          %dma_start3A_227 = tpu.memref_slice %arg3[%add3A_220, %dma_start3A_225, %dma_start3A_226] : memref<2512x1x128xi32, #tpu.memory_space<hbm>> -> memref<1x1x128xi32, #tpu.memory_space<hbm>>
          %dma_start3A_228 = tpu.memref_squeeze %dma_start3A_227 : memref<1x1x128xi32, #tpu.memory_space<hbm>> -> memref<1x128xi32, #tpu.memory_space<hbm>>
          tpu.enqueue_dma source(%dma_start3A_228 : memref<1x128xi32, #tpu.memory_space<hbm>>) target(%arg9 : memref<1x128xi32, #tpu.memory_space<vmem>>) target_semaphore(%arg19 : memref<!tpu.dma_semaphore, #tpu.memory_space<semaphore_mem>>)
        } else {
        }
        %dma_wait3A = arith.constant 0 : i32
        %dma_wait3A_205 = arith.constant 0 : i32
        %dma_wait3A_206 = tpu.memref_slice %arg10[%dma_wait3A, %dma_wait3A_205] : memref<1x128xi32, #tpu.memory_space<vmem>> -> memref<1x128xi32, #tpu.memory_space<vmem>>
        %dma_wait3A_207 = tpu.memref_squeeze %dma_wait3A_206 : memref<1x128xi32, #tpu.memory_space<vmem>> -> memref<128xi32, #tpu.memory_space<vmem>>
        %dma_wait3A_208 = arith.constant 0 : i32
        %dma_wait3A_209 = arith.constant 0 : i32
        %dma_wait3A_210 = tpu.memref_slice %arg2[%dma_wait3A_208, %dma_wait3A_209] : memref<10000x16xf32, #tpu.memory_space<hbm>> -> memref<10000x16xf32, #tpu.memory_space<hbm>>
        tpu.wait_indirect_dma semaphore(%arg17 : memref<!tpu.dma_semaphore, #tpu.memory_space<semaphore_mem>>) src(%dma_wait3A_210 : memref<10000x16xf32, #tpu.memory_space<hbm>>) dst(%arg14 : memref<128x16xf32, #tpu.memory_space<vmem>>)
        %dma_start3A_211 = arith.constant 0 : i32
        %dma_start3A_212 = arith.constant 0 : i32
        %dma_start3A_213 = tpu.memref_slice %arg15[%while3A_166, %dma_start3A_211, %dma_start3A_212] : memref<79x1x128xi32, #tpu.memory_space<vmem>> -> memref<1x1x128xi32, #tpu.memory_space<vmem>>
        %dma_start3A_214 = tpu.memref_squeeze %dma_start3A_213 : memref<1x1x128xi32, #tpu.memory_space<vmem>> -> memref<128xi32, #tpu.memory_space<vmem>>
        %dma_start3A_215 = arith.constant 0 : i32
        %dma_start3A_216 = arith.constant 0 : i32
        %dma_start3A_217 = tpu.memref_slice %arg16[%dma_start3A_215, %dma_start3A_216] : memref<10112x16xf32, #tpu.memory_space<vmem_shared>> -> memref<10112x16xf32, #tpu.memory_space<vmem_shared>>
        tpu.enqueue_indirect_dma source(%arg14 : memref<128x16xf32, #tpu.memory_space<vmem>>) target(%dma_start3A_217 : memref<10112x16xf32, #tpu.memory_space<vmem_shared>>) offsets(%dma_start3A_214 : memref<128xi32, #tpu.memory_space<vmem>>) semaphore(%arg18 : memref<!tpu.dma_semaphore, #tpu.memory_space<semaphore_mem>>) {add = true}
      } else {
      }
    }
    %while3A_42 = arith.constant 1 : i32
    scf.for %while3A_166 = %while3A_40 to %while3A_36 step %while3A_42  : i32 {
      %rem3A_167 = arith.constant 4 : i32
      %rem3A_168 = arith.remsi %while3A_166, %rem3A_167 : i32
      %eq3A_169 = arith.constant 0 : i32
      %eq3A_170 = arith.cmpi eq, %rem3A_168, %eq3A_169 : i32
      %convert_element_type3A_171 = arith.extui %eq3A_170 : i1 to i32
      %cond3A_172 = arith.constant 0 : i32
      %cond3A_173 = arith.cmpi ne, %convert_element_type3A_171, %cond3A_172 : i32
      scf.if %cond3A_173 {
        %ge3A_189 = arith.constant 3 : i32
        %ge3A_190 = arith.cmpi sge, %while3A_166, %ge3A_189 : i32
        %convert_element_type3A_191 = arith.extui %ge3A_190 : i1 to i32
        %cond3A_192 = arith.constant 0 : i32
        %cond3A_193 = arith.cmpi ne, %convert_element_type3A_191, %cond3A_192 : i32
        scf.if %cond3A_193 {
          %sub3A_218 = arith.constant 3 : i32
          %sub3A_219 = arith.subi %while3A_166, %sub3A_218 : i32
          %dma_wait3A_220 = arith.constant 0 : i32
          %dma_wait3A_221 = arith.constant 0 : i32
          %dma_wait3A_222 = tpu.memref_slice %arg15[%sub3A_219, %dma_wait3A_220, %dma_wait3A_221] : memref<79x1x128xi32, #tpu.memory_space<vmem>> -> memref<1x1x128xi32, #tpu.memory_space<vmem>>
          %dma_wait3A_223 = tpu.memref_squeeze %dma_wait3A_222 : memref<1x1x128xi32, #tpu.memory_space<vmem>> -> memref<128xi32, #tpu.memory_space<vmem>>
          %dma_wait3A_224 = arith.constant 0 : i32
          %dma_wait3A_225 = arith.constant 0 : i32
          %dma_wait3A_226 = tpu.memref_slice %arg16[%dma_wait3A_224, %dma_wait3A_225] : memref<10112x16xf32, #tpu.memory_space<vmem_shared>> -> memref<10112x16xf32, #tpu.memory_space<vmem_shared>>
          tpu.wait_indirect_dma semaphore(%arg18 : memref<!tpu.dma_semaphore, #tpu.memory_space<semaphore_mem>>) src(%arg12 : memref<128x16xf32, #tpu.memory_space<vmem>>) dst(%dma_wait3A_226 : memref<10112x16xf32, #tpu.memory_space<vmem_shared>>)
        } else {
        }
        %add3A_194 = arith.constant 1 : i32
        %add3A_195 = arith.addi %while3A_166, %add3A_194 : i32
        %lt3A = arith.cmpi slt, %add3A_195, %select_n3A : i32
        %convert_element_type3A_196 = arith.extui %lt3A : i1 to i32
        %cond3A_197 = arith.constant 0 : i32
        %cond3A_198 = arith.cmpi ne, %convert_element_type3A_196, %cond3A_197 : i32
        scf.if %cond3A_198 {
          %add3A_218 = arith.addi %select_n3A_8, %while3A_166 : i32
          %add3A_219 = arith.constant 1 : i32
          %add3A_220 = arith.addi %add3A_218, %add3A_219 : i32
          %dma_wait3A_221 = arith.constant 0 : i32
          %dma_wait3A_222 = arith.constant 0 : i32
          %dma_wait3A_223 = tpu.memref_slice %arg3[%add3A_220, %dma_wait3A_221, %dma_wait3A_222] : memref<2512x1x128xi32, #tpu.memory_space<hbm>> -> memref<1x1x128xi32, #tpu.memory_space<hbm>>
          %dma_wait3A_224 = tpu.memref_squeeze %dma_wait3A_223 : memref<1x1x128xi32, #tpu.memory_space<hbm>> -> memref<1x128xi32, #tpu.memory_space<hbm>>
          %dma_wait3A_225 = arith.constant 0 : i32
          %dma_wait3A_226 = arith.constant 0 : i32
          %dma_wait3A_227 = tpu.memref_slice %arg3[%add3A_220, %dma_wait3A_225, %dma_wait3A_226] : memref<2512x1x128xi32, #tpu.memory_space<hbm>> -> memref<1x1x128xi32, #tpu.memory_space<hbm>>
          %dma_wait3A_228 = tpu.memref_squeeze %dma_wait3A_227 : memref<1x1x128xi32, #tpu.memory_space<hbm>> -> memref<1x128xi32, #tpu.memory_space<hbm>>
          tpu.wait_dma2 semaphore(%arg19 : memref<!tpu.dma_semaphore, #tpu.memory_space<semaphore_mem>>) src(%dma_wait3A_228 : memref<1x128xi32, #tpu.memory_space<hbm>>) dst(%arg8 : memref<1x128xi32, #tpu.memory_space<vmem>>)
          %dma_start3A_229 = arith.constant 0 : i32
          %dma_start3A_230 = arith.constant 0 : i32
          %dma_start3A_231 = tpu.memref_slice %arg8[%dma_start3A_229, %dma_start3A_230] : memref<1x128xi32, #tpu.memory_space<vmem>> -> memref<1x128xi32, #tpu.memory_space<vmem>>
          %dma_start3A_232 = tpu.memref_squeeze %dma_start3A_231 : memref<1x128xi32, #tpu.memory_space<vmem>> -> memref<128xi32, #tpu.memory_space<vmem>>
          %dma_start3A_233 = arith.constant 0 : i32
          %dma_start3A_234 = arith.constant 0 : i32
          %dma_start3A_235 = tpu.memref_slice %arg2[%dma_start3A_233, %dma_start3A_234] : memref<10000x16xf32, #tpu.memory_space<hbm>> -> memref<10000x16xf32, #tpu.memory_space<hbm>>
          tpu.enqueue_indirect_dma source(%dma_start3A_235 : memref<10000x16xf32, #tpu.memory_space<hbm>>) target(%arg12 : memref<128x16xf32, #tpu.memory_space<vmem>>) offsets(%dma_start3A_232 : memref<128xi32, #tpu.memory_space<vmem>>) semaphore(%arg17 : memref<!tpu.dma_semaphore, #tpu.memory_space<semaphore_mem>>)
        } else {
        }
        %add3A_199 = arith.constant 3 : i32
        %add3A_200 = arith.addi %while3A_166, %add3A_199 : i32
        %lt3A_201 = arith.cmpi slt, %add3A_200, %select_n3A : i32
        %convert_element_type3A_202 = arith.extui %lt3A_201 : i1 to i32
        %cond3A_203 = arith.constant 0 : i32
        %cond3A_204 = arith.cmpi ne, %convert_element_type3A_202, %cond3A_203 : i32
        scf.if %cond3A_204 {
          %add3A_218 = arith.addi %select_n3A_8, %while3A_166 : i32
          %add3A_219 = arith.constant 3 : i32
          %add3A_220 = arith.addi %add3A_218, %add3A_219 : i32
          %dma_start3A_221 = arith.constant 0 : i32
          %dma_start3A_222 = arith.constant 0 : i32
          %dma_start3A_223 = tpu.memref_slice %arg3[%add3A_220, %dma_start3A_221, %dma_start3A_222] : memref<2512x1x128xi32, #tpu.memory_space<hbm>> -> memref<1x1x128xi32, #tpu.memory_space<hbm>>
          %dma_start3A_224 = tpu.memref_squeeze %dma_start3A_223 : memref<1x1x128xi32, #tpu.memory_space<hbm>> -> memref<1x128xi32, #tpu.memory_space<hbm>>
          %dma_start3A_225 = arith.constant 0 : i32
          %dma_start3A_226 = arith.constant 0 : i32
          %dma_start3A_227 = tpu.memref_slice %arg3[%add3A_220, %dma_start3A_225, %dma_start3A_226] : memref<2512x1x128xi32, #tpu.memory_space<hbm>> -> memref<1x1x128xi32, #tpu.memory_space<hbm>>
          %dma_start3A_228 = tpu.memref_squeeze %dma_start3A_227 : memref<1x1x128xi32, #tpu.memory_space<hbm>> -> memref<1x128xi32, #tpu.memory_space<hbm>>
          tpu.enqueue_dma source(%dma_start3A_228 : memref<1x128xi32, #tpu.memory_space<hbm>>) target(%arg10 : memref<1x128xi32, #tpu.memory_space<vmem>>) target_semaphore(%arg19 : memref<!tpu.dma_semaphore, #tpu.memory_space<semaphore_mem>>)
        } else {
        }
        %dma_wait3A = arith.constant 0 : i32
        %dma_wait3A_205 = arith.constant 0 : i32
        %dma_wait3A_206 = tpu.memref_slice %arg7[%dma_wait3A, %dma_wait3A_205] : memref<1x128xi32, #tpu.memory_space<vmem>> -> memref<1x128xi32, #tpu.memory_space<vmem>>
        %dma_wait3A_207 = tpu.memref_squeeze %dma_wait3A_206 : memref<1x128xi32, #tpu.memory_space<vmem>> -> memref<128xi32, #tpu.memory_space<vmem>>
        %dma_wait3A_208 = arith.constant 0 : i32
        %dma_wait3A_209 = arith.constant 0 : i32
        %dma_wait3A_210 = tpu.memref_slice %arg2[%dma_wait3A_208, %dma_wait3A_209] : memref<10000x16xf32, #tpu.memory_space<hbm>> -> memref<10000x16xf32, #tpu.memory_space<hbm>>
        tpu.wait_indirect_dma semaphore(%arg17 : memref<!tpu.dma_semaphore, #tpu.memory_space<semaphore_mem>>) src(%dma_wait3A_210 : memref<10000x16xf32, #tpu.memory_space<hbm>>) dst(%arg11 : memref<128x16xf32, #tpu.memory_space<vmem>>)
        %dma_start3A_211 = arith.constant 0 : i32
        %dma_start3A_212 = arith.constant 0 : i32
        %dma_start3A_213 = tpu.memref_slice %arg15[%while3A_166, %dma_start3A_211, %dma_start3A_212] : memref<79x1x128xi32, #tpu.memory_space<vmem>> -> memref<1x1x128xi32, #tpu.memory_space<vmem>>
        %dma_start3A_214 = tpu.memref_squeeze %dma_start3A_213 : memref<1x1x128xi32, #tpu.memory_space<vmem>> -> memref<128xi32, #tpu.memory_space<vmem>>
        %dma_start3A_215 = arith.constant 0 : i32
        %dma_start3A_216 = arith.constant 0 : i32
        %dma_start3A_217 = tpu.memref_slice %arg16[%dma_start3A_215, %dma_start3A_216] : memref<10112x16xf32, #tpu.memory_space<vmem_shared>> -> memref<10112x16xf32, #tpu.memory_space<vmem_shared>>
        tpu.enqueue_indirect_dma source(%arg11 : memref<128x16xf32, #tpu.memory_space<vmem>>) target(%dma_start3A_217 : memref<10112x16xf32, #tpu.memory_space<vmem_shared>>) offsets(%dma_start3A_214 : memref<128xi32, #tpu.memory_space<vmem>>) semaphore(%arg18 : memref<!tpu.dma_semaphore, #tpu.memory_space<semaphore_mem>>) {add = true}
      } else {
      }
      %eq3A_174 = arith.constant 1 : i32
      %eq3A_175 = arith.cmpi eq, %rem3A_168, %eq3A_174 : i32
      %convert_element_type3A_176 = arith.extui %eq3A_175 : i1 to i32
      %cond3A_177 = arith.constant 0 : i32
      %cond3A_178 = arith.cmpi ne, %convert_element_type3A_176, %cond3A_177 : i32
      scf.if %cond3A_178 {
        %ge3A_189 = arith.constant 3 : i32
        %ge3A_190 = arith.cmpi sge, %while3A_166, %ge3A_189 : i32
        %convert_element_type3A_191 = arith.extui %ge3A_190 : i1 to i32
        %cond3A_192 = arith.constant 0 : i32
        %cond3A_193 = arith.cmpi ne, %convert_element_type3A_191, %cond3A_192 : i32
        scf.if %cond3A_193 {
          %sub3A_218 = arith.constant 3 : i32
          %sub3A_219 = arith.subi %while3A_166, %sub3A_218 : i32
          %dma_wait3A_220 = arith.constant 0 : i32
          %dma_wait3A_221 = arith.constant 0 : i32
          %dma_wait3A_222 = tpu.memref_slice %arg15[%sub3A_219, %dma_wait3A_220, %dma_wait3A_221] : memref<79x1x128xi32, #tpu.memory_space<vmem>> -> memref<1x1x128xi32, #tpu.memory_space<vmem>>
          %dma_wait3A_223 = tpu.memref_squeeze %dma_wait3A_222 : memref<1x1x128xi32, #tpu.memory_space<vmem>> -> memref<128xi32, #tpu.memory_space<vmem>>
          %dma_wait3A_224 = arith.constant 0 : i32
          %dma_wait3A_225 = arith.constant 0 : i32
          %dma_wait3A_226 = tpu.memref_slice %arg16[%dma_wait3A_224, %dma_wait3A_225] : memref<10112x16xf32, #tpu.memory_space<vmem_shared>> -> memref<10112x16xf32, #tpu.memory_space<vmem_shared>>
          tpu.wait_indirect_dma semaphore(%arg18 : memref<!tpu.dma_semaphore, #tpu.memory_space<semaphore_mem>>) src(%arg13 : memref<128x16xf32, #tpu.memory_space<vmem>>) dst(%dma_wait3A_226 : memref<10112x16xf32, #tpu.memory_space<vmem_shared>>)
        } else {
        }
        %add3A_194 = arith.constant 1 : i32
        %add3A_195 = arith.addi %while3A_166, %add3A_194 : i32
        %lt3A = arith.cmpi slt, %add3A_195, %select_n3A : i32
        %convert_element_type3A_196 = arith.extui %lt3A : i1 to i32
        %cond3A_197 = arith.constant 0 : i32
        %cond3A_198 = arith.cmpi ne, %convert_element_type3A_196, %cond3A_197 : i32
        scf.if %cond3A_198 {
          %add3A_218 = arith.addi %select_n3A_8, %while3A_166 : i32
          %add3A_219 = arith.constant 1 : i32
          %add3A_220 = arith.addi %add3A_218, %add3A_219 : i32
          %dma_wait3A_221 = arith.constant 0 : i32
          %dma_wait3A_222 = arith.constant 0 : i32
          %dma_wait3A_223 = tpu.memref_slice %arg3[%add3A_220, %dma_wait3A_221, %dma_wait3A_222] : memref<2512x1x128xi32, #tpu.memory_space<hbm>> -> memref<1x1x128xi32, #tpu.memory_space<hbm>>
          %dma_wait3A_224 = tpu.memref_squeeze %dma_wait3A_223 : memref<1x1x128xi32, #tpu.memory_space<hbm>> -> memref<1x128xi32, #tpu.memory_space<hbm>>
          %dma_wait3A_225 = arith.constant 0 : i32
          %dma_wait3A_226 = arith.constant 0 : i32
          %dma_wait3A_227 = tpu.memref_slice %arg3[%add3A_220, %dma_wait3A_225, %dma_wait3A_226] : memref<2512x1x128xi32, #tpu.memory_space<hbm>> -> memref<1x1x128xi32, #tpu.memory_space<hbm>>
          %dma_wait3A_228 = tpu.memref_squeeze %dma_wait3A_227 : memref<1x1x128xi32, #tpu.memory_space<hbm>> -> memref<1x128xi32, #tpu.memory_space<hbm>>
          tpu.wait_dma2 semaphore(%arg19 : memref<!tpu.dma_semaphore, #tpu.memory_space<semaphore_mem>>) src(%dma_wait3A_228 : memref<1x128xi32, #tpu.memory_space<hbm>>) dst(%arg9 : memref<1x128xi32, #tpu.memory_space<vmem>>)
          %dma_start3A_229 = arith.constant 0 : i32
          %dma_start3A_230 = arith.constant 0 : i32
          %dma_start3A_231 = tpu.memref_slice %arg9[%dma_start3A_229, %dma_start3A_230] : memref<1x128xi32, #tpu.memory_space<vmem>> -> memref<1x128xi32, #tpu.memory_space<vmem>>
          %dma_start3A_232 = tpu.memref_squeeze %dma_start3A_231 : memref<1x128xi32, #tpu.memory_space<vmem>> -> memref<128xi32, #tpu.memory_space<vmem>>
          %dma_start3A_233 = arith.constant 0 : i32
          %dma_start3A_234 = arith.constant 0 : i32
          %dma_start3A_235 = tpu.memref_slice %arg2[%dma_start3A_233, %dma_start3A_234] : memref<10000x16xf32, #tpu.memory_space<hbm>> -> memref<10000x16xf32, #tpu.memory_space<hbm>>
          tpu.enqueue_indirect_dma source(%dma_start3A_235 : memref<10000x16xf32, #tpu.memory_space<hbm>>) target(%arg13 : memref<128x16xf32, #tpu.memory_space<vmem>>) offsets(%dma_start3A_232 : memref<128xi32, #tpu.memory_space<vmem>>) semaphore(%arg17 : memref<!tpu.dma_semaphore, #tpu.memory_space<semaphore_mem>>)
        } else {
        }
        %add3A_199 = arith.constant 3 : i32
        %add3A_200 = arith.addi %while3A_166, %add3A_199 : i32
        %lt3A_201 = arith.cmpi slt, %add3A_200, %select_n3A : i32
        %convert_element_type3A_202 = arith.extui %lt3A_201 : i1 to i32
        %cond3A_203 = arith.constant 0 : i32
        %cond3A_204 = arith.cmpi ne, %convert_element_type3A_202, %cond3A_203 : i32
        scf.if %cond3A_204 {
          %add3A_218 = arith.addi %select_n3A_8, %while3A_166 : i32
          %add3A_219 = arith.constant 3 : i32
          %add3A_220 = arith.addi %add3A_218, %add3A_219 : i32
          %dma_start3A_221 = arith.constant 0 : i32
          %dma_start3A_222 = arith.constant 0 : i32
          %dma_start3A_223 = tpu.memref_slice %arg3[%add3A_220, %dma_start3A_221, %dma_start3A_222] : memref<2512x1x128xi32, #tpu.memory_space<hbm>> -> memref<1x1x128xi32, #tpu.memory_space<hbm>>
          %dma_start3A_224 = tpu.memref_squeeze %dma_start3A_223 : memref<1x1x128xi32, #tpu.memory_space<hbm>> -> memref<1x128xi32, #tpu.memory_space<hbm>>
          %dma_start3A_225 = arith.constant 0 : i32
          %dma_start3A_226 = arith.constant 0 : i32
          %dma_start3A_227 = tpu.memref_slice %arg3[%add3A_220, %dma_start3A_225, %dma_start3A_226] : memref<2512x1x128xi32, #tpu.memory_space<hbm>> -> memref<1x1x128xi32, #tpu.memory_space<hbm>>
          %dma_start3A_228 = tpu.memref_squeeze %dma_start3A_227 : memref<1x1x128xi32, #tpu.memory_space<hbm>> -> memref<1x128xi32, #tpu.memory_space<hbm>>
          tpu.enqueue_dma source(%dma_start3A_228 : memref<1x128xi32, #tpu.memory_space<hbm>>) target(%arg7 : memref<1x128xi32, #tpu.memory_space<vmem>>) target_semaphore(%arg19 : memref<!tpu.dma_semaphore, #tpu.memory_space<semaphore_mem>>)
        } else {
        }
        %dma_wait3A = arith.constant 0 : i32
        %dma_wait3A_205 = arith.constant 0 : i32
        %dma_wait3A_206 = tpu.memref_slice %arg8[%dma_wait3A, %dma_wait3A_205] : memref<1x128xi32, #tpu.memory_space<vmem>> -> memref<1x128xi32, #tpu.memory_space<vmem>>
        %dma_wait3A_207 = tpu.memref_squeeze %dma_wait3A_206 : memref<1x128xi32, #tpu.memory_space<vmem>> -> memref<128xi32, #tpu.memory_space<vmem>>
        %dma_wait3A_208 = arith.constant 0 : i32
        %dma_wait3A_209 = arith.constant 0 : i32
        %dma_wait3A_210 = tpu.memref_slice %arg2[%dma_wait3A_208, %dma_wait3A_209] : memref<10000x16xf32, #tpu.memory_space<hbm>> -> memref<10000x16xf32, #tpu.memory_space<hbm>>
        tpu.wait_indirect_dma semaphore(%arg17 : memref<!tpu.dma_semaphore, #tpu.memory_space<semaphore_mem>>) src(%dma_wait3A_210 : memref<10000x16xf32, #tpu.memory_space<hbm>>) dst(%arg12 : memref<128x16xf32, #tpu.memory_space<vmem>>)
        %dma_start3A_211 = arith.constant 0 : i32
        %dma_start3A_212 = arith.constant 0 : i32
        %dma_start3A_213 = tpu.memref_slice %arg15[%while3A_166, %dma_start3A_211, %dma_start3A_212] : memref<79x1x128xi32, #tpu.memory_space<vmem>> -> memref<1x1x128xi32, #tpu.memory_space<vmem>>
        %dma_start3A_214 = tpu.memref_squeeze %dma_start3A_213 : memref<1x1x128xi32, #tpu.memory_space<vmem>> -> memref<128xi32, #tpu.memory_space<vmem>>
        %dma_start3A_215 = arith.constant 0 : i32
        %dma_start3A_216 = arith.constant 0 : i32
        %dma_start3A_217 = tpu.memref_slice %arg16[%dma_start3A_215, %dma_start3A_216] : memref<10112x16xf32, #tpu.memory_space<vmem_shared>> -> memref<10112x16xf32, #tpu.memory_space<vmem_shared>>
        tpu.enqueue_indirect_dma source(%arg12 : memref<128x16xf32, #tpu.memory_space<vmem>>) target(%dma_start3A_217 : memref<10112x16xf32, #tpu.memory_space<vmem_shared>>) offsets(%dma_start3A_214 : memref<128xi32, #tpu.memory_space<vmem>>) semaphore(%arg18 : memref<!tpu.dma_semaphore, #tpu.memory_space<semaphore_mem>>) {add = true}
      } else {
      }
      %eq3A_179 = arith.constant 2 : i32
      %eq3A_180 = arith.cmpi eq, %rem3A_168, %eq3A_179 : i32
      %convert_element_type3A_181 = arith.extui %eq3A_180 : i1 to i32
      %cond3A_182 = arith.constant 0 : i32
      %cond3A_183 = arith.cmpi ne, %convert_element_type3A_181, %cond3A_182 : i32
      scf.if %cond3A_183 {
        %ge3A_189 = arith.constant 3 : i32
        %ge3A_190 = arith.cmpi sge, %while3A_166, %ge3A_189 : i32
        %convert_element_type3A_191 = arith.extui %ge3A_190 : i1 to i32
        %cond3A_192 = arith.constant 0 : i32
        %cond3A_193 = arith.cmpi ne, %convert_element_type3A_191, %cond3A_192 : i32
        scf.if %cond3A_193 {
          %sub3A_218 = arith.constant 3 : i32
          %sub3A_219 = arith.subi %while3A_166, %sub3A_218 : i32
          %dma_wait3A_220 = arith.constant 0 : i32
          %dma_wait3A_221 = arith.constant 0 : i32
          %dma_wait3A_222 = tpu.memref_slice %arg15[%sub3A_219, %dma_wait3A_220, %dma_wait3A_221] : memref<79x1x128xi32, #tpu.memory_space<vmem>> -> memref<1x1x128xi32, #tpu.memory_space<vmem>>
          %dma_wait3A_223 = tpu.memref_squeeze %dma_wait3A_222 : memref<1x1x128xi32, #tpu.memory_space<vmem>> -> memref<128xi32, #tpu.memory_space<vmem>>
          %dma_wait3A_224 = arith.constant 0 : i32
          %dma_wait3A_225 = arith.constant 0 : i32
          %dma_wait3A_226 = tpu.memref_slice %arg16[%dma_wait3A_224, %dma_wait3A_225] : memref<10112x16xf32, #tpu.memory_space<vmem_shared>> -> memref<10112x16xf32, #tpu.memory_space<vmem_shared>>
          tpu.wait_indirect_dma semaphore(%arg18 : memref<!tpu.dma_semaphore, #tpu.memory_space<semaphore_mem>>) src(%arg14 : memref<128x16xf32, #tpu.memory_space<vmem>>) dst(%dma_wait3A_226 : memref<10112x16xf32, #tpu.memory_space<vmem_shared>>)
        } else {
        }
        %add3A_194 = arith.constant 1 : i32
        %add3A_195 = arith.addi %while3A_166, %add3A_194 : i32
        %lt3A = arith.cmpi slt, %add3A_195, %select_n3A : i32
        %convert_element_type3A_196 = arith.extui %lt3A : i1 to i32
        %cond3A_197 = arith.constant 0 : i32
        %cond3A_198 = arith.cmpi ne, %convert_element_type3A_196, %cond3A_197 : i32
        scf.if %cond3A_198 {
          %add3A_218 = arith.addi %select_n3A_8, %while3A_166 : i32
          %add3A_219 = arith.constant 1 : i32
          %add3A_220 = arith.addi %add3A_218, %add3A_219 : i32
          %dma_wait3A_221 = arith.constant 0 : i32
          %dma_wait3A_222 = arith.constant 0 : i32
          %dma_wait3A_223 = tpu.memref_slice %arg3[%add3A_220, %dma_wait3A_221, %dma_wait3A_222] : memref<2512x1x128xi32, #tpu.memory_space<hbm>> -> memref<1x1x128xi32, #tpu.memory_space<hbm>>
          %dma_wait3A_224 = tpu.memref_squeeze %dma_wait3A_223 : memref<1x1x128xi32, #tpu.memory_space<hbm>> -> memref<1x128xi32, #tpu.memory_space<hbm>>
          %dma_wait3A_225 = arith.constant 0 : i32
          %dma_wait3A_226 = arith.constant 0 : i32
          %dma_wait3A_227 = tpu.memref_slice %arg3[%add3A_220, %dma_wait3A_225, %dma_wait3A_226] : memref<2512x1x128xi32, #tpu.memory_space<hbm>> -> memref<1x1x128xi32, #tpu.memory_space<hbm>>
          %dma_wait3A_228 = tpu.memref_squeeze %dma_wait3A_227 : memref<1x1x128xi32, #tpu.memory_space<hbm>> -> memref<1x128xi32, #tpu.memory_space<hbm>>
          tpu.wait_dma2 semaphore(%arg19 : memref<!tpu.dma_semaphore, #tpu.memory_space<semaphore_mem>>) src(%dma_wait3A_228 : memref<1x128xi32, #tpu.memory_space<hbm>>) dst(%arg10 : memref<1x128xi32, #tpu.memory_space<vmem>>)
          %dma_start3A_229 = arith.constant 0 : i32
          %dma_start3A_230 = arith.constant 0 : i32
          %dma_start3A_231 = tpu.memref_slice %arg10[%dma_start3A_229, %dma_start3A_230] : memref<1x128xi32, #tpu.memory_space<vmem>> -> memref<1x128xi32, #tpu.memory_space<vmem>>
          %dma_start3A_232 = tpu.memref_squeeze %dma_start3A_231 : memref<1x128xi32, #tpu.memory_space<vmem>> -> memref<128xi32, #tpu.memory_space<vmem>>
          %dma_start3A_233 = arith.constant 0 : i32
          %dma_start3A_234 = arith.constant 0 : i32
          %dma_start3A_235 = tpu.memref_slice %arg2[%dma_start3A_233, %dma_start3A_234] : memref<10000x16xf32, #tpu.memory_space<hbm>> -> memref<10000x16xf32, #tpu.memory_space<hbm>>
          tpu.enqueue_indirect_dma source(%dma_start3A_235 : memref<10000x16xf32, #tpu.memory_space<hbm>>) target(%arg14 : memref<128x16xf32, #tpu.memory_space<vmem>>) offsets(%dma_start3A_232 : memref<128xi32, #tpu.memory_space<vmem>>) semaphore(%arg17 : memref<!tpu.dma_semaphore, #tpu.memory_space<semaphore_mem>>)
        } else {
        }
        %add3A_199 = arith.constant 3 : i32
        %add3A_200 = arith.addi %while3A_166, %add3A_199 : i32
        %lt3A_201 = arith.cmpi slt, %add3A_200, %select_n3A : i32
        %convert_element_type3A_202 = arith.extui %lt3A_201 : i1 to i32
        %cond3A_203 = arith.constant 0 : i32
        %cond3A_204 = arith.cmpi ne, %convert_element_type3A_202, %cond3A_203 : i32
        scf.if %cond3A_204 {
          %add3A_218 = arith.addi %select_n3A_8, %while3A_166 : i32
          %add3A_219 = arith.constant 3 : i32
          %add3A_220 = arith.addi %add3A_218, %add3A_219 : i32
          %dma_start3A_221 = arith.constant 0 : i32
          %dma_start3A_222 = arith.constant 0 : i32
          %dma_start3A_223 = tpu.memref_slice %arg3[%add3A_220, %dma_start3A_221, %dma_start3A_222] : memref<2512x1x128xi32, #tpu.memory_space<hbm>> -> memref<1x1x128xi32, #tpu.memory_space<hbm>>
          %dma_start3A_224 = tpu.memref_squeeze %dma_start3A_223 : memref<1x1x128xi32, #tpu.memory_space<hbm>> -> memref<1x128xi32, #tpu.memory_space<hbm>>
          %dma_start3A_225 = arith.constant 0 : i32
          %dma_start3A_226 = arith.constant 0 : i32
          %dma_start3A_227 = tpu.memref_slice %arg3[%add3A_220, %dma_start3A_225, %dma_start3A_226] : memref<2512x1x128xi32, #tpu.memory_space<hbm>> -> memref<1x1x128xi32, #tpu.memory_space<hbm>>
          %dma_start3A_228 = tpu.memref_squeeze %dma_start3A_227 : memref<1x1x128xi32, #tpu.memory_space<hbm>> -> memref<1x128xi32, #tpu.memory_space<hbm>>
          tpu.enqueue_dma source(%dma_start3A_228 : memref<1x128xi32, #tpu.memory_space<hbm>>) target(%arg8 : memref<1x128xi32, #tpu.memory_space<vmem>>) target_semaphore(%arg19 : memref<!tpu.dma_semaphore, #tpu.memory_space<semaphore_mem>>)
        } else {
        }
        %dma_wait3A = arith.constant 0 : i32
        %dma_wait3A_205 = arith.constant 0 : i32
        %dma_wait3A_206 = tpu.memref_slice %arg9[%dma_wait3A, %dma_wait3A_205] : memref<1x128xi32, #tpu.memory_space<vmem>> -> memref<1x128xi32, #tpu.memory_space<vmem>>
        %dma_wait3A_207 = tpu.memref_squeeze %dma_wait3A_206 : memref<1x128xi32, #tpu.memory_space<vmem>> -> memref<128xi32, #tpu.memory_space<vmem>>
        %dma_wait3A_208 = arith.constant 0 : i32
        %dma_wait3A_209 = arith.constant 0 : i32
        %dma_wait3A_210 = tpu.memref_slice %arg2[%dma_wait3A_208, %dma_wait3A_209] : memref<10000x16xf32, #tpu.memory_space<hbm>> -> memref<10000x16xf32, #tpu.memory_space<hbm>>
        tpu.wait_indirect_dma semaphore(%arg17 : memref<!tpu.dma_semaphore, #tpu.memory_space<semaphore_mem>>) src(%dma_wait3A_210 : memref<10000x16xf32, #tpu.memory_space<hbm>>) dst(%arg13 : memref<128x16xf32, #tpu.memory_space<vmem>>)
        %dma_start3A_211 = arith.constant 0 : i32
        %dma_start3A_212 = arith.constant 0 : i32
        %dma_start3A_213 = tpu.memref_slice %arg15[%while3A_166, %dma_start3A_211, %dma_start3A_212] : memref<79x1x128xi32, #tpu.memory_space<vmem>> -> memref<1x1x128xi32, #tpu.memory_space<vmem>>
        %dma_start3A_214 = tpu.memref_squeeze %dma_start3A_213 : memref<1x1x128xi32, #tpu.memory_space<vmem>> -> memref<128xi32, #tpu.memory_space<vmem>>
        %dma_start3A_215 = arith.constant 0 : i32
        %dma_start3A_216 = arith.constant 0 : i32
        %dma_start3A_217 = tpu.memref_slice %arg16[%dma_start3A_215, %dma_start3A_216] : memref<10112x16xf32, #tpu.memory_space<vmem_shared>> -> memref<10112x16xf32, #tpu.memory_space<vmem_shared>>
        tpu.enqueue_indirect_dma source(%arg13 : memref<128x16xf32, #tpu.memory_space<vmem>>) target(%dma_start3A_217 : memref<10112x16xf32, #tpu.memory_space<vmem_shared>>) offsets(%dma_start3A_214 : memref<128xi32, #tpu.memory_space<vmem>>) semaphore(%arg18 : memref<!tpu.dma_semaphore, #tpu.memory_space<semaphore_mem>>) {add = true}
      } else {
      }
      %eq3A_184 = arith.constant 3 : i32
      %eq3A_185 = arith.cmpi eq, %rem3A_168, %eq3A_184 : i32
      %convert_element_type3A_186 = arith.extui %eq3A_185 : i1 to i32
      %cond3A_187 = arith.constant 0 : i32
      %cond3A_188 = arith.cmpi ne, %convert_element_type3A_186, %cond3A_187 : i32
      scf.if %cond3A_188 {
        %ge3A_189 = arith.constant 3 : i32
        %ge3A_190 = arith.cmpi sge, %while3A_166, %ge3A_189 : i32
        %convert_element_type3A_191 = arith.extui %ge3A_190 : i1 to i32
        %cond3A_192 = arith.constant 0 : i32
        %cond3A_193 = arith.cmpi ne, %convert_element_type3A_191, %cond3A_192 : i32
        scf.if %cond3A_193 {
          %sub3A_218 = arith.constant 3 : i32
          %sub3A_219 = arith.subi %while3A_166, %sub3A_218 : i32
          %dma_wait3A_220 = arith.constant 0 : i32
          %dma_wait3A_221 = arith.constant 0 : i32
          %dma_wait3A_222 = tpu.memref_slice %arg15[%sub3A_219, %dma_wait3A_220, %dma_wait3A_221] : memref<79x1x128xi32, #tpu.memory_space<vmem>> -> memref<1x1x128xi32, #tpu.memory_space<vmem>>
          %dma_wait3A_223 = tpu.memref_squeeze %dma_wait3A_222 : memref<1x1x128xi32, #tpu.memory_space<vmem>> -> memref<128xi32, #tpu.memory_space<vmem>>
          %dma_wait3A_224 = arith.constant 0 : i32
          %dma_wait3A_225 = arith.constant 0 : i32
          %dma_wait3A_226 = tpu.memref_slice %arg16[%dma_wait3A_224, %dma_wait3A_225] : memref<10112x16xf32, #tpu.memory_space<vmem_shared>> -> memref<10112x16xf32, #tpu.memory_space<vmem_shared>>
          tpu.wait_indirect_dma semaphore(%arg18 : memref<!tpu.dma_semaphore, #tpu.memory_space<semaphore_mem>>) src(%arg11 : memref<128x16xf32, #tpu.memory_space<vmem>>) dst(%dma_wait3A_226 : memref<10112x16xf32, #tpu.memory_space<vmem_shared>>)
        } else {
        }
        %add3A_194 = arith.constant 1 : i32
        %add3A_195 = arith.addi %while3A_166, %add3A_194 : i32
        %lt3A = arith.cmpi slt, %add3A_195, %select_n3A : i32
        %convert_element_type3A_196 = arith.extui %lt3A : i1 to i32
        %cond3A_197 = arith.constant 0 : i32
        %cond3A_198 = arith.cmpi ne, %convert_element_type3A_196, %cond3A_197 : i32
        scf.if %cond3A_198 {
          %add3A_218 = arith.addi %select_n3A_8, %while3A_166 : i32
          %add3A_219 = arith.constant 1 : i32
          %add3A_220 = arith.addi %add3A_218, %add3A_219 : i32
          %dma_wait3A_221 = arith.constant 0 : i32
          %dma_wait3A_222 = arith.constant 0 : i32
          %dma_wait3A_223 = tpu.memref_slice %arg3[%add3A_220, %dma_wait3A_221, %dma_wait3A_222] : memref<2512x1x128xi32, #tpu.memory_space<hbm>> -> memref<1x1x128xi32, #tpu.memory_space<hbm>>
          %dma_wait3A_224 = tpu.memref_squeeze %dma_wait3A_223 : memref<1x1x128xi32, #tpu.memory_space<hbm>> -> memref<1x128xi32, #tpu.memory_space<hbm>>
          %dma_wait3A_225 = arith.constant 0 : i32
          %dma_wait3A_226 = arith.constant 0 : i32
          %dma_wait3A_227 = tpu.memref_slice %arg3[%add3A_220, %dma_wait3A_225, %dma_wait3A_226] : memref<2512x1x128xi32, #tpu.memory_space<hbm>> -> memref<1x1x128xi32, #tpu.memory_space<hbm>>
          %dma_wait3A_228 = tpu.memref_squeeze %dma_wait3A_227 : memref<1x1x128xi32, #tpu.memory_space<hbm>> -> memref<1x128xi32, #tpu.memory_space<hbm>>
          tpu.wait_dma2 semaphore(%arg19 : memref<!tpu.dma_semaphore, #tpu.memory_space<semaphore_mem>>) src(%dma_wait3A_228 : memref<1x128xi32, #tpu.memory_space<hbm>>) dst(%arg7 : memref<1x128xi32, #tpu.memory_space<vmem>>)
          %dma_start3A_229 = arith.constant 0 : i32
          %dma_start3A_230 = arith.constant 0 : i32
          %dma_start3A_231 = tpu.memref_slice %arg7[%dma_start3A_229, %dma_start3A_230] : memref<1x128xi32, #tpu.memory_space<vmem>> -> memref<1x128xi32, #tpu.memory_space<vmem>>
          %dma_start3A_232 = tpu.memref_squeeze %dma_start3A_231 : memref<1x128xi32, #tpu.memory_space<vmem>> -> memref<128xi32, #tpu.memory_space<vmem>>
          %dma_start3A_233 = arith.constant 0 : i32
          %dma_start3A_234 = arith.constant 0 : i32
          %dma_start3A_235 = tpu.memref_slice %arg2[%dma_start3A_233, %dma_start3A_234] : memref<10000x16xf32, #tpu.memory_space<hbm>> -> memref<10000x16xf32, #tpu.memory_space<hbm>>
          tpu.enqueue_indirect_dma source(%dma_start3A_235 : memref<10000x16xf32, #tpu.memory_space<hbm>>) target(%arg11 : memref<128x16xf32, #tpu.memory_space<vmem>>) offsets(%dma_start3A_232 : memref<128xi32, #tpu.memory_space<vmem>>) semaphore(%arg17 : memref<!tpu.dma_semaphore, #tpu.memory_space<semaphore_mem>>)
        } else {
        }
        %add3A_199 = arith.constant 3 : i32
        %add3A_200 = arith.addi %while3A_166, %add3A_199 : i32
        %lt3A_201 = arith.cmpi slt, %add3A_200, %select_n3A : i32
        %convert_element_type3A_202 = arith.extui %lt3A_201 : i1 to i32
        %cond3A_203 = arith.constant 0 : i32
        %cond3A_204 = arith.cmpi ne, %convert_element_type3A_202, %cond3A_203 : i32
        scf.if %cond3A_204 {
          %add3A_218 = arith.addi %select_n3A_8, %while3A_166 : i32
          %add3A_219 = arith.constant 3 : i32
          %add3A_220 = arith.addi %add3A_218, %add3A_219 : i32
          %dma_start3A_221 = arith.constant 0 : i32
          %dma_start3A_222 = arith.constant 0 : i32
          %dma_start3A_223 = tpu.memref_slice %arg3[%add3A_220, %dma_start3A_221, %dma_start3A_222] : memref<2512x1x128xi32, #tpu.memory_space<hbm>> -> memref<1x1x128xi32, #tpu.memory_space<hbm>>
          %dma_start3A_224 = tpu.memref_squeeze %dma_start3A_223 : memref<1x1x128xi32, #tpu.memory_space<hbm>> -> memref<1x128xi32, #tpu.memory_space<hbm>>
          %dma_start3A_225 = arith.constant 0 : i32
          %dma_start3A_226 = arith.constant 0 : i32
          %dma_start3A_227 = tpu.memref_slice %arg3[%add3A_220, %dma_start3A_225, %dma_start3A_226] : memref<2512x1x128xi32, #tpu.memory_space<hbm>> -> memref<1x1x128xi32, #tpu.memory_space<hbm>>
          %dma_start3A_228 = tpu.memref_squeeze %dma_start3A_227 : memref<1x1x128xi32, #tpu.memory_space<hbm>> -> memref<1x128xi32, #tpu.memory_space<hbm>>
          tpu.enqueue_dma source(%dma_start3A_228 : memref<1x128xi32, #tpu.memory_space<hbm>>) target(%arg9 : memref<1x128xi32, #tpu.memory_space<vmem>>) target_semaphore(%arg19 : memref<!tpu.dma_semaphore, #tpu.memory_space<semaphore_mem>>)
        } else {
        }
        %dma_wait3A = arith.constant 0 : i32
        %dma_wait3A_205 = arith.constant 0 : i32
        %dma_wait3A_206 = tpu.memref_slice %arg10[%dma_wait3A, %dma_wait3A_205] : memref<1x128xi32, #tpu.memory_space<vmem>> -> memref<1x128xi32, #tpu.memory_space<vmem>>
        %dma_wait3A_207 = tpu.memref_squeeze %dma_wait3A_206 : memref<1x128xi32, #tpu.memory_space<vmem>> -> memref<128xi32, #tpu.memory_space<vmem>>
        %dma_wait3A_208 = arith.constant 0 : i32
        %dma_wait3A_209 = arith.constant 0 : i32
        %dma_wait3A_210 = tpu.memref_slice %arg2[%dma_wait3A_208, %dma_wait3A_209] : memref<10000x16xf32, #tpu.memory_space<hbm>> -> memref<10000x16xf32, #tpu.memory_space<hbm>>
        tpu.wait_indirect_dma semaphore(%arg17 : memref<!tpu.dma_semaphore, #tpu.memory_space<semaphore_mem>>) src(%dma_wait3A_210 : memref<10000x16xf32, #tpu.memory_space<hbm>>) dst(%arg14 : memref<128x16xf32, #tpu.memory_space<vmem>>)
        %dma_start3A_211 = arith.constant 0 : i32
        %dma_start3A_212 = arith.constant 0 : i32
        %dma_start3A_213 = tpu.memref_slice %arg15[%while3A_166, %dma_start3A_211, %dma_start3A_212] : memref<79x1x128xi32, #tpu.memory_space<vmem>> -> memref<1x1x128xi32, #tpu.memory_space<vmem>>
        %dma_start3A_214 = tpu.memref_squeeze %dma_start3A_213 : memref<1x1x128xi32, #tpu.memory_space<vmem>> -> memref<128xi32, #tpu.memory_space<vmem>>
        %dma_start3A_215 = arith.constant 0 : i32
        %dma_start3A_216 = arith.constant 0 : i32
        %dma_start3A_217 = tpu.memref_slice %arg16[%dma_start3A_215, %dma_start3A_216] : memref<10112x16xf32, #tpu.memory_space<vmem_shared>> -> memref<10112x16xf32, #tpu.memory_space<vmem_shared>>
        tpu.enqueue_indirect_dma source(%arg14 : memref<128x16xf32, #tpu.memory_space<vmem>>) target(%dma_start3A_217 : memref<10112x16xf32, #tpu.memory_space<vmem_shared>>) offsets(%dma_start3A_214 : memref<128xi32, #tpu.memory_space<vmem>>) semaphore(%arg18 : memref<!tpu.dma_semaphore, #tpu.memory_space<semaphore_mem>>) {add = true}
      } else {
      }
    }
    %sub3A = arith.constant 3 : i32
    %sub3A_43 = arith.subi %select_n3A, %sub3A : i32
    %ge3A = arith.constant 0 : i32
    %ge3A_44 = arith.cmpi sge, %sub3A_43, %ge3A : i32
    %rem3A = arith.constant 4 : i32
    %rem3A_45 = arith.remsi %sub3A_43, %rem3A : i32
    %eq3A_46 = arith.constant 0 : i32
    %eq3A_47 = arith.cmpi eq, %rem3A_45, %eq3A_46 : i32
    %and3A = arith.andi %ge3A_44, %eq3A_47 : i1
    %convert_element_type3A_48 = arith.extui %and3A : i1 to i32
    %cond3A_49 = arith.constant 0 : i32
    %cond3A_50 = arith.cmpi ne, %convert_element_type3A_48, %cond3A_49 : i32
    scf.if %cond3A_50 {
      %dma_wait3A = arith.constant 0 : i32
      %dma_wait3A_166 = arith.constant 0 : i32
      %dma_wait3A_167 = tpu.memref_slice %arg15[%sub3A_43, %dma_wait3A, %dma_wait3A_166] : memref<79x1x128xi32, #tpu.memory_space<vmem>> -> memref<1x1x128xi32, #tpu.memory_space<vmem>>
      %dma_wait3A_168 = tpu.memref_squeeze %dma_wait3A_167 : memref<1x1x128xi32, #tpu.memory_space<vmem>> -> memref<128xi32, #tpu.memory_space<vmem>>
      %dma_wait3A_169 = arith.constant 0 : i32
      %dma_wait3A_170 = arith.constant 0 : i32
      %dma_wait3A_171 = tpu.memref_slice %arg16[%dma_wait3A_169, %dma_wait3A_170] : memref<10112x16xf32, #tpu.memory_space<vmem_shared>> -> memref<10112x16xf32, #tpu.memory_space<vmem_shared>>
      tpu.wait_indirect_dma semaphore(%arg18 : memref<!tpu.dma_semaphore, #tpu.memory_space<semaphore_mem>>) src(%arg11 : memref<128x16xf32, #tpu.memory_space<vmem>>) dst(%dma_wait3A_171 : memref<10112x16xf32, #tpu.memory_space<vmem_shared>>)
    } else {
    }
    %ge3A_51 = arith.constant 0 : i32
    %ge3A_52 = arith.cmpi sge, %sub3A_43, %ge3A_51 : i32
    %rem3A_53 = arith.constant 4 : i32
    %rem3A_54 = arith.remsi %sub3A_43, %rem3A_53 : i32
    %eq3A_55 = arith.constant 1 : i32
    %eq3A_56 = arith.cmpi eq, %rem3A_54, %eq3A_55 : i32
    %and3A_57 = arith.andi %ge3A_52, %eq3A_56 : i1
    %convert_element_type3A_58 = arith.extui %and3A_57 : i1 to i32
    %cond3A_59 = arith.constant 0 : i32
    %cond3A_60 = arith.cmpi ne, %convert_element_type3A_58, %cond3A_59 : i32
    scf.if %cond3A_60 {
      %dma_wait3A = arith.constant 0 : i32
      %dma_wait3A_166 = arith.constant 0 : i32
      %dma_wait3A_167 = tpu.memref_slice %arg15[%sub3A_43, %dma_wait3A, %dma_wait3A_166] : memref<79x1x128xi32, #tpu.memory_space<vmem>> -> memref<1x1x128xi32, #tpu.memory_space<vmem>>
      %dma_wait3A_168 = tpu.memref_squeeze %dma_wait3A_167 : memref<1x1x128xi32, #tpu.memory_space<vmem>> -> memref<128xi32, #tpu.memory_space<vmem>>
      %dma_wait3A_169 = arith.constant 0 : i32
      %dma_wait3A_170 = arith.constant 0 : i32
      %dma_wait3A_171 = tpu.memref_slice %arg16[%dma_wait3A_169, %dma_wait3A_170] : memref<10112x16xf32, #tpu.memory_space<vmem_shared>> -> memref<10112x16xf32, #tpu.memory_space<vmem_shared>>
      tpu.wait_indirect_dma semaphore(%arg18 : memref<!tpu.dma_semaphore, #tpu.memory_space<semaphore_mem>>) src(%arg12 : memref<128x16xf32, #tpu.memory_space<vmem>>) dst(%dma_wait3A_171 : memref<10112x16xf32, #tpu.memory_space<vmem_shared>>)
    } else {
    }
    %ge3A_61 = arith.constant 0 : i32
    %ge3A_62 = arith.cmpi sge, %sub3A_43, %ge3A_61 : i32
    %rem3A_63 = arith.constant 4 : i32
    %rem3A_64 = arith.remsi %sub3A_43, %rem3A_63 : i32
    %eq3A_65 = arith.constant 2 : i32
    %eq3A_66 = arith.cmpi eq, %rem3A_64, %eq3A_65 : i32
    %and3A_67 = arith.andi %ge3A_62, %eq3A_66 : i1
    %convert_element_type3A_68 = arith.extui %and3A_67 : i1 to i32
    %cond3A_69 = arith.constant 0 : i32
    %cond3A_70 = arith.cmpi ne, %convert_element_type3A_68, %cond3A_69 : i32
    scf.if %cond3A_70 {
      %dma_wait3A = arith.constant 0 : i32
      %dma_wait3A_166 = arith.constant 0 : i32
      %dma_wait3A_167 = tpu.memref_slice %arg15[%sub3A_43, %dma_wait3A, %dma_wait3A_166] : memref<79x1x128xi32, #tpu.memory_space<vmem>> -> memref<1x1x128xi32, #tpu.memory_space<vmem>>
      %dma_wait3A_168 = tpu.memref_squeeze %dma_wait3A_167 : memref<1x1x128xi32, #tpu.memory_space<vmem>> -> memref<128xi32, #tpu.memory_space<vmem>>
      %dma_wait3A_169 = arith.constant 0 : i32
      %dma_wait3A_170 = arith.constant 0 : i32
      %dma_wait3A_171 = tpu.memref_slice %arg16[%dma_wait3A_169, %dma_wait3A_170] : memref<10112x16xf32, #tpu.memory_space<vmem_shared>> -> memref<10112x16xf32, #tpu.memory_space<vmem_shared>>
      tpu.wait_indirect_dma semaphore(%arg18 : memref<!tpu.dma_semaphore, #tpu.memory_space<semaphore_mem>>) src(%arg13 : memref<128x16xf32, #tpu.memory_space<vmem>>) dst(%dma_wait3A_171 : memref<10112x16xf32, #tpu.memory_space<vmem_shared>>)
    } else {
    }
    %ge3A_71 = arith.constant 0 : i32
    %ge3A_72 = arith.cmpi sge, %sub3A_43, %ge3A_71 : i32
    %rem3A_73 = arith.constant 4 : i32
    %rem3A_74 = arith.remsi %sub3A_43, %rem3A_73 : i32
    %eq3A_75 = arith.constant 3 : i32
    %eq3A_76 = arith.cmpi eq, %rem3A_74, %eq3A_75 : i32
    %and3A_77 = arith.andi %ge3A_72, %eq3A_76 : i1
    %convert_element_type3A_78 = arith.extui %and3A_77 : i1 to i32
    %cond3A_79 = arith.constant 0 : i32
    %cond3A_80 = arith.cmpi ne, %convert_element_type3A_78, %cond3A_79 : i32
    scf.if %cond3A_80 {
      %dma_wait3A = arith.constant 0 : i32
      %dma_wait3A_166 = arith.constant 0 : i32
      %dma_wait3A_167 = tpu.memref_slice %arg15[%sub3A_43, %dma_wait3A, %dma_wait3A_166] : memref<79x1x128xi32, #tpu.memory_space<vmem>> -> memref<1x1x128xi32, #tpu.memory_space<vmem>>
      %dma_wait3A_168 = tpu.memref_squeeze %dma_wait3A_167 : memref<1x1x128xi32, #tpu.memory_space<vmem>> -> memref<128xi32, #tpu.memory_space<vmem>>
      %dma_wait3A_169 = arith.constant 0 : i32
      %dma_wait3A_170 = arith.constant 0 : i32
      %dma_wait3A_171 = tpu.memref_slice %arg16[%dma_wait3A_169, %dma_wait3A_170] : memref<10112x16xf32, #tpu.memory_space<vmem_shared>> -> memref<10112x16xf32, #tpu.memory_space<vmem_shared>>
      tpu.wait_indirect_dma semaphore(%arg18 : memref<!tpu.dma_semaphore, #tpu.memory_space<semaphore_mem>>) src(%arg14 : memref<128x16xf32, #tpu.memory_space<vmem>>) dst(%dma_wait3A_171 : memref<10112x16xf32, #tpu.memory_space<vmem_shared>>)
    } else {
    }
    %sub3A_81 = arith.constant 2 : i32
    %sub3A_82 = arith.subi %select_n3A, %sub3A_81 : i32
    %ge3A_83 = arith.constant 0 : i32
    %ge3A_84 = arith.cmpi sge, %sub3A_82, %ge3A_83 : i32
    %rem3A_85 = arith.constant 4 : i32
    %rem3A_86 = arith.remsi %sub3A_82, %rem3A_85 : i32
    %eq3A_87 = arith.constant 0 : i32
    %eq3A_88 = arith.cmpi eq, %rem3A_86, %eq3A_87 : i32
    %and3A_89 = arith.andi %ge3A_84, %eq3A_88 : i1
    %convert_element_type3A_90 = arith.extui %and3A_89 : i1 to i32
    %cond3A_91 = arith.constant 0 : i32
    %cond3A_92 = arith.cmpi ne, %convert_element_type3A_90, %cond3A_91 : i32
    scf.if %cond3A_92 {
      %dma_wait3A = arith.constant 0 : i32
      %dma_wait3A_166 = arith.constant 0 : i32
      %dma_wait3A_167 = tpu.memref_slice %arg15[%sub3A_82, %dma_wait3A, %dma_wait3A_166] : memref<79x1x128xi32, #tpu.memory_space<vmem>> -> memref<1x1x128xi32, #tpu.memory_space<vmem>>
      %dma_wait3A_168 = tpu.memref_squeeze %dma_wait3A_167 : memref<1x1x128xi32, #tpu.memory_space<vmem>> -> memref<128xi32, #tpu.memory_space<vmem>>
      %dma_wait3A_169 = arith.constant 0 : i32
      %dma_wait3A_170 = arith.constant 0 : i32
      %dma_wait3A_171 = tpu.memref_slice %arg16[%dma_wait3A_169, %dma_wait3A_170] : memref<10112x16xf32, #tpu.memory_space<vmem_shared>> -> memref<10112x16xf32, #tpu.memory_space<vmem_shared>>
      tpu.wait_indirect_dma semaphore(%arg18 : memref<!tpu.dma_semaphore, #tpu.memory_space<semaphore_mem>>) src(%arg11 : memref<128x16xf32, #tpu.memory_space<vmem>>) dst(%dma_wait3A_171 : memref<10112x16xf32, #tpu.memory_space<vmem_shared>>)
    } else {
    }
    %ge3A_93 = arith.constant 0 : i32
    %ge3A_94 = arith.cmpi sge, %sub3A_82, %ge3A_93 : i32
    %rem3A_95 = arith.constant 4 : i32
    %rem3A_96 = arith.remsi %sub3A_82, %rem3A_95 : i32
    %eq3A_97 = arith.constant 1 : i32
    %eq3A_98 = arith.cmpi eq, %rem3A_96, %eq3A_97 : i32
    %and3A_99 = arith.andi %ge3A_94, %eq3A_98 : i1
    %convert_element_type3A_100 = arith.extui %and3A_99 : i1 to i32
    %cond3A_101 = arith.constant 0 : i32
    %cond3A_102 = arith.cmpi ne, %convert_element_type3A_100, %cond3A_101 : i32
    scf.if %cond3A_102 {
      %dma_wait3A = arith.constant 0 : i32
      %dma_wait3A_166 = arith.constant 0 : i32
      %dma_wait3A_167 = tpu.memref_slice %arg15[%sub3A_82, %dma_wait3A, %dma_wait3A_166] : memref<79x1x128xi32, #tpu.memory_space<vmem>> -> memref<1x1x128xi32, #tpu.memory_space<vmem>>
      %dma_wait3A_168 = tpu.memref_squeeze %dma_wait3A_167 : memref<1x1x128xi32, #tpu.memory_space<vmem>> -> memref<128xi32, #tpu.memory_space<vmem>>
      %dma_wait3A_169 = arith.constant 0 : i32
      %dma_wait3A_170 = arith.constant 0 : i32
      %dma_wait3A_171 = tpu.memref_slice %arg16[%dma_wait3A_169, %dma_wait3A_170] : memref<10112x16xf32, #tpu.memory_space<vmem_shared>> -> memref<10112x16xf32, #tpu.memory_space<vmem_shared>>
      tpu.wait_indirect_dma semaphore(%arg18 : memref<!tpu.dma_semaphore, #tpu.memory_space<semaphore_mem>>) src(%arg12 : memref<128x16xf32, #tpu.memory_space<vmem>>) dst(%dma_wait3A_171 : memref<10112x16xf32, #tpu.memory_space<vmem_shared>>)
    } else {
    }
    %ge3A_103 = arith.constant 0 : i32
    %ge3A_104 = arith.cmpi sge, %sub3A_82, %ge3A_103 : i32
    %rem3A_105 = arith.constant 4 : i32
    %rem3A_106 = arith.remsi %sub3A_82, %rem3A_105 : i32
    %eq3A_107 = arith.constant 2 : i32
    %eq3A_108 = arith.cmpi eq, %rem3A_106, %eq3A_107 : i32
    %and3A_109 = arith.andi %ge3A_104, %eq3A_108 : i1
    %convert_element_type3A_110 = arith.extui %and3A_109 : i1 to i32
    %cond3A_111 = arith.constant 0 : i32
    %cond3A_112 = arith.cmpi ne, %convert_element_type3A_110, %cond3A_111 : i32
    scf.if %cond3A_112 {
      %dma_wait3A = arith.constant 0 : i32
      %dma_wait3A_166 = arith.constant 0 : i32
      %dma_wait3A_167 = tpu.memref_slice %arg15[%sub3A_82, %dma_wait3A, %dma_wait3A_166] : memref<79x1x128xi32, #tpu.memory_space<vmem>> -> memref<1x1x128xi32, #tpu.memory_space<vmem>>
      %dma_wait3A_168 = tpu.memref_squeeze %dma_wait3A_167 : memref<1x1x128xi32, #tpu.memory_space<vmem>> -> memref<128xi32, #tpu.memory_space<vmem>>
      %dma_wait3A_169 = arith.constant 0 : i32
      %dma_wait3A_170 = arith.constant 0 : i32
      %dma_wait3A_171 = tpu.memref_slice %arg16[%dma_wait3A_169, %dma_wait3A_170] : memref<10112x16xf32, #tpu.memory_space<vmem_shared>> -> memref<10112x16xf32, #tpu.memory_space<vmem_shared>>
      tpu.wait_indirect_dma semaphore(%arg18 : memref<!tpu.dma_semaphore, #tpu.memory_space<semaphore_mem>>) src(%arg13 : memref<128x16xf32, #tpu.memory_space<vmem>>) dst(%dma_wait3A_171 : memref<10112x16xf32, #tpu.memory_space<vmem_shared>>)
    } else {
    }
    %ge3A_113 = arith.constant 0 : i32
    %ge3A_114 = arith.cmpi sge, %sub3A_82, %ge3A_113 : i32
    %rem3A_115 = arith.constant 4 : i32
    %rem3A_116 = arith.remsi %sub3A_82, %rem3A_115 : i32
    %eq3A_117 = arith.constant 3 : i32
    %eq3A_118 = arith.cmpi eq, %rem3A_116, %eq3A_117 : i32
    %and3A_119 = arith.andi %ge3A_114, %eq3A_118 : i1
    %convert_element_type3A_120 = arith.extui %and3A_119 : i1 to i32
    %cond3A_121 = arith.constant 0 : i32
    %cond3A_122 = arith.cmpi ne, %convert_element_type3A_120, %cond3A_121 : i32
    scf.if %cond3A_122 {
      %dma_wait3A = arith.constant 0 : i32
      %dma_wait3A_166 = arith.constant 0 : i32
      %dma_wait3A_167 = tpu.memref_slice %arg15[%sub3A_82, %dma_wait3A, %dma_wait3A_166] : memref<79x1x128xi32, #tpu.memory_space<vmem>> -> memref<1x1x128xi32, #tpu.memory_space<vmem>>
      %dma_wait3A_168 = tpu.memref_squeeze %dma_wait3A_167 : memref<1x1x128xi32, #tpu.memory_space<vmem>> -> memref<128xi32, #tpu.memory_space<vmem>>
      %dma_wait3A_169 = arith.constant 0 : i32
      %dma_wait3A_170 = arith.constant 0 : i32
      %dma_wait3A_171 = tpu.memref_slice %arg16[%dma_wait3A_169, %dma_wait3A_170] : memref<10112x16xf32, #tpu.memory_space<vmem_shared>> -> memref<10112x16xf32, #tpu.memory_space<vmem_shared>>
      tpu.wait_indirect_dma semaphore(%arg18 : memref<!tpu.dma_semaphore, #tpu.memory_space<semaphore_mem>>) src(%arg14 : memref<128x16xf32, #tpu.memory_space<vmem>>) dst(%dma_wait3A_171 : memref<10112x16xf32, #tpu.memory_space<vmem_shared>>)
    } else {
    }
    %sub3A_123 = arith.constant 1 : i32
    %sub3A_124 = arith.subi %select_n3A, %sub3A_123 : i32
    %ge3A_125 = arith.constant 0 : i32
    %ge3A_126 = arith.cmpi sge, %sub3A_124, %ge3A_125 : i32
    %rem3A_127 = arith.constant 4 : i32
    %rem3A_128 = arith.remsi %sub3A_124, %rem3A_127 : i32
    %eq3A_129 = arith.constant 0 : i32
    %eq3A_130 = arith.cmpi eq, %rem3A_128, %eq3A_129 : i32
    %and3A_131 = arith.andi %ge3A_126, %eq3A_130 : i1
    %convert_element_type3A_132 = arith.extui %and3A_131 : i1 to i32
    %cond3A_133 = arith.constant 0 : i32
    %cond3A_134 = arith.cmpi ne, %convert_element_type3A_132, %cond3A_133 : i32
    scf.if %cond3A_134 {
      %dma_wait3A = arith.constant 0 : i32
      %dma_wait3A_166 = arith.constant 0 : i32
      %dma_wait3A_167 = tpu.memref_slice %arg15[%sub3A_124, %dma_wait3A, %dma_wait3A_166] : memref<79x1x128xi32, #tpu.memory_space<vmem>> -> memref<1x1x128xi32, #tpu.memory_space<vmem>>
      %dma_wait3A_168 = tpu.memref_squeeze %dma_wait3A_167 : memref<1x1x128xi32, #tpu.memory_space<vmem>> -> memref<128xi32, #tpu.memory_space<vmem>>
      %dma_wait3A_169 = arith.constant 0 : i32
      %dma_wait3A_170 = arith.constant 0 : i32
      %dma_wait3A_171 = tpu.memref_slice %arg16[%dma_wait3A_169, %dma_wait3A_170] : memref<10112x16xf32, #tpu.memory_space<vmem_shared>> -> memref<10112x16xf32, #tpu.memory_space<vmem_shared>>
      tpu.wait_indirect_dma semaphore(%arg18 : memref<!tpu.dma_semaphore, #tpu.memory_space<semaphore_mem>>) src(%arg11 : memref<128x16xf32, #tpu.memory_space<vmem>>) dst(%dma_wait3A_171 : memref<10112x16xf32, #tpu.memory_space<vmem_shared>>)
    } else {
    }
    %ge3A_135 = arith.constant 0 : i32
    %ge3A_136 = arith.cmpi sge, %sub3A_124, %ge3A_135 : i32
    %rem3A_137 = arith.constant 4 : i32
    %rem3A_138 = arith.remsi %sub3A_124, %rem3A_137 : i32
    %eq3A_139 = arith.constant 1 : i32
    %eq3A_140 = arith.cmpi eq, %rem3A_138, %eq3A_139 : i32
    %and3A_141 = arith.andi %ge3A_136, %eq3A_140 : i1
    %convert_element_type3A_142 = arith.extui %and3A_141 : i1 to i32
    %cond3A_143 = arith.constant 0 : i32
    %cond3A_144 = arith.cmpi ne, %convert_element_type3A_142, %cond3A_143 : i32
    scf.if %cond3A_144 {
      %dma_wait3A = arith.constant 0 : i32
      %dma_wait3A_166 = arith.constant 0 : i32
      %dma_wait3A_167 = tpu.memref_slice %arg15[%sub3A_124, %dma_wait3A, %dma_wait3A_166] : memref<79x1x128xi32, #tpu.memory_space<vmem>> -> memref<1x1x128xi32, #tpu.memory_space<vmem>>
      %dma_wait3A_168 = tpu.memref_squeeze %dma_wait3A_167 : memref<1x1x128xi32, #tpu.memory_space<vmem>> -> memref<128xi32, #tpu.memory_space<vmem>>
      %dma_wait3A_169 = arith.constant 0 : i32
      %dma_wait3A_170 = arith.constant 0 : i32
      %dma_wait3A_171 = tpu.memref_slice %arg16[%dma_wait3A_169, %dma_wait3A_170] : memref<10112x16xf32, #tpu.memory_space<vmem_shared>> -> memref<10112x16xf32, #tpu.memory_space<vmem_shared>>
      tpu.wait_indirect_dma semaphore(%arg18 : memref<!tpu.dma_semaphore, #tpu.memory_space<semaphore_mem>>) src(%arg12 : memref<128x16xf32, #tpu.memory_space<vmem>>) dst(%dma_wait3A_171 : memref<10112x16xf32, #tpu.memory_space<vmem_shared>>)
    } else {
    }
    %ge3A_145 = arith.constant 0 : i32
    %ge3A_146 = arith.cmpi sge, %sub3A_124, %ge3A_145 : i32
    %rem3A_147 = arith.constant 4 : i32
    %rem3A_148 = arith.remsi %sub3A_124, %rem3A_147 : i32
    %eq3A_149 = arith.constant 2 : i32
    %eq3A_150 = arith.cmpi eq, %rem3A_148, %eq3A_149 : i32
    %and3A_151 = arith.andi %ge3A_146, %eq3A_150 : i1
    %convert_element_type3A_152 = arith.extui %and3A_151 : i1 to i32
    %cond3A_153 = arith.constant 0 : i32
    %cond3A_154 = arith.cmpi ne, %convert_element_type3A_152, %cond3A_153 : i32
    scf.if %cond3A_154 {
      %dma_wait3A = arith.constant 0 : i32
      %dma_wait3A_166 = arith.constant 0 : i32
      %dma_wait3A_167 = tpu.memref_slice %arg15[%sub3A_124, %dma_wait3A, %dma_wait3A_166] : memref<79x1x128xi32, #tpu.memory_space<vmem>> -> memref<1x1x128xi32, #tpu.memory_space<vmem>>
      %dma_wait3A_168 = tpu.memref_squeeze %dma_wait3A_167 : memref<1x1x128xi32, #tpu.memory_space<vmem>> -> memref<128xi32, #tpu.memory_space<vmem>>
      %dma_wait3A_169 = arith.constant 0 : i32
      %dma_wait3A_170 = arith.constant 0 : i32
      %dma_wait3A_171 = tpu.memref_slice %arg16[%dma_wait3A_169, %dma_wait3A_170] : memref<10112x16xf32, #tpu.memory_space<vmem_shared>> -> memref<10112x16xf32, #tpu.memory_space<vmem_shared>>
      tpu.wait_indirect_dma semaphore(%arg18 : memref<!tpu.dma_semaphore, #tpu.memory_space<semaphore_mem>>) src(%arg13 : memref<128x16xf32, #tpu.memory_space<vmem>>) dst(%dma_wait3A_171 : memref<10112x16xf32, #tpu.memory_space<vmem_shared>>)
    } else {
    }
    %ge3A_155 = arith.constant 0 : i32
    %ge3A_156 = arith.cmpi sge, %sub3A_124, %ge3A_155 : i32
    %rem3A_157 = arith.constant 4 : i32
    %rem3A_158 = arith.remsi %sub3A_124, %rem3A_157 : i32
    %eq3A_159 = arith.constant 3 : i32
    %eq3A_160 = arith.cmpi eq, %rem3A_158, %eq3A_159 : i32
    %and3A_161 = arith.andi %ge3A_156, %eq3A_160 : i1
    %convert_element_type3A_162 = arith.extui %and3A_161 : i1 to i32
    %cond3A_163 = arith.constant 0 : i32
    %cond3A_164 = arith.cmpi ne, %convert_element_type3A_162, %cond3A_163 : i32
    scf.if %cond3A_164 {
      %dma_wait3A = arith.constant 0 : i32
      %dma_wait3A_166 = arith.constant 0 : i32
      %dma_wait3A_167 = tpu.memref_slice %arg15[%sub3A_124, %dma_wait3A, %dma_wait3A_166] : memref<79x1x128xi32, #tpu.memory_space<vmem>> -> memref<1x1x128xi32, #tpu.memory_space<vmem>>
      %dma_wait3A_168 = tpu.memref_squeeze %dma_wait3A_167 : memref<1x1x128xi32, #tpu.memory_space<vmem>> -> memref<128xi32, #tpu.memory_space<vmem>>
      %dma_wait3A_169 = arith.constant 0 : i32
      %dma_wait3A_170 = arith.constant 0 : i32
      %dma_wait3A_171 = tpu.memref_slice %arg16[%dma_wait3A_169, %dma_wait3A_170] : memref<10112x16xf32, #tpu.memory_space<vmem_shared>> -> memref<10112x16xf32, #tpu.memory_space<vmem_shared>>
      tpu.wait_indirect_dma semaphore(%arg18 : memref<!tpu.dma_semaphore, #tpu.memory_space<semaphore_mem>>) src(%arg14 : memref<128x16xf32, #tpu.memory_space<vmem>>) dst(%dma_wait3A_171 : memref<10112x16xf32, #tpu.memory_space<vmem_shared>>)
    } else {
    }
    %barrier3A_165 = arith.constant 0 : index
    tpu.barrier barrier_id(%barrier3A_165)
    "tpu.region"() ({
      %run_scoped3A = tpu.sem_alloc : memref<!tpu.dma_semaphore, #tpu.memory_space<semaphore_mem>>
      %dma_start3A_166 = arith.constant 0 : i32
      %dma_start3A_167 = tpu.memref_slice %arg6[%arg0, %mul3A_10, %dma_start3A_166] : memref<2x10112x16xf32, #tpu.memory_space<hbm>> -> memref<1x632x16xf32, #tpu.memory_space<hbm>>
      %dma_start3A_168 = tpu.memref_squeeze %dma_start3A_167 : memref<1x632x16xf32, #tpu.memory_space<hbm>> -> memref<632x16xf32, #tpu.memory_space<hbm>>
      %dma_start3A_169 = arith.constant 0 : i32
      %dma_start3A_170 = tpu.memref_slice %arg16[%mul3A_10, %dma_start3A_169] : memref<10112x16xf32, #tpu.memory_space<vmem_shared>> -> memref<632x16xf32, #tpu.memory_space<vmem_shared>>
      tpu.enqueue_dma source(%dma_start3A_170 : memref<632x16xf32, #tpu.memory_space<vmem_shared>>) target(%dma_start3A_168 : memref<632x16xf32, #tpu.memory_space<hbm>>) target_semaphore(%run_scoped3A : memref<!tpu.dma_semaphore, #tpu.memory_space<semaphore_mem>>)
      %dma_wait3A = arith.constant 0 : i32
      %dma_wait3A_171 = tpu.memref_slice %arg6[%arg0, %mul3A_10, %dma_wait3A] : memref<2x10112x16xf32, #tpu.memory_space<hbm>> -> memref<1x632x16xf32, #tpu.memory_space<hbm>>
      %dma_wait3A_172 = tpu.memref_squeeze %dma_wait3A_171 : memref<1x632x16xf32, #tpu.memory_space<hbm>> -> memref<632x16xf32, #tpu.memory_space<hbm>>
      %dma_wait3A_173 = arith.constant 0 : i32
      %dma_wait3A_174 = tpu.memref_slice %arg16[%mul3A_10, %dma_wait3A_173] : memref<10112x16xf32, #tpu.memory_space<vmem_shared>> -> memref<632x16xf32, #tpu.memory_space<vmem_shared>>
      tpu.wait_dma2 semaphore(%run_scoped3A : memref<!tpu.dma_semaphore, #tpu.memory_space<semaphore_mem>>) src(%dma_wait3A_174 : memref<632x16xf32, #tpu.memory_space<vmem_shared>>) dst(%dma_wait3A_172 : memref<632x16xf32, #tpu.memory_space<hbm>>)
      tpu.yield
    }) : () -> ()
    return
  }
}

module attributes {stable_mosaic.version = 14 : i64} {
  func.func @mm1a_body(%arg0: i32, %arg1: memref<2000x128xf32, #tpu.memory_space<vmem>>, %arg2: memref<128x128xf32, #tpu.memory_space<vmem>>, %arg3: memref<2000x128xf32, #tpu.memory_space<vmem>>) attributes {dimension_semantics = [#tpu.dimension_semantics<arbitrary>], iteration_bounds = array<i64: 5>, scalar_prefetch = 0 : i64, scratch_operands = 0 : i64, tpu.core_type = #tpu.core_type<tc>, window_params = [{transform_indices = @transform_0, window_bounds = array<i64: 2000, 128>}, {pipeline_mode = #tpu.pipeline_mode<synchronous>, transform_indices = @transform_1, window_bounds = array<i64: 128, 128>}, {transform_indices = @transform_2, window_bounds = array<i64: 2000, 128>}]} {
    %get3A = arith.constant 0 : index
    %get3A_0 = arith.constant 0 : index
    %get3A_1 = vector.load %arg1[%get3A, %get3A_0] : memref<2000x128xf32, #tpu.memory_space<vmem>>, vector<2000x128xf32>
    %get3A_2 = arith.constant 0 : index
    %get3A_3 = arith.constant 0 : index
    %get3A_4 = vector.load %arg2[%get3A_2, %get3A_3] : memref<128x128xf32, #tpu.memory_space<vmem>>, vector<128x128xf32>
    %dot_general3A = arith.constant dense<0.000000e+00> : vector<2000x128xf32>
    %dot_general3A_5 = tpu.matmul %get3A_1, %get3A_4, %dot_general3A {dimension_numbers = #tpu.dot_dimension_numbers<[1], [0], [0], [1], [0, 0, 1, 1], [], []>, transpose_lhs_hint = false} : vector<2000x128xf32>, vector<128x128xf32>, vector<2000x128xf32> -> vector<2000x128xf32>
    %swap3A = arith.constant 0 : index
    %swap3A_6 = arith.constant 0 : index
    %swap3A_7 = vector.load %arg3[%swap3A, %swap3A_6] : memref<2000x128xf32, #tpu.memory_space<vmem>>, vector<2000x128xf32>
    tpu.vector_store %arg3[%swap3A, %swap3A_6], %dot_general3A_5 {strides = array<i32>} : memref<2000x128xf32, #tpu.memory_space<vmem>>, vector<2000x128xf32>,
    return
  }
  func.func @transform_0(%arg0: i32) -> (i32, i32) {
    %c0_i32 = arith.constant 0 : i32
    %c0_i32_0 = arith.constant 0 : i32
    return %arg0, %c0_i32 : i32, i32
  }
  func.func @transform_1(%arg0: i32) -> (i32, i32) {
    %c0_i32 = arith.constant 0 : i32
    %c0_i32_0 = arith.constant 0 : i32
    %c0_i32_1 = arith.constant 0 : i32
    return %c0_i32, %c0_i32_0 : i32, i32
  }
  func.func @transform_2(%arg0: i32) -> (i32, i32) {
    %c0_i32 = arith.constant 0 : i32
    %c0_i32_0 = arith.constant 0 : i32
    return %arg0, %c0_i32 : i32, i32
  }
}

module attributes {stable_mosaic.version = 14 : i64} {
  func.func @mm1b_body(%arg0: i32, %arg1: memref<2000x128xf32, #tpu.memory_space<vmem>>, %arg2: memref<2000x2xf32, #tpu.memory_space<vmem>>, %arg3: memref<2000x128xf32, #tpu.memory_space<vmem>>, %arg4: memref<2000x1xf32, #tpu.memory_space<vmem>>) attributes {dimension_semantics = [#tpu.dimension_semantics<arbitrary>], iteration_bounds = array<i64: 5>, scalar_prefetch = 0 : i64, scratch_operands = 0 : i64, tpu.core_type = #tpu.core_type<tc>, window_params = [{transform_indices = @transform_0, window_bounds = array<i64: 2000, 128>}, {transform_indices = @transform_1, window_bounds = array<i64: 2000, 2>}, {transform_indices = @transform_2, window_bounds = array<i64: 2000, 128>}, {transform_indices = @transform_3, window_bounds = array<i64: 2000, 1>}]} {
    %get3A = arith.constant 0 : index
    %get3A_0 = arith.constant 0 : index
    %get3A_1 = vector.load %arg2[%get3A, %get3A_0] : memref<2000x2xf32, #tpu.memory_space<vmem>>, vector<2000x1xf32>
    %get3A_2 = arith.constant 0 : index
    %get3A_3 = arith.constant 1 : index
    %get3A_4 = vector.load %arg2[%get3A_2, %get3A_3] : memref<2000x2xf32, #tpu.memory_space<vmem>>, vector<2000x1xf32>
    %add3A = arith.addf %get3A_1, %get3A_4 : vector<2000x1xf32>
    %add3A_5 = arith.constant 1.000000e+00 : f32
    %add3A_6 = vector.broadcast %add3A_5 : f32 to vector<2000x1xf32>
    %add3A_7 = arith.addf %add3A, %add3A_6 : vector<2000x1xf32>
    %rsqrt3A = math.rsqrt %add3A_7 : vector<2000x1xf32>
    %get3A_8 = arith.constant 0 : index
    %get3A_9 = arith.constant 0 : index
    %get3A_10 = vector.load %arg1[%get3A_8, %get3A_9] : memref<2000x128xf32, #tpu.memory_space<vmem>>, vector<2000x128xf32>
    %mul3A = vector.broadcast %rsqrt3A : vector<2000x1xf32> to vector<2000x128xf32>
    %mul3A_11 = arith.mulf %get3A_10, %mul3A : vector<2000x128xf32>
    %swap3A = arith.constant 0 : index
    %swap3A_12 = arith.constant 0 : index
    %swap3A_13 = vector.load %arg3[%swap3A, %swap3A_12] : memref<2000x128xf32, #tpu.memory_space<vmem>>, vector<2000x128xf32>
    tpu.vector_store %arg3[%swap3A, %swap3A_12], %mul3A_11 {strides = array<i32>} : memref<2000x128xf32, #tpu.memory_space<vmem>>, vector<2000x128xf32>,
    %swap3A_14 = arith.constant 0 : index
    %swap3A_15 = arith.constant 0 : index
    %swap3A_16 = vector.load %arg4[%swap3A_14, %swap3A_15] : memref<2000x1xf32, #tpu.memory_space<vmem>>, vector<2000x1xf32>
    tpu.vector_store %arg4[%swap3A_14, %swap3A_15], %rsqrt3A {strides = array<i32>} : memref<2000x1xf32, #tpu.memory_space<vmem>>, vector<2000x1xf32>,
    return
  }
  func.func @transform_0(%arg0: i32) -> (i32, i32) {
    %c0_i32 = arith.constant 0 : i32
    %c0_i32_0 = arith.constant 0 : i32
    return %arg0, %c0_i32 : i32, i32
  }
  func.func @transform_1(%arg0: i32) -> (i32, i32) {
    %c0_i32 = arith.constant 0 : i32
    %c0_i32_0 = arith.constant 0 : i32
    return %arg0, %c0_i32 : i32, i32
  }
  func.func @transform_2(%arg0: i32) -> (i32, i32) {
    %c0_i32 = arith.constant 0 : i32
    %c0_i32_0 = arith.constant 0 : i32
    return %arg0, %c0_i32 : i32, i32
  }
  func.func @transform_3(%arg0: i32) -> (i32, i32) {
    %c0_i32 = arith.constant 0 : i32
    %c0_i32_0 = arith.constant 0 : i32
    return %arg0, %c0_i32 : i32, i32
  }
}

module attributes {stable_mosaic.version = 14 : i64} {
  func.func @mid_body(%arg0: i32, %arg1: memref<2x2000x128xf32, #tpu.memory_space<vmem>>, %arg2: memref<2000x128xf32, #tpu.memory_space<vmem>>, %arg3: memref<2000x1xf32, #tpu.memory_space<vmem>>, %arg4: memref<1x128xf32, #tpu.memory_space<vmem>>, %arg5: memref<128x16xf32, #tpu.memory_space<vmem>>, %arg6: memref<2000x16xf32, #tpu.memory_space<vmem>>) attributes {dimension_semantics = [#tpu.dimension_semantics<arbitrary>], iteration_bounds = array<i64: 5>, scalar_prefetch = 0 : i64, scratch_operands = 0 : i64, tpu.core_type = #tpu.core_type<tc>, window_params = [{transform_indices = @transform_0, window_bounds = array<i64: 2, 2000, 128>}, {transform_indices = @transform_1, window_bounds = array<i64: 2000, 128>}, {transform_indices = @transform_2, window_bounds = array<i64: 2000, 1>}, {pipeline_mode = #tpu.pipeline_mode<synchronous>, transform_indices = @transform_3, window_bounds = array<i64: 1, 128>}, {pipeline_mode = #tpu.pipeline_mode<synchronous>, transform_indices = @transform_4, window_bounds = array<i64: 128, 16>}, {transform_indices = @transform_5, window_bounds = array<i64: 2000, 16>}]} {
    %get3A = arith.constant 0 : index
    %get3A_0 = arith.constant 0 : index
    %get3A_1 = arith.constant 0 : index
    %get3A_2 = vector.load %arg1[%get3A, %get3A_0, %get3A_1] : memref<2x2000x128xf32, #tpu.memory_space<vmem>>, vector<1x2000x128xf32>
    %get3A_3 = vector.shape_cast %get3A_2 : vector<1x2000x128xf32> to vector<2000x128xf32>
    %get3A_4 = arith.constant 1 : index
    %get3A_5 = arith.constant 0 : index
    %get3A_6 = arith.constant 0 : index
    %get3A_7 = vector.load %arg1[%get3A_4, %get3A_5, %get3A_6] : memref<2x2000x128xf32, #tpu.memory_space<vmem>>, vector<1x2000x128xf32>
    %get3A_8 = vector.shape_cast %get3A_7 : vector<1x2000x128xf32> to vector<2000x128xf32>
    %add3A = arith.addf %get3A_3, %get3A_8 : vector<2000x128xf32>
    %get3A_9 = arith.constant 0 : index
    %get3A_10 = arith.constant 0 : index
    %get3A_11 = vector.load %arg2[%get3A_9, %get3A_10] : memref<2000x128xf32, #tpu.memory_space<vmem>>, vector<2000x128xf32>
    %add3A_12 = arith.addf %add3A, %get3A_11 : vector<2000x128xf32>
    %get3A_13 = arith.constant 0 : index
    %get3A_14 = arith.constant 0 : index
    %get3A_15 = vector.load %arg3[%get3A_13, %get3A_14] : memref<2000x1xf32, #tpu.memory_space<vmem>>, vector<2000x1xf32>
    %mul3A = vector.broadcast %get3A_15 : vector<2000x1xf32> to vector<2000x128xf32>
    %mul3A_16 = arith.mulf %add3A_12, %mul3A : vector<2000x128xf32>
    %get3A_17 = arith.constant 0 : index
    %get3A_18 = arith.constant 0 : index
    %get3A_19 = vector.load %arg4[%get3A_17, %get3A_18] : memref<1x128xf32, #tpu.memory_space<vmem>>, vector<1x128xf32>
    %add3A_20 = vector.broadcast %get3A_19 : vector<1x128xf32> to vector<2000x128xf32>
    %add3A_21 = arith.addf %mul3A_16, %add3A_20 : vector<2000x128xf32>
    %ge3A = arith.constant 0.000000e+00 : f32
    %ge3A_22 = vector.broadcast %ge3A : f32 to vector<2000x128xf32>
    %ge3A_23 = arith.cmpf oge, %add3A_21, %ge3A_22 : vector<2000x128xf32>
    %mul3A_24 = arith.constant 0.00999999977 : f32
    %mul3A_25 = vector.broadcast %mul3A_24 : f32 to vector<2000x128xf32>
    %mul3A_26 = arith.mulf %mul3A_25, %add3A_21 : vector<2000x128xf32>
    %select_n3A = arith.select %ge3A_23, %add3A_21, %mul3A_26 : vector<2000x128xi1>, vector<2000x128xf32>
    %get3A_27 = arith.constant 0 : index
    %get3A_28 = arith.constant 0 : index
    %get3A_29 = vector.load %arg5[%get3A_27, %get3A_28] : memref<128x16xf32, #tpu.memory_space<vmem>>, vector<128x16xf32>
    %dot_general3A = arith.constant dense<0.000000e+00> : vector<2000x16xf32>
    %dot_general3A_30 = tpu.matmul %select_n3A, %get3A_29, %dot_general3A {dimension_numbers = #tpu.dot_dimension_numbers<[1], [0], [0], [1], [0, 0, 1, 1], [], []>, transpose_lhs_hint = false} : vector<2000x128xf32>, vector<128x16xf32>, vector<2000x16xf32> -> vector<2000x16xf32>
    %get3A_31 = arith.constant 0 : index
    %get3A_32 = arith.constant 0 : index
    %get3A_33 = vector.load %arg3[%get3A_31, %get3A_32] : memref<2000x1xf32, #tpu.memory_space<vmem>>, vector<2000x1xf32>
    %mul3A_34 = vector.broadcast %get3A_33 : vector<2000x1xf32> to vector<2000x16xf32>
    %mul3A_35 = arith.mulf %dot_general3A_30, %mul3A_34 : vector<2000x16xf32>
    %swap3A = arith.constant 0 : index
    %swap3A_36 = arith.constant 0 : index
    %swap3A_37 = vector.load %arg6[%swap3A, %swap3A_36] : memref<2000x16xf32, #tpu.memory_space<vmem>>, vector<2000x16xf32>
    tpu.vector_store %arg6[%swap3A, %swap3A_36], %mul3A_35 {strides = array<i32>} : memref<2000x16xf32, #tpu.memory_space<vmem>>, vector<2000x16xf32>,
    return
  }
  func.func @transform_0(%arg0: i32) -> (i32, i32, i32) {
    %c0_i32 = arith.constant 0 : i32
    %c0_i32_0 = arith.constant 0 : i32
    %c0_i32_1 = arith.constant 0 : i32
    return %c0_i32, %arg0, %c0_i32_0 : i32, i32, i32
  }
  func.func @transform_1(%arg0: i32) -> (i32, i32) {
    %c0_i32 = arith.constant 0 : i32
    %c0_i32_0 = arith.constant 0 : i32
    return %arg0, %c0_i32 : i32, i32
  }
  func.func @transform_2(%arg0: i32) -> (i32, i32) {
    %c0_i32 = arith.constant 0 : i32
    %c0_i32_0 = arith.constant 0 : i32
    return %arg0, %c0_i32 : i32, i32
  }
  func.func @transform_3(%arg0: i32) -> (i32, i32) {
    %c0_i32 = arith.constant 0 : i32
    %c0_i32_0 = arith.constant 0 : i32
    %c0_i32_1 = arith.constant 0 : i32
    return %c0_i32, %c0_i32_0 : i32, i32
  }
  func.func @transform_4(%arg0: i32) -> (i32, i32) {
    %c0_i32 = arith.constant 0 : i32
    %c0_i32_0 = arith.constant 0 : i32
    %c0_i32_1 = arith.constant 0 : i32
    return %c0_i32, %c0_i32_0 : i32, i32
  }
  func.func @transform_5(%arg0: i32) -> (i32, i32) {
    %c0_i32 = arith.constant 0 : i32
    %c0_i32_0 = arith.constant 0 : i32
    return %arg0, %c0_i32 : i32, i32
  }
}

module attributes {stable_mosaic.version = 14 : i64} {
  func.func @fin_body(%arg0: i32, %arg1: memref<2x2000x16xf32, #tpu.memory_space<vmem>>, %arg2: memref<2000x16xf32, #tpu.memory_space<vmem>>, %arg3: memref<2000x1xf32, #tpu.memory_space<vmem>>, %arg4: memref<1x16xf32, #tpu.memory_space<vmem>>, %arg5: memref<2000x16xf32, #tpu.memory_space<vmem>>) attributes {dimension_semantics = [#tpu.dimension_semantics<arbitrary>], iteration_bounds = array<i64: 5>, scalar_prefetch = 0 : i64, scratch_operands = 0 : i64, tpu.core_type = #tpu.core_type<tc>, window_params = [{transform_indices = @transform_0, window_bounds = array<i64: 2, 2000, 16>}, {transform_indices = @transform_1, window_bounds = array<i64: 2000, 16>}, {transform_indices = @transform_2, window_bounds = array<i64: 2000, 1>}, {pipeline_mode = #tpu.pipeline_mode<synchronous>, transform_indices = @transform_3, window_bounds = array<i64: 1, 16>}, {transform_indices = @transform_4, window_bounds = array<i64: 2000, 16>}]} {
    %get3A = arith.constant 0 : index
    %get3A_0 = arith.constant 0 : index
    %get3A_1 = arith.constant 0 : index
    %get3A_2 = vector.load %arg1[%get3A, %get3A_0, %get3A_1] : memref<2x2000x16xf32, #tpu.memory_space<vmem>>, vector<1x2000x16xf32>
    %get3A_3 = vector.shape_cast %get3A_2 : vector<1x2000x16xf32> to vector<2000x16xf32>
    %get3A_4 = arith.constant 1 : index
    %get3A_5 = arith.constant 0 : index
    %get3A_6 = arith.constant 0 : index
    %get3A_7 = vector.load %arg1[%get3A_4, %get3A_5, %get3A_6] : memref<2x2000x16xf32, #tpu.memory_space<vmem>>, vector<1x2000x16xf32>
    %get3A_8 = vector.shape_cast %get3A_7 : vector<1x2000x16xf32> to vector<2000x16xf32>
    %add3A = arith.addf %get3A_3, %get3A_8 : vector<2000x16xf32>
    %get3A_9 = arith.constant 0 : index
    %get3A_10 = arith.constant 0 : index
    %get3A_11 = vector.load %arg2[%get3A_9, %get3A_10] : memref<2000x16xf32, #tpu.memory_space<vmem>>, vector<2000x16xf32>
    %add3A_12 = arith.addf %add3A, %get3A_11 : vector<2000x16xf32>
    %get3A_13 = arith.constant 0 : index
    %get3A_14 = arith.constant 0 : index
    %get3A_15 = vector.load %arg3[%get3A_13, %get3A_14] : memref<2000x1xf32, #tpu.memory_space<vmem>>, vector<2000x1xf32>
    %mul3A = vector.broadcast %get3A_15 : vector<2000x1xf32> to vector<2000x16xf32>
    %mul3A_16 = arith.mulf %add3A_12, %mul3A : vector<2000x16xf32>
    %get3A_17 = arith.constant 0 : index
    %get3A_18 = arith.constant 0 : index
    %get3A_19 = vector.load %arg4[%get3A_17, %get3A_18] : memref<1x16xf32, #tpu.memory_space<vmem>>, vector<1x16xf32>
    %add3A_20 = vector.broadcast %get3A_19 : vector<1x16xf32> to vector<2000x16xf32>
    %add3A_21 = arith.addf %mul3A_16, %add3A_20 : vector<2000x16xf32>
    %swap3A = arith.constant 0 : index
    %swap3A_22 = arith.constant 0 : index
    %swap3A_23 = vector.load %arg5[%swap3A, %swap3A_22] : memref<2000x16xf32, #tpu.memory_space<vmem>>, vector<2000x16xf32>
    tpu.vector_store %arg5[%swap3A, %swap3A_22], %add3A_21 {strides = array<i32>} : memref<2000x16xf32, #tpu.memory_space<vmem>>, vector<2000x16xf32>,
    return
  }
  func.func @transform_0(%arg0: i32) -> (i32, i32, i32) {
    %c0_i32 = arith.constant 0 : i32
    %c0_i32_0 = arith.constant 0 : i32
    %c0_i32_1 = arith.constant 0 : i32
    return %c0_i32, %arg0, %c0_i32_0 : i32, i32, i32
  }
  func.func @transform_1(%arg0: i32) -> (i32, i32) {
    %c0_i32 = arith.constant 0 : i32
    %c0_i32_0 = arith.constant 0 : i32
    return %arg0, %c0_i32 : i32, i32
  }
  func.func @transform_2(%arg0: i32) -> (i32, i32) {
    %c0_i32 = arith.constant 0 : i32
    %c0_i32_0 = arith.constant 0 : i32
    return %arg0, %c0_i32 : i32, i32
  }
  func.func @transform_3(%arg0: i32) -> (i32, i32) {
    %c0_i32 = arith.constant 0 : i32
    %c0_i32_0 = arith.constant 0 : i32
    %c0_i32_1 = arith.constant 0 : i32
    return %c0_i32, %c0_i32_0 : i32, i32
  }
  func.func @transform_4(%arg0: i32) -> (i32, i32) {
    %c0_i32 = arith.constant 0 : i32
    %c0_i32_0 = arith.constant 0 : i32
    return %arg0, %c0_i32 : i32, i32
  }
}

</mosaic_0001>

<sc_bundles>
// kernel: kernel.12.cloned.1.call-start
scs
__scs_entry_jumppad:
0x0: {  	(pc) =	sbr.rel $0x88, $3  }
0x1: {  	(tag) =	ssettag $0x0;
	lr =	simm.s32 $0x1  }
0x2: {  	[smem:$0x3F9B] =	sst lr;
	_ =	strace $0xD0000000  }
0x3: {  	_ = 	snop  }
0x4: {  	_ = 	snop  }
0x5: {  	_ = 	snop  }
0x6: {  	_ = 	snop  }
0x7: {  	_ = 	snop  }
__scs_overlays_trampoline_lowered:
0x8: {  	[smem:$0x3FAA] =	sst s0  }
0x9: {  	[smem:$0x3FAB] =	sst s1  }
0xa: {  	[smem:$0x3FAC] =	sst s2  }
0xb: {  	[smem:$0x3FAD] =	sst s3  }
0xc: {  	[smem:$0x3FAE] =	sst s4  }
0xd: {  	[smem:$0x3FAF] =	sst s5  }
0xe: {  	[smem:$0x3FB0] =	sst s6  }
0xf: {  	[smem:$0x3FB1] =	sst s7  }
0x10: {  	[smem:$0x3FB2] =	sst s8  }
0x11: {  	[smem:$0x3FB3] =	sst s9;
	s0 =	simm.s32 @!p0 $0x0  }
0x12: {  	s1 =	sld [smem:$0x3F99];
	s0 =	simm.s32 @p0 $0x1  }
0x13: {  	[smem:$0x3FB4] =	sst s0;
	s0 =	simm.s32 @!p1 $0x0  }
0x14: {  	s2 =	sld [smem:$0x3F98];
	s0 =	simm.s32 @p1 $0x1  }
0x15: {  	[smem:$0x3FB5] =	sst s0;
	s0 =	simm.s32 @!p2 $0x0  }
0x16: {  	s3 =	sld [smem:$0x3FDB];
	s0 =	simm.s32 @p2 $0x1  }
0x17: {  	s4 =	simm.s32 $0x1BF5;
	[smem:$0x3FB7] =	sst s0  }
0x18: {  	s0 =	sld [smem:$0x3F9A];
	_ =	swait.ge [sflag:s4], $0x0  }
0x19: {  	s7 =	sld [smem:$0x3F9B]  }
0x1a: {  	s8 =	sadd.s32 $0xFFFFE003, lr  }
0x1b: {  	s9 =	sadd.s32 $0xFFFFFEF7, lr;
	s5 =	simm.s32 $0xFFFFFFFF;
	p2 =	slt.u32 s8, $0xFFFFF086  }
0x1c: {  	p1 =	slt.u32 s9, $0xF7A;
	s5 =	simm.s32 @!p2 $0x0  }
0x1d: {  	s5 =	simm.s32 @p1 $0x1;
	p0 =	seq.s32 s7, s2  }
0x1e: {  	s7 =	smul.u32 @!p0 $0xF7A, s2;
	p2 =	seq.s32 @!p0 s5, $0x0  }
0x1f: {  	s9 =	smul.u32 $0xF7A, s1;
	s8 =	simm.s32 @!p0 $0x1BF5;
	p2 =	por !p2, p0  }
0x20: {  	[sflag:s8] =	ssyncset.s32 @!p0 $0xFFFFF086;
	s6 =	sadd.s32 @!p0 s3, s7;
	s7 =	simm.s32 @!p0 $0x108  }
0x21: {  	s3 =	sadd.s32 s3, s9;
	s6 =	sadd.s32 @!p0 $0x88, s6;
	s7 =	simm.s32 @p2 $0x1082  }
0x22: {  	[simem:s7], [sflag:s8] =	dma.local @!p0 [hbm:s6], $0xF7A  }
0x23: {  	s9 =	sor.u32 $0xD0000000, s2;
	s6 =	simm.s32 $0x108;
	_ =	swait.ge @!p0 [sflag:s8], $0x0  }
0x24: {  	s3 =	sadd.s32 $0x88, s3;
	s6 =	simm.s32 @!p1 $0x1082;
	[sflag:s4] =	ssyncset.s32 $0xFFFFF086  }
0x25: {  	[simem:s6], [sflag:s4] =	dma.local [hbm:s3], $0xF7A  }
0x26: {  	[smem:$0x3F9B] =	sst s1;
	(tag) =	ssettag s2;
	_ =	strace s9  }
0x27: {  	s1 =	sld [smem:$0x3FAB]  }
0x28: {  	s2 =	sld [smem:$0x3FAC]  }
0x29: {  	s4 =	sld [smem:$0x3FAE]  }
0x2a: {  	p0 =	seq.s32 s5, $0x0;
	s5 =	sld [smem:$0x3FAF]  }
0x2b: {  	s6 =	sld [smem:$0x3FB0]  }
0x2c: {  	s7 =	sld [smem:$0x3FB1]  }
0x2d: {  	s3 =	simm.s32 $0x108;
	s8 =	sld [smem:$0x3FB2]  }
0x2e: {  	s3 =	simm.s32 @!p0 $0x1082;
	s9 =	sld [smem:$0x3FB3]  }
0x2f: {  	lr =	sadd.s32 s0, s3;
	s0 =	sld [smem:$0x3FAA]  }
0x30: {  	s3 =	sld [smem:$0x3FAD]  }
0x31: {  	[smem:$0x3FB6] =	sst s10  }
0x32: {  	s10 =	sld [smem:$0x3FB4];
	_ =	sdelay $0x3  }
0x33: {  	p0 =	seq.s32 s10, $0x1;
	s10 =	sld [smem:$0x3FB6];
	_ =	sdelay $0x3  }
0x34: {  	[smem:$0x3FB6] =	sst s10  }
0x35: {  	s10 =	sld [smem:$0x3FB5];
	_ =	sdelay $0x3  }
0x36: {  	p1 =	seq.s32 s10, $0x1;
	s10 =	sld [smem:$0x3FB6];
	_ =	sdelay $0x3  }
0x37: {  	[smem:$0x3FB6] =	sst s10  }
0x38: {  	s10 =	sld [smem:$0x3FB7]  }
0x39: {  	_ = 	snop;
	(pc) =	sbr.ind lr, $3  }
0x3a: {  	_ = 	snop  }
0x3b: {  	_ = 	snop  }
0x3c: {  	p2 =	seq.s32 s10, $0x1;
	s10 =	sld [smem:$0x3FB6]  }
0x3d: {  	_ =	shalt  }
0x3e: {  	_ =	shalt  }
0x3f: {  	_ =	shalt  }
0x40: {  	_ =	shalt  }
0x41: {  	_ =	shalt  }
0x42: {  	_ =	shalt  }
0x43: {  	_ =	shalt  }
0x44: {  	_ =	shalt  }
0x45: {  	_ =	shalt  }
0x46: {  	_ =	shalt  }
0x47: {  	_ =	shalt  }
0x48: {  	_ =	shalt  }
0x49: {  	_ =	shalt  }
0x4a: {  	_ =	shalt  }
0x4b: {  	_ =	shalt  }
0x4c: {  	_ =	shalt  }
0x4d: {  	_ =	shalt  }
0x4e: {  	_ =	shalt  }
0x4f: {  	_ =	shalt  }
0x50: {  	_ =	shalt  }
0x51: {  	_ =	shalt  }
0x52: {  	_ =	shalt  }
0x53: {  	_ =	shalt  }
0x54: {  	_ =	shalt  }
0x55: {  	_ =	shalt  }
0x56: {  	_ =	shalt  }
0x57: {  	_ =	shalt  }
0x58: {  	_ =	shalt  }
0x59: {  	_ =	shalt  }
0x5a: {  	_ =	shalt  }
0x5b: {  	_ =	shalt  }
0x5c: {  	_ =	shalt  }
0x5d: {  	_ =	shalt  }
0x5e: {  	_ =	shalt  }
0x5f: {  	_ =	shalt  }
0x60: {  	_ =	shalt  }
0x61: {  	_ =	shalt  }
0x62: {  	_ =	shalt  }
0x63: {  	_ =	shalt  }
0x64: {  	_ =	shalt  }
0x65: {  	_ =	shalt  }
0x66: {  	_ =	shalt  }
0x67: {  	_ =	shalt  }
0x68: {  	_ =	shalt  }
0x69: {  	_ =	shalt  }
0x6a: {  	_ =	shalt  }
0x6b: {  	_ =	shalt  }
0x6c: {  	_ =	shalt  }
0x6d: {  	_ =	shalt  }
0x6e: {  	_ =	shalt  }
0x6f: {  	_ =	shalt  }
0x70: {  	_ =	shalt  }
0x71: {  	_ =	shalt  }
0x72: {  	_ =	shalt  }
0x73: {  	_ =	shalt  }
0x74: {  	_ =	shalt  }
0x75: {  	_ =	shalt  }
0x76: {  	_ =	shalt  }
0x77: {  	_ =	shalt  }
0x78: {  	_ =	shalt  }
0x79: {  	_ =	shalt  }
0x7a: {  	_ =	shalt  }
0x7b: {  	_ =	shalt  }
0x7c: {  	_ =	shalt  }
0x7d: {  	_ =	shalt  }
0x7e: {  	_ =	shalt  }
0x7f: {  	_ =	shalt  }
0x80: {  	_ =	shalt  }
0x81: {  	_ =	shalt  }
0x82: {  	_ =	shalt  }
0x83: {  	_ =	shalt  }
0x84: {  	_ =	shalt  }
0x85: {  	_ =	shalt  }
0x86: {  	_ =	shalt  }
0x87: {  	_ =	shalt  }
.Lfunc_end0:
.L_simem_size_0:
called_computation.1_lowered:
.L_overlay_start_0:
0x88: {  	s2 =	sld [smem:$0x3FD9]  }
0x89: {  	s3 =	sld [smem:$0x3FFE];
	_ =	sdelay $0x1  }
0x8a: {  	s1 =	srdreg.scid  }
0x8b: {  	s0 =	sand.u32 $0x1, s1  }
0x8c: {  	s16 =	sshll.u32 s0, $0xA;
	s2 =	sadd.s32 s3, s2  }
0x8d: {  	s2 =	sadd.s32 s2, s16  }
0x8e: {  	[smem:$0x3FC2] =	sst s2  }
0x8f: {  	_ = 	snop  }
0x90: {  	(tm) =	ssettm $0x1  }
0x91: {  	s17 =	sld [smem:$0x3FFB];
	_ =	sdelay $0x3  }
0x92: {  	_ =	strace s17  }
0x93: {  	s2 =	sld [smem:$0x3FFC];
	_ =	sdelay $0x3  }
0x94: {  	_ =	strace s2  }
0x95: {  	s2 =	sld [smem:$0x3FFD];
	_ =	sdelay $0x3  }
0x96: {  	_ =	strace s2  }
0x97: {  	_ =	strace $0x8FFFFFFF  }
0x98: {  	s18 =	sld [smem:$0x3FDB];
	_ =	sdelay $0x1  }
0x99: {  	s19 =	simm.s32 $_scs_section_size  }
0x9a: {  	s4 =	simm.s32 $_size__tile_overlayer_lowered;
	s5 =	simm.s32 $_tile_overlayer_lowered  }
0x9b: {  	s22 =	simm.s32 $0x1BFF;
	s21 =	sshll.u32 s5, $0x1;
	s2 =	sadd.s32 s19, s18  }
0x9c: {  	s6 =	simm.s32 $0x0;
	s20 =	sshll.u32 s4, $0x1;
	s4 =	sadd.s32 s21, s2  }
0x9d: {  	[timem:s6], [sflag:s22] =	dma.local [hbm:s4], s20  }
0x9e: {  	_ =	swait.ge [sflag:s22], s20  }
0x9f: {  	s3 =	ssub.s32 $0x0, s20;
	[sflag:s22] =	ssyncset.done $0x0  }
0xa0: {  	[sflag:s22] =	ssyncadd.s32 s3;
	_ =	sdelay $0x1  }
0xa1: {  	s23 =	simm.s32 $0x1B8B  }
0xa2: {  	_ =	swait.ge [sflag:s23], $0x1  }
0xa3: {  	[sflag:s23] =	ssyncset.done $0x0  }
0xa4: {  	s25 =	simm.s32 $0x1B8E;
	s24 =	sld [smem:$0x3FFE];
	[sflag:s23] =	ssyncadd.s32 $0xFFFFFFFF  }
0xa5: {  	s26 =	simm.s32 $execute0_lowered;
	[smem:$0x3FD2] =	sst s25  }
0xa6: {  	s4 =	sshll.u32 s26, $0x1;
	_ =	strace $0x80000049;
	[dreg:$0x1] =	wrdreg $0xFFFFFFFF  }
0xa7: {  	s28 =	simm.s32 $_size_execute0_lowered;
	s2 =	sadd.s32 s2, s4;
	[dreg:$0x0] =	wrdreg $0x0  }
0xa8: {  	s4 =	sshll.u32 s28, $0x1;
	[dreg:$0x2] =	wrdreg s2  }
0xa9: {  	[dreg:$0x3] =	wrdreg s4  }
0xaa: {  	[dreg:$0x4] =	wrdreg $0xC0  }
0xab: {  	_ =	task [dreg:s6], $0x5FFFF  }
0xac: {  	[dreg:$0x1] =	wrdreg $0xFFFFFFFF  }
0xad: {  	[dreg:$0x0] =	wrdreg $0x60  }
0xae: {  	[dreg:$0x2] =	wrdreg s24  }
0xaf: {  	[dreg:$0x3] =	wrdreg $0xB9000  }
0xb0: {  	[dreg:$0x4] =	wrdreg $0x9  }
0xb1: {  	_ =	task.clear_ibuf [dreg:s6], $0x5FFFF;
	_ =	strace $0x90000049  }
0xb2: {  	s29 =	simm.s32 $0x9;
	_ =	strace $0x8000004B  }
0xb3: {  	_ =	swait.ge [sflag:s29], $0x1  }
0xb4: {  	[sflag:s29] =	ssyncadd.s32 $0xFFFFFFFF  }
0xb5: {  	_ =	strace $0x9000004B  }
0xb6: {  	_ =	sfence  }
0xb7: {  	s30 =	sld [smem:$0x0];
	_ =	sdelay $0x2  }
0xb8: {  	s31 =	sshll.u32 s1, $0xD;
	s1 =	sshrl.u32 s1, $0x2  }
0xb9: {  	s3 =	sand.u32 $0x4000, s31;
	s1 =	sadd.s32 s1, s30  }
0xba: {  	s0 =	sor.u32 s3, s0;
	s1 =	sshll.u32 s1, $0x11  }
0xbb: {  	s0 =	sor.u32 s1, s0  }
0xbc: {  	s0 =	sadd.s32 $0x8F2B, s0  }
0xbd: {  	[sflag:s0] =	ssyncadd.remote.s32 $0x1  }
0xbe: {  	_ =	sfence.sel $0xFFFF  }
0xbf: {  	[dreg:$0x0] =	wrdreg $0xFFFFFFFF;
	(pc) =	sbr.abs _section_cstart, $3  }
0xc0: {  	[dreg:$0x1] =	wrdreg $0xFFFFFFFF  }
0xc1: {  	_ =	task.clear_ibuf [dreg:s6], $0x2FFFF;
	_ =	strace $0x9FFFFFFF  }
0xc2: {  	(tm) =	ssettm $0x7FFFFFFF  }
0xc3: {  	_ =	shalt  }
tec
execute0_lowered:
.L_overlay_start_1:
0x0: {  	(tag) =	ssettag $0x1  }
0x1: {  	s1 =	rddreg [dreg:$0x0]  }
0x2: {  	s0 =	stileid.u32;
	s2 =	rddreg [dreg:$0x1]  }
0x3: {  	s3 =	simm.s32 $0x0;
	s5 =	srdreg.scid;
	s11 =	simm.s32 $0x70  }
0x4: {  	s17 =	simm.s32 $0x80;
	s18 =	simm.s32 $0x3900;
	s4 =	smul.u32 $0x2D, s0  }
0x5: {  	s21 =	simm.s32 $0x3;
	s16 =	sand.u32 $0x1, s5;
	s5 =	smul.u32 $0x70, s0  }
0x6: {  	s22 =	simm.s32 $0x7900;
	s23 =	simm.s32 $0x1;
	s24 =	smul.u32 $0x13C00, s0  }
0x7: {  	[smem:$0x7FF] =	sst s3;
	s25 =	sadd.s32 $0xE00, s1;
	s28 =	smul.u32 $0x700, s0  }
0x8: {  	s30 =	smul.u32 $0x4F000, s0;
	s31 =	sshll.u32 s0, $0x6;
	p0 =	seq.s32 s16, $0x0  }
0x9: {  	_ =	strace $0x8000004A;
	s8 =	smul.u32 $0x13C000, s16;
	s26 =	ssub.s32 $0x2, s16  }
0xa: {  	s19 =	sor.u32 $0x1C04, s31;
	s6 =	sadd.s32 $0x700, s4;
	s9 =	sshrl.u32 s24, $0x3  }
0xb: {  	s10 =	sshrl.u32 s26, $0x1;
	s11 =	simm.s32 @!p0 $0x2D;
	s4 =	smov.u32 s6  }
0xc: {  	s9 =	sadd.s32 s9, s1;
	s13 =	ssub.s32 s26, s10;
	s29 =	sshll.u32 s6, $0x4  }
0xd: {  	s6 =	sadd.s32 s25, s28;
	s10 =	sshrl.u32 s30, $0x2;
	s26 =	simm.s32 $0x0  }
0xe: {  	s4 =	smov.u32 @p0 s5;
	s5 =	sadd.s32 s24, s8;
	s20 =	sadd.s32 s10, s2  }
0xf: {  	s9 =	sadd.s32 $0x3C400, s9;
	s10 =	sadd.s32 $0xFFFFFFFF, s11;
	s11 =	sadd.s32 $0xFFFFFFFE, s11  }
0x10: {  	s13 =	smax.u32 s13, $0x1;
	p0 =	sne.s32 s16, $0x0;
	s16 =	simm.s32 $0x4  }
.Ltmp0:
0x11: {  	s24 =	simm.s32 $0x100;
	s7 =	sshll.u32 s4, $0x4;
	(pc) =	sbr.rel .LBB2_1-.Ltmp0, $4  }
0x12: {  	s4 =	sadd.s32 $0x15200, s1;
	s5 =	sshrl.u32 s5, $0x3;
	s20 =	sshrl.u32 s20, $0x3  }
0x13: {  	s15 =	sadd.s32 s7, s1;
	s1 =	sadd.s32 s5, s1;
	s5 =	sadd.s32 s25, s29  }
0x14: {  	s25 =	simm.s32 $0x2;
	s7 =	sadd.s32 $0xB400, s15;
	s8 =	sadd.s32 $0xB410, s15  }
0x15: {  	s12 =	sadd.s32 $0x63C00, s1;
	s14 =	sadd.s32 $0xB420, s15;
	s15 =	sadd.s32 $0xB430, s15  }
.LBB2_10:
0x16: {  	[tilespmem:s1], [sflag:$0x3] =	stream.linear.gather [hbm4b:s29+s3], $0x80, $0x38;
	[tilespmem:$0x1F500] =	vst v63  }
.LBB2_11:
0x17: {  	[spmem:s2] =	stream.indirect.scatter.add.f32 [tilespmem:s30], [sflag:$0x2], $0x80, s28, s17, $0xb8;
	[tilespmem:$0x1F500] =	vst v63  }
0x18: {  	_ =	swait.ge [sflag:s25], $0x4000  }
0x19: {  	s26 =	sadd.s32 $0x1, s26;
	[sflag:s25] =	ssyncset.done $0x0  }
0x1a: {  	p1 =	sne.s32 s26, s13;
	[sflag:s25] =	ssyncadd.s32 $0xFFFFC000  }
.Ltmp1:
0x1b: {  	[bflag:$0x0] =	sbarrier.arrive $0xFFFF;
	(pc) =	sbr.rel @!p1 .LBB2_12-.Ltmp1, $4  }
0x1c: {  	[hbm:s12], [sflag:s19] =	dma.local [spmem:s20], $0x2780  }
0x1d: {  	_ =	swait.ge [sflag:s16], $0x2780  }
0x1e: {  	[sflag:s16] =	ssyncset.done $0x0  }
0x1f: {  	[sflag:s16] =	ssyncadd.s32 $0xFFFFD880  }
.LBB2_1:
0x20: {  	s1 =	simm.s32 @p0 $0x0;
	s28 =	simm.s32 @p0 $0x100  }
0x21: {  	[tilespmem:s28], [sflag:$0x4] =	stream.linear.gather @p0 [hbm4b:s5+s1], $0x1680, $0x38;
	[tilespmem:$0x1F500] =	vst v63  }
0x22: {  	s1 =	simm.s32 @p0 $0x4  }
0x23: {  	_ =	swait.ge @p0 [sflag:s1], $0x1680  }
0x24: {  	[sflag:s1] =	ssyncset.done @p0 $0x0  }
0x25: {  	s28 =	simm.s32 @!p0 $0x100;
	[sflag:s1] =	ssyncadd.s32 @p0 $0xFFFFE980;
	s1 =	simm.s32 @!p0 $0x0  }
0x26: {  	[tilespmem:s28], [sflag:$0x4] =	stream.linear.gather @!p0 [hbm4b:s6+s1], $0x3800, $0x38;
	[tilespmem:$0x1F500] =	vst v63  }
0x27: {  	s1 =	simm.s32 @!p0 $0x4  }
0x28: {  	_ =	swait.ge @!p0 [sflag:s1], $0x3800  }
0x29: {  	[sflag:s1] =	ssyncset.done @!p0 $0x0  }
0x2a: {  	[sflag:s1] =	ssyncadd.s32 @!p0 $0xFFFFC800  }
0x2b: {  	[tilespmem:s3], [sflag:$0x4] =	stream.linear.gather [hbm4b:s7+s3], $0x80, $0x38;
	[tilespmem:$0x1F500] =	vst v63  }
0x2c: {  	_ =	swait.ge [sflag:s16], $0x80  }
0x2d: {  	[sflag:s16] =	ssyncset.done $0x0  }
0x2e: {  	[sflag:s16] =	ssyncadd.s32 $0xFFFFFF80  }
0x2f: {  	[tilespmem:s18], [sflag:$0x1] =	stream.indirect.gather [hbm4b:s4+s17], $0x80, s3, s17, $0xb8;
	[tilespmem:$0x1F500] =	vst v63  }
0x30: {  	_ = 	snop  }
0x31: {  	[tilespmem:s17], [sflag:$0x3] =	stream.linear.gather [hbm4b:s8+s3], $0x80, $0x38;
	[tilespmem:$0x1F500] =	vst v63  }
0x32: {  	[spmem:s20], [sflag:s19] =	dma.local [hbm:s9], $0x2780  }
0x33: {  	_ =	swait.ge [sflag:s16], $0x2780  }
0x34: {  	[sflag:s16] =	ssyncset.done $0x0  }
0x35: {  	[sflag:s16] =	ssyncadd.s32 $0xFFFFD880  }
0x36: {  	[bflag:$0x0] =	sbarrier.arrive $0xFFFF  }
0x37: {  	_ =	swait.ge [sflag:s21], $0x80  }
0x38: {  	[sflag:s21] =	ssyncset.done $0x0  }
0x39: {  	[sflag:s21] =	ssyncadd.s32 $0xFFFFFF80  }
0x3a: {  	[tilespmem:s22], [sflag:$0x1] =	stream.indirect.gather [hbm4b:s4+s17], $0x80, s17, s17, $0xb8;
	[tilespmem:$0x1F500] =	vst v63  }
0x3b: {  	_ =	swait.ge [sflag:s23], $0x4000  }
.Ltmp2:
0x3c: {  	[sflag:s23] =	ssyncset.done $0x0;
	(pc) =	sbr.rel .LBB2_2-.Ltmp2, $4  }
0x3d: {  	[sflag:s23] =	ssyncadd.s32 $0xFFFFC000  }
0x3e: {  	[tilespmem:s3], [sflag:$0x3] =	stream.linear.gather [hbm4b:s14+s3], $0x80, $0x38;
	[tilespmem:$0x1F500] =	vst v63  }
0x3f: {  	s29 =	smov.u32 s15;
	s30 =	simm.s32 $0x0;
	s28 =	simm.s32 $0x180  }
0x40: {  	[spmem:s2] =	stream.indirect.scatter.add.f32 [tilespmem:s18], [sflag:$0x2], $0x80, s24, s17, $0xb8;
	[tilespmem:$0x1F500] =	vst v63  }
.LBB2_5:
0x41: {  	[tilespmem:s31], [sflag:$0x3] =	stream.linear.gather [hbm4b:s29+s3], $0x80, $0x38;
	[tilespmem:$0x1F500] =	vst v63  }
.LBB2_6:
0x42: {  	p1 =	sne.s32 s11, s30  }
.Ltmp3:
0x43: {  	_ = 	snop;
	(pc) =	sbr.rel @!p1 .LBB2_7-.Ltmp3, $3  }
0x44: {  	_ =	sdelay $0x1  }
0x45: {  	[spmem:s2] =	stream.indirect.scatter.add.f32 [tilespmem:s1], [sflag:$0x2], $0x80, s28, s17, $0xb8;
	[tilespmem:$0x1F500] =	vst v63  }
0x46: {  	s29 =	sadd.s32 $0x10, s29;
	s28 =	sadd.s32 $0x80, s28  }
.LBB2_2:
0x47: {  	s30 =	sadd.s32 $0x1, s30  }
0x48: {  	s1 =	sand.u32 $0x1, s30  }
0x49: {  	p1 =	seq.s32 s1, $0x1  }
.Ltmp4:
0x4a: {  	_ = 	snop;
	(pc) =	sbr.rel @!p1 .LBB2_3-.Ltmp4, $4  }
0x4b: {  	_ = 	snop  }
0x4c: {  	_ =	swait.ge [sflag:s25], $0x4000  }
0x4d: {  	[sflag:s25] =	ssyncset.done $0x0  }
0x4e: {  	[sflag:s25] =	ssyncadd.s32 $0xFFFFC000  }
0x4f: {  	_ =	swait.ge [sflag:s21], $0x80  }
0x50: {  	[sflag:s21] =	ssyncset.done $0x0  }
0x51: {  	s31 =	simm.s32 $0x80;
	p1 =	sge.u32 s30, s11;
	[sflag:s21] =	ssyncadd.s32 $0xFFFFFF80  }
0x52: {  	[tilespmem:s18], [sflag:$0x1] =	stream.indirect.gather [hbm4b:s4+s31], $0x80, s3, s31, $0xb8;
	[tilespmem:$0x1F500] =	vst v63  }
.Ltmp5:
0x53: {  	_ = 	snop;
	(pc) =	sbr.rel @p1 .LBB2_6-.Ltmp5, $4  }
.Ltmp6:
0x54: {  	_ = 	snop;
	(pc) =	sbr.rel @!p1 .LBB2_5-.Ltmp6, $4  }
0x55: {  	_ =	swait.ge [sflag:s23], $0x4000  }
0x56: {  	[sflag:s23] =	ssyncset.done $0x0  }
0x57: {  	s1 =	simm.s32 $0x7900;
	[sflag:s23] =	ssyncadd.s32 $0xFFFFC000  }
0x58: {  	_ = 	snop  }
.LBB2_3:
0x59: {  	_ =	swait.ge [sflag:s21], $0x80  }
0x5a: {  	[sflag:s21] =	ssyncset.done $0x0  }
0x5b: {  	p1 =	slt.u32 s30, s11;
	[sflag:s21] =	ssyncadd.s32 $0xFFFFFF80  }
0x5c: {  	[tilespmem:s22], [sflag:$0x1] =	stream.indirect.gather [hbm4b:s4+s17], $0x80, s17, s17, $0xb8;
	[tilespmem:$0x1F500] =	vst v63  }
.Ltmp7:
0x5d: {  	_ = 	snop;
	(pc) =	sbr.rel @p1 .LBB2_5-.Ltmp7, $4  }
.Ltmp8:
0x5e: {  	_ = 	snop;
	(pc) =	sbr.rel @!p1 .LBB2_6-.Ltmp8, $4  }
0x5f: {  	_ =	swait.ge [sflag:s23], $0x4000  }
0x60: {  	[sflag:s23] =	ssyncset.done $0x0  }
0x61: {  	s1 =	simm.s32 $0x3900;
	s31 =	simm.s32 $0x0;
	[sflag:s23] =	ssyncadd.s32 $0xFFFFC000  }
0x62: {  	_ = 	snop  }
.LBB2_7:
0x63: {  	s30 =	sadd.s32 $0x1, s30  }
0x64: {  	s1 =	sand.u32 $0x1, s30  }
0x65: {  	p2 =	seq.s32 s1, $0x1  }
.Ltmp9:
0x66: {  	_ = 	snop;
	(pc) =	sbr.rel @!p2 .LBB2_8-.Ltmp9, $4  }
0x67: {  	_ = 	snop  }
0x68: {  	_ =	swait.ge [sflag:s25], $0x4000  }
0x69: {  	[sflag:s25] =	ssyncset.done $0x0  }
0x6a: {  	p1 =	sge.u32 s30, s10;
	[sflag:s25] =	ssyncadd.s32 $0xFFFFC000  }
0x6b: {  	s1 =	simm.s32 @!p1 $0x3  }
0x6c: {  	_ =	swait.ge @!p1 [sflag:s1], $0x80  }
0x6d: {  	s31 =	simm.s32 @!p1 $0x0;
	[sflag:s1] =	ssyncset.done @!p1 $0x0  }
0x6e: {  	s0 =	simm.s32 @!p1 $0x3900;
	[sflag:s1] =	ssyncadd.s32 @!p1 $0xFFFFFF80;
	s1 =	simm.s32 @!p1 $0x80  }
0x6f: {  	[tilespmem:s0], [sflag:$0x1] =	stream.indirect.gather @!p1 [hbm4b:s4+s1], $0x80, s31, s1, $0xb8;
	[tilespmem:$0x1F500] =	vst v63  }
0x70: {  	p1 =	sge.u32 s30, s11  }
.Ltmp10:
0x71: {  	_ = 	snop;
	(pc) =	sbr.rel @p1 .LBB2_11-.Ltmp10, $4  }
.Ltmp11:
0x72: {  	_ = 	snop;
	(pc) =	sbr.rel @!p1 .LBB2_10-.Ltmp11, $4  }
0x73: {  	_ =	swait.ge [sflag:s23], $0x4000  }
0x74: {  	[sflag:s23] =	ssyncset.done $0x0  }
0x75: {  	s30 =	simm.s32 $0x7900;
	s1 =	simm.s32 $0x80;
	[sflag:s23] =	ssyncadd.s32 $0xFFFFC000  }
0x76: {  	_ = 	snop  }
.LBB2_8:
0x77: {  	s1 =	simm.s32 @!p1 $0x3  }
0x78: {  	_ =	swait.ge @!p1 [sflag:s1], $0x80  }
0x79: {  	[sflag:s1] =	ssyncset.done @!p1 $0x0  }
0x7a: {  	s31 =	simm.s32 @!p1 $0x7900;
	[sflag:s1] =	ssyncadd.s32 @!p1 $0xFFFFFF80;
	s1 =	simm.s32 @!p1 $0x80  }
0x7b: {  	[tilespmem:s31], [sflag:$0x1] =	stream.indirect.gather @!p1 [hbm4b:s4+s1], $0x80, s1, s1, $0xb8;
	[tilespmem:$0x1F500] =	vst v63  }
0x7c: {  	p1 =	slt.u32 s30, s11  }
.Ltmp12:
0x7d: {  	_ = 	snop;
	(pc) =	sbr.rel @p1 .LBB2_10-.Ltmp12, $4  }
.Ltmp13:
0x7e: {  	_ = 	snop;
	(pc) =	sbr.rel @!p1 .LBB2_11-.Ltmp13, $4  }
0x7f: {  	_ =	swait.ge [sflag:s23], $0x4000  }
0x80: {  	[sflag:s23] =	ssyncset.done $0x0  }
0x81: {  	s30 =	simm.s32 $0x3900;
	s1 =	simm.s32 $0x0;
	[sflag:s23] =	ssyncadd.s32 $0xFFFFC000  }
0x82: {  	_ = 	snop  }
.LBB2_12:
0x83: {  	_ =	sfence.sel $0x180000  }
0x84: {  	[bflag:$0x0] =	sbarrier.arrive $0xFFFF  }
0x85: {  	_ =	strace $0x9000004A  }
0x86: {  	s0 =	stileid.u32;
	[bflag:$0x2] =	sbarrier.arrive $0xFFFF  }
0x87: {  	p0 =	sne.s32 s0, $0x0;
	s0 =	rddreg [dreg:$0x2]  }
0x88: {  	s0 =	sadd.s32 @!p0 $0x100000, s0  }
0x89: {  	[sflag:s0] =	ssyncadd.tile.s32 @!p0 $0x1;
	_ =	shalt  }
.Lfunc_end2:
_tile_overlayer_lowered:
.L_overlay_start_2:
0x8a: {  	(tag) =	ssettag $0x2  }
0x8b: {  	s0 =	rddreg [dreg:$0x0];
	s2 =	stileid.u32  }
0x8c: {  	s1 =	rddreg [dreg:$0x1];
	p0 =	sne.s32 s2, $0x0  }
0x8d: {  	s3 =	rddreg [dreg:$0x2];
	[bflag:$0x3] =	sbarrier.arrive $0xFFFF;
	s2 =	simm.s32 @!p0 $0x1C04  }
0x8e: {  	[timem:s3], [sflag:s2] =	dma.local @!p0 [hbm:s0], s1  }
0x8f: {  	s0 =	simm.s32 @!p0 $0x4  }
0x90: {  	_ =	swait.ge @!p0 [sflag:s0], s1  }
0x91: {  	s1 =	ssub.s32 @!p0 $0x0, s1;
	[sflag:s0] =	ssyncset.done @!p0 $0x0  }
0x92: {  	[sflag:s0] =	ssyncadd.s32 @!p0 s1  }
0x93: {  	[bflag:$0x3] =	sbarrier.arrive $0xFFFF  }
0x94: {  	_ =	shalt  }

// kernel: kernel.15.cloned.1.call-start
scs
__scs_entry_jumppad:
0x0: {  	(pc) =	sbr.rel $0x88, $3  }
0x1: {  	(tag) =	ssettag $0x0;
	lr =	simm.s32 $0x1  }
0x2: {  	[smem:$0x3F9B] =	sst lr;
	_ =	strace $0xD0000000  }
0x3: {  	_ = 	snop  }
0x4: {  	_ = 	snop  }
0x5: {  	_ = 	snop  }
0x6: {  	_ = 	snop  }
0x7: {  	_ = 	snop  }
__scs_overlays_trampoline_lowered:
0x8: {  	[smem:$0x3FAA] =	sst s0  }
0x9: {  	[smem:$0x3FAB] =	sst s1  }
0xa: {  	[smem:$0x3FAC] =	sst s2  }
0xb: {  	[smem:$0x3FAD] =	sst s3  }
0xc: {  	[smem:$0x3FAE] =	sst s4  }
0xd: {  	[smem:$0x3FAF] =	sst s5  }
0xe: {  	[smem:$0x3FB0] =	sst s6  }
0xf: {  	[smem:$0x3FB1] =	sst s7  }
0x10: {  	[smem:$0x3FB2] =	sst s8  }
0x11: {  	[smem:$0x3FB3] =	sst s9;
	s0 =	simm.s32 @!p0 $0x0  }
0x12: {  	s1 =	sld [smem:$0x3F99];
	s0 =	simm.s32 @p0 $0x1  }
0x13: {  	[smem:$0x3FB4] =	sst s0;
	s0 =	simm.s32 @!p1 $0x0  }
0x14: {  	s2 =	sld [smem:$0x3F98];
	s0 =	simm.s32 @p1 $0x1  }
0x15: {  	[smem:$0x3FB5] =	sst s0;
	s0 =	simm.s32 @!p2 $0x0  }
0x16: {  	s3 =	sld [smem:$0x3FDB];
	s0 =	simm.s32 @p2 $0x1  }
0x17: {  	s4 =	simm.s32 $0x1BF5;
	[smem:$0x3FB7] =	sst s0  }
0x18: {  	s0 =	sld [smem:$0x3F9A];
	_ =	swait.ge [sflag:s4], $0x0  }
0x19: {  	s7 =	sld [smem:$0x3F9B]  }
0x1a: {  	s8 =	sadd.s32 $0xFFFFE003, lr  }
0x1b: {  	s9 =	sadd.s32 $0xFFFFFEF7, lr;
	s5 =	simm.s32 $0xFFFFFFFF;
	p2 =	slt.u32 s8, $0xFFFFF086  }
0x1c: {  	p1 =	slt.u32 s9, $0xF7A;
	s5 =	simm.s32 @!p2 $0x0  }
0x1d: {  	s5 =	simm.s32 @p1 $0x1;
	p0 =	seq.s32 s7, s2  }
0x1e: {  	s7 =	smul.u32 @!p0 $0xF7A, s2;
	p2 =	seq.s32 @!p0 s5, $0x0  }
0x1f: {  	s9 =	smul.u32 $0xF7A, s1;
	s8 =	simm.s32 @!p0 $0x1BF5;
	p2 =	por !p2, p0  }
0x20: {  	[sflag:s8] =	ssyncset.s32 @!p0 $0xFFFFF086;
	s6 =	sadd.s32 @!p0 s3, s7;
	s7 =	simm.s32 @!p0 $0x108  }
0x21: {  	s3 =	sadd.s32 s3, s9;
	s6 =	sadd.s32 @!p0 $0x88, s6;
	s7 =	simm.s32 @p2 $0x1082  }
0x22: {  	[simem:s7], [sflag:s8] =	dma.local @!p0 [hbm:s6], $0xF7A  }
0x23: {  	s9 =	sor.u32 $0xD0000000, s2;
	s6 =	simm.s32 $0x108;
	_ =	swait.ge @!p0 [sflag:s8], $0x0  }
0x24: {  	s3 =	sadd.s32 $0x88, s3;
	s6 =	simm.s32 @!p1 $0x1082;
	[sflag:s4] =	ssyncset.s32 $0xFFFFF086  }
0x25: {  	[simem:s6], [sflag:s4] =	dma.local [hbm:s3], $0xF7A  }
0x26: {  	[smem:$0x3F9B] =	sst s1;
	(tag) =	ssettag s2;
	_ =	strace s9  }
0x27: {  	s1 =	sld [smem:$0x3FAB]  }
0x28: {  	s2 =	sld [smem:$0x3FAC]  }
0x29: {  	s4 =	sld [smem:$0x3FAE]  }
0x2a: {  	p0 =	seq.s32 s5, $0x0;
	s5 =	sld [smem:$0x3FAF]  }
0x2b: {  	s6 =	sld [smem:$0x3FB0]  }
0x2c: {  	s7 =	sld [smem:$0x3FB1]  }
0x2d: {  	s3 =	simm.s32 $0x108;
	s8 =	sld [smem:$0x3FB2]  }
0x2e: {  	s3 =	simm.s32 @!p0 $0x1082;
	s9 =	sld [smem:$0x3FB3]  }
0x2f: {  	lr =	sadd.s32 s0, s3;
	s0 =	sld [smem:$0x3FAA]  }
0x30: {  	s3 =	sld [smem:$0x3FAD]  }
0x31: {  	[smem:$0x3FB6] =	sst s10  }
0x32: {  	s10 =	sld [smem:$0x3FB4];
	_ =	sdelay $0x3  }
0x33: {  	p0 =	seq.s32 s10, $0x1;
	s10 =	sld [smem:$0x3FB6];
	_ =	sdelay $0x3  }
0x34: {  	[smem:$0x3FB6] =	sst s10  }
0x35: {  	s10 =	sld [smem:$0x3FB5];
	_ =	sdelay $0x3  }
0x36: {  	p1 =	seq.s32 s10, $0x1;
	s10 =	sld [smem:$0x3FB6];
	_ =	sdelay $0x3  }
0x37: {  	[smem:$0x3FB6] =	sst s10  }
0x38: {  	s10 =	sld [smem:$0x3FB7]  }
0x39: {  	_ = 	snop;
	(pc) =	sbr.ind lr, $3  }
0x3a: {  	_ = 	snop  }
0x3b: {  	_ = 	snop  }
0x3c: {  	p2 =	seq.s32 s10, $0x1;
	s10 =	sld [smem:$0x3FB6]  }
0x3d: {  	_ =	shalt  }
0x3e: {  	_ =	shalt  }
0x3f: {  	_ =	shalt  }
0x40: {  	_ =	shalt  }
0x41: {  	_ =	shalt  }
0x42: {  	_ =	shalt  }
0x43: {  	_ =	shalt  }
0x44: {  	_ =	shalt  }
0x45: {  	_ =	shalt  }
0x46: {  	_ =	shalt  }
0x47: {  	_ =	shalt  }
0x48: {  	_ =	shalt  }
0x49: {  	_ =	shalt  }
0x4a: {  	_ =	shalt  }
0x4b: {  	_ =	shalt  }
0x4c: {  	_ =	shalt  }
0x4d: {  	_ =	shalt  }
0x4e: {  	_ =	shalt  }
0x4f: {  	_ =	shalt  }
0x50: {  	_ =	shalt  }
0x51: {  	_ =	shalt  }
0x52: {  	_ =	shalt  }
0x53: {  	_ =	shalt  }
0x54: {  	_ =	shalt  }
0x55: {  	_ =	shalt  }
0x56: {  	_ =	shalt  }
0x57: {  	_ =	shalt  }
0x58: {  	_ =	shalt  }
0x59: {  	_ =	shalt  }
0x5a: {  	_ =	shalt  }
0x5b: {  	_ =	shalt  }
0x5c: {  	_ =	shalt  }
0x5d: {  	_ =	shalt  }
0x5e: {  	_ =	shalt  }
0x5f: {  	_ =	shalt  }
0x60: {  	_ =	shalt  }
0x61: {  	_ =	shalt  }
0x62: {  	_ =	shalt  }
0x63: {  	_ =	shalt  }
0x64: {  	_ =	shalt  }
0x65: {  	_ =	shalt  }
0x66: {  	_ =	shalt  }
0x67: {  	_ =	shalt  }
0x68: {  	_ =	shalt  }
0x69: {  	_ =	shalt  }
0x6a: {  	_ =	shalt  }
0x6b: {  	_ =	shalt  }
0x6c: {  	_ =	shalt  }
0x6d: {  	_ =	shalt  }
0x6e: {  	_ =	shalt  }
0x6f: {  	_ =	shalt  }
0x70: {  	_ =	shalt  }
0x71: {  	_ =	shalt  }
0x72: {  	_ =	shalt  }
0x73: {  	_ =	shalt  }
0x74: {  	_ =	shalt  }
0x75: {  	_ =	shalt  }
0x76: {  	_ =	shalt  }
0x77: {  	_ =	shalt  }
0x78: {  	_ =	shalt  }
0x79: {  	_ =	shalt  }
0x7a: {  	_ =	shalt  }
0x7b: {  	_ =	shalt  }
0x7c: {  	_ =	shalt  }
0x7d: {  	_ =	shalt  }
0x7e: {  	_ =	shalt  }
0x7f: {  	_ =	shalt  }
0x80: {  	_ =	shalt  }
0x81: {  	_ =	shalt  }
0x82: {  	_ =	shalt  }
0x83: {  	_ =	shalt  }
0x84: {  	_ =	shalt  }
0x85: {  	_ =	shalt  }
0x86: {  	_ =	shalt  }
0x87: {  	_ =	shalt  }
.Lfunc_end0:
.L_simem_size_0:
called_computation.2_lowered:
.L_overlay_start_0:
0x88: {  	s2 =	sld [smem:$0x3FD9]  }
0x89: {  	s3 =	sld [smem:$0x3FFE];
	_ =	sdelay $0x1  }
0x8a: {  	s1 =	srdreg.scid  }
0x8b: {  	s0 =	sand.u32 $0x1, s1  }
0x8c: {  	s17 =	sshll.u32 s0, $0xA;
	s2 =	sadd.s32 s3, s2  }
0x8d: {  	s2 =	sadd.s32 s2, s17  }
0x8e: {  	[smem:$0x3FC2] =	sst s2  }
0x8f: {  	_ = 	snop  }
0x90: {  	s2 =	sld [smem:$0x3FD0];
	(tm) =	ssettm $0x1  }
0x91: {  	s18 =	sld [smem:$0x3FFB];
	_ =	sdelay $0x3  }
0x92: {  	_ =	strace s18  }
0x93: {  	s3 =	sld [smem:$0x3FFC];
	_ =	sdelay $0x3  }
0x94: {  	_ =	strace s3  }
0x95: {  	s3 =	sld [smem:$0x3FFD];
	_ =	sdelay $0x3  }
0x96: {  	_ =	strace s3  }
0x97: {  	_ =	strace $0x8FFFFFFF  }
0x98: {  	s19 =	sld [smem:$0x3FDB];
	_ =	sdelay $0x1  }
0x99: {  	s4 =	simm.s32 $_scs_section_size  }
0x9a: {  	s5 =	simm.s32 $_size__tile_overlayer_lowered;
	s6 =	simm.s32 $_tile_overlayer_lowered  }
0x9b: {  	s22 =	simm.s32 $0x1BFF;
	s21 =	sshll.u32 s6, $0x1;
	s3 =	sadd.s32 s4, s19  }
0x9c: {  	s7 =	simm.s32 $0x0;
	s20 =	sshll.u32 s5, $0x1;
	s5 =	sadd.s32 s21, s3  }
0x9d: {  	[timem:s7], [sflag:s22] =	dma.local [hbm:s5], s20  }
0x9e: {  	_ =	swait.ge [sflag:s22], s20  }
0x9f: {  	s4 =	ssub.s32 $0x0, s20;
	[sflag:s22] =	ssyncset.done $0x0  }
0xa0: {  	[sflag:s22] =	ssyncadd.s32 s4;
	_ =	sdelay $0x1  }
0xa1: {  	s23 =	simm.s32 $0x1B8B  }
0xa2: {  	_ =	swait.ge [sflag:s23], $0x1  }
0xa3: {  	[sflag:s23] =	ssyncset.done $0x0  }
0xa4: {  	s25 =	simm.s32 $0x1B8E;
	s24 =	sld [smem:$0x3FFE];
	[sflag:s23] =	ssyncadd.s32 $0xFFFFFFFF  }
0xa5: {  	s26 =	simm.s32 $execute0_lowered;
	[smem:$0x3FD2] =	sst s25  }
0xa6: {  	s5 =	sshll.u32 s26, $0x1;
	_ =	strace $0x8000004C;
	[dreg:$0x1] =	wrdreg $0xFFFFFFFF  }
0xa7: {  	s28 =	simm.s32 $_size_execute0_lowered;
	s3 =	sadd.s32 s3, s5;
	[dreg:$0x0] =	wrdreg $0x0  }
0xa8: {  	s5 =	sshll.u32 s28, $0x1;
	[dreg:$0x2] =	wrdreg s3  }
0xa9: {  	[dreg:$0x3] =	wrdreg s5  }
0xaa: {  	[dreg:$0x4] =	wrdreg $0xC0  }
0xab: {  	_ =	task [dreg:s7], $0x5FFFF  }
0xac: {  	[dreg:$0x1] =	wrdreg $0xFFFFFFFF  }
0xad: {  	[dreg:$0x0] =	wrdreg $0x60  }
0xae: {  	[dreg:$0x2] =	wrdreg s24  }
0xaf: {  	[dreg:$0x3] =	wrdreg s2  }
0xb0: {  	[dreg:$0x4] =	wrdreg $0x49800  }
0xb1: {  	[dreg:$0x5] =	wrdreg $0x9  }
0xb2: {  	_ =	task.clear_ibuf [dreg:s7], $0x6FFFF;
	_ =	strace $0x9000004C  }
0xb3: {  	s29 =	simm.s32 $0x9;
	_ =	strace $0x8000004E  }
0xb4: {  	_ =	swait.ge [sflag:s29], $0x1  }
0xb5: {  	[sflag:s29] =	ssyncadd.s32 $0xFFFFFFFF  }
0xb6: {  	_ =	strace $0x9000004E  }
0xb7: {  	_ =	sfence  }
0xb8: {  	s30 =	sld [smem:$0x0];
	_ =	sdelay $0x2  }
0xb9: {  	s31 =	sshll.u32 s1, $0xD;
	s1 =	sshrl.u32 s1, $0x2  }
0xba: {  	s3 =	sand.u32 $0x4000, s31;
	s1 =	sadd.s32 s1, s30  }
0xbb: {  	s0 =	sor.u32 s3, s0;
	s1 =	sshll.u32 s1, $0x11  }
0xbc: {  	s0 =	sor.u32 s1, s0  }
0xbd: {  	s0 =	sadd.s32 $0x8F2B, s0  }
0xbe: {  	[sflag:s0] =	ssyncadd.remote.s32 $0x1  }
0xbf: {  	_ =	sfence.sel $0xFFFF  }
0xc0: {  	[dreg:$0x0] =	wrdreg $0xFFFFFFFF;
	(pc) =	sbr.abs _section_cstart, $3  }
0xc1: {  	[dreg:$0x1] =	wrdreg $0xFFFFFFFF  }
0xc2: {  	_ =	task.clear_ibuf [dreg:s7], $0x2FFFF;
	_ =	strace $0x9FFFFFFF  }
0xc3: {  	(tm) =	ssettm $0x7FFFFFFF  }
tec
execute0_lowered:
.L_overlay_start_1:
0x0: {  	(tag) =	ssettag $0x1  }
0x1: {  	s5 =	rddreg [dreg:$0x0]  }
0x2: {  	s10 =	rddreg [dreg:$0x1]  }
0x3: {  	s0 =	stileid.u32;
	s2 =	rddreg [dreg:$0x2]  }
0x4: {  	s3 =	simm.s32 $0x0;
	s6 =	srdreg.scid;
	s18 =	simm.s32 $0x80  }
0x5: {  	s19 =	simm.s32 $0x200;
	s20 =	simm.s32 $0x100;
	s4 =	smul.u32 $0x4F, s0  }
0x6: {  	s23 =	simm.s32 $0x1;
	s17 =	sand.u32 $0x1, s6;
	s6 =	smul.u32 $0x4E, s0  }
0x7: {  	s24 =	simm.s32 $0x2;
	s25 =	simm.s32 $0x0;
	s11 =	smul.u32 $0x2780, s0  }
0x8: {  	[smem:$0x7FF] =	sst s3;
	s31 =	sadd.s32 $0xE00, s5;
	s13 =	smul.u32 $0x4E0, s0  }
0x9: {  	s21 =	sshll.u32 s0, $0x6;
	p0 =	seq.s32 s17, $0x0;
	s30 =	smul.u32 $0x27800, s17  }
0xa: {  	_ =	strace $0x8000004D;
	s9 =	ssub.s32 $0x2, s17;
	s21 =	sor.u32 $0x1C04, s21  }
0xb: {  	s7 =	sadd.s32 $0x4E0, s4;
	s12 =	sshrl.u32 s9, $0x1;
	s22 =	sadd.s32 s11, s2  }
0xc: {  	s4 =	smov.u32 s7;
	s7 =	sshll.u32 s7, $0x4;
	s16 =	ssub.s32 s9, s12  }
0xd: {  	s12 =	sadd.s32 $0x4B, s17;
	s22 =	sshrl.u32 s22, $0x3;
	s4 =	smov.u32 @p0 s6  }
0xe: {  	s6 =	sadd.s32 s11, s30;
	s11 =	sshrl.u32 s11, $0x3;
	p0 =	sne.s32 s17, $0x0  }
0xf: {  	s8 =	sshll.u32 s4, $0x4;
	s4 =	sadd.s32 $0x15200, s5;
	s6 =	sshrl.u32 s6, $0x3  }
.Ltmp0:
0x10: {  	s10 =	sadd.s32 s10, s11;
	s11 =	sadd.s32 $0x4D, s17;
	(pc) =	sbr.rel .LBB2_1-.Ltmp0, $4  }
0x11: {  	s15 =	sadd.s32 s8, s5;
	s14 =	sadd.s32 s6, s5;
	s5 =	sadd.s32 s31, s7  }
0x12: {  	s6 =	sadd.s32 s31, s13;
	s7 =	sadd.s32 $0xB400, s15;
	s8 =	sadd.s32 $0xB410, s15  }
0x13: {  	s9 =	sadd.s32 $0xB420, s15;
	s13 =	sadd.s32 $0x1A200, s14;
	s14 =	smax.u32 s16, $0x1  }
0x14: {  	s15 =	sadd.s32 $0xB430, s15;
	s16 =	sor.u32 $0x4E, s17;
	s17 =	simm.s32 $0x4  }
.LBB2_11:
0x15: {  	_ =	swait.ge [sflag:s24], $0x800  }
0x16: {  	[sflag:s24] =	ssyncset.done $0x0  }
0x17: {  	[sflag:s24] =	ssyncadd.s32 $0xFFFFF800  }
0x18: {  	_ =	swait.ge [sflag:s24], $0x800  }
0x19: {  	[sflag:s24] =	ssyncset.done $0x0  }
0x1a: {  	[sflag:s24] =	ssyncadd.s32 $0xFFFFF800  }
0x1b: {  	_ =	swait.ge [sflag:s24], $0x800  }
0x1c: {  	s25 =	sadd.s32 $0x1, s25;
	[sflag:s24] =	ssyncset.done $0x0  }
0x1d: {  	p1 =	sne.s32 s25, s14;
	[sflag:s24] =	ssyncadd.s32 $0xFFFFF800  }
.Ltmp1:
0x1e: {  	[bflag:$0x0] =	sbarrier.arrive $0xFFFF;
	(pc) =	sbr.rel @!p1 .LBB2_12-.Ltmp1, $4  }
0x1f: {  	[hbm:s13], [sflag:s21] =	dma.local [spmem:s22], $0x4F0  }
0x20: {  	_ =	swait.ge [sflag:s17], $0x4F0  }
0x21: {  	[sflag:s17] =	ssyncset.done $0x0  }
0x22: {  	[sflag:s17] =	ssyncadd.s32 $0xFFFFFB10  }
.LBB2_1:
0x23: {  	s26 =	simm.s32 @p0 $0x0;
	s28 =	simm.s32 @p0 $0x2200  }
0x24: {  	[tilespmem:s28], [sflag:$0x4] =	stream.linear.gather @p0 [hbm4b:s5+s26], $0x2780, $0x38;
	[tilespmem:$0x7100] =	vst v63  }
0x25: {  	s26 =	simm.s32 @p0 $0x4  }
0x26: {  	_ =	swait.ge @p0 [sflag:s26], $0x2780  }
0x27: {  	[sflag:s26] =	ssyncset.done @p0 $0x0  }
0x28: {  	s28 =	simm.s32 @!p0 $0x2200;
	[sflag:s26] =	ssyncadd.s32 @p0 $0xFFFFD880;
	s26 =	simm.s32 @!p0 $0x0  }
0x29: {  	[tilespmem:s28], [sflag:$0x4] =	stream.linear.gather @!p0 [hbm4b:s6+s26], $0x2700, $0x38;
	[tilespmem:$0x7100] =	vst v63  }
0x2a: {  	s26 =	simm.s32 @!p0 $0x4  }
0x2b: {  	_ =	swait.ge @!p0 [sflag:s26], $0x2700  }
0x2c: {  	[sflag:s26] =	ssyncset.done @!p0 $0x0  }
0x2d: {  	[sflag:s26] =	ssyncadd.s32 @!p0 $0xFFFFD900  }
0x2e: {  	[tilespmem:s3], [sflag:$0x4] =	stream.linear.gather [hbm4b:s7+s3], $0x80, $0x38;
	[tilespmem:$0x7100] =	vst v63  }
0x2f: {  	_ =	swait.ge [sflag:s17], $0x80  }
0x30: {  	[sflag:s17] =	ssyncset.done $0x0  }
0x31: {  	[sflag:s17] =	ssyncadd.s32 $0xFFFFFF80  }
0x32: {  	[tilespmem:s19], [sflag:$0x1] =	stream.indirect.gather [hbm4b:s4+s18], $0x10, s3, s18, $0xb8;
	[tilespmem:$0x7100] =	vst v63  }
0x33: {  	_ = 	snop  }
0x34: {  	[tilespmem:s18], [sflag:$0x3] =	stream.linear.gather [hbm4b:s8+s3], $0x80, $0x38;
	[tilespmem:$0x7100] =	vst v63  }
0x35: {  	_ = 	snop  }
0x36: {  	[tilespmem:s20], [sflag:$0x3] =	stream.linear.gather [hbm4b:s9+s3], $0x80, $0x38;
	[tilespmem:$0x7100] =	vst v63  }
0x37: {  	[spmem:s22], [sflag:s21] =	dma.local [hbm:s10], $0x4F0  }
.Ltmp2:
0x38: {  	_ =	swait.ge [sflag:s17], $0x4F0;
	(pc) =	sbr.rel .LBB2_2-.Ltmp2, $4  }
0x39: {  	[sflag:s17] =	ssyncset.done $0x0  }
0x3a: {  	[sflag:s17] =	ssyncadd.s32 $0xFFFFFB10  }
0x3b: {  	[bflag:$0x0] =	sbarrier.arrive $0xFFFF  }
0x3c: {  	s29 =	simm.s32 $0x0;
	s28 =	smov.u32 s15;
	s26 =	simm.s32 $0x2200  }
.LBB2_9:
0x3d: {  	[tilespmem:s31], [sflag:$0x3] =	stream.linear.gather [hbm4b:s28+s3], $0x80, $0x38;
	[tilespmem:$0x7100] =	vst v63  }
.LBB2_10:
0x3e: {  	s29 =	sadd.s32 $0x1, s29  }
0x3f: {  	p1 =	sne.s32 s16, s29  }
.Ltmp3:
0x40: {  	_ =	swait.ge [sflag:s23], $0x800;
	(pc) =	sbr.rel @!p1 .LBB2_11-.Ltmp3, $4  }
0x41: {  	[sflag:s23] =	ssyncset.done $0x0  }
0x42: {  	[sflag:s23] =	ssyncadd.s32 $0xFFFFF800  }
0x43: {  	[spmem:s2] =	stream.indirect.scatter.add.f32 [tilespmem:s30], [sflag:$0x2], $0x10, s26, s18, $0xb8;
	[tilespmem:$0x7100] =	vst v63  }
0x44: {  	s28 =	sadd.s32 $0x10, s28;
	s26 =	sadd.s32 $0x80, s26  }
.LBB2_2:
0x45: {  	s30 =	sand.u32 $0x3, s29  }
0x46: {  	p1 =	sgt.s32 s30, $0x1  }
.Ltmp4:
0x47: {  	_ = 	snop;
	(pc) =	sbr.rel @p1 .LBB2_7-.Ltmp4, $1  }
0x48: {  	_ =	sdelay $0x3  }
0x49: {  	p1 =	seq.s32 s30, $0x0  }
.Ltmp5:
0x4a: {  	_ = 	snop;
	(pc) =	sbr.rel @!p1 .LBB2_5-.Ltmp5, $1  }
0x4b: {  	_ =	sdelay $0x3  }
0x4c: {  	p1 =	slt.u32 s29, $0x3  }
0x4d: {  	s30 =	simm.s32 @!p1 $0x2  }
0x4e: {  	_ =	swait.ge @!p1 [sflag:s30], $0x800  }
0x4f: {  	p2 =	sge.u32 s29, s11;
	[sflag:s30] =	ssyncset.done @!p1 $0x0  }
0x50: {  	[sflag:s30] =	ssyncadd.s32 @!p1 $0xFFFFF800;
	s30 =	simm.s32 @!p2 $0x3;
	p1 =	slt.u32 s29, s12  }
.Ltmp6:
0x51: {  	_ =	swait.ge @!p2 [sflag:s30], $0x80;
	(pc) =	sbr.rel @p1 .LBB2_9-.Ltmp6, $4  }
.Ltmp7:
0x52: {  	[sflag:s30] =	ssyncset.done @!p2 $0x0;
	(pc) =	sbr.rel @!p1 .LBB2_10-.Ltmp7, $4  }
0x53: {  	s31 =	simm.s32 @!p2 $0xA00;
	[sflag:s30] =	ssyncadd.s32 @!p2 $0xFFFFFF80;
	s30 =	simm.s32 @!p2 $0x80  }
0x54: {  	[tilespmem:s31], [sflag:$0x1] =	stream.indirect.gather @!p2 [hbm4b:s4+s30], $0x10, s30, s30, $0xb8;
	[tilespmem:$0x7100] =	vst v63  }
0x55: {  	s30 =	simm.s32 $0x200;
	s31 =	simm.s32 $0x180  }
0x56: {  	_ = 	snop  }
.LBB2_7:
0x57: {  	p2 =	seq.s32 s30, $0x2  }
.Ltmp8:
0x58: {  	_ = 	snop;
	(pc) =	sbr.rel @!p2 .LBB2_8-.Ltmp8, $2  }
0x59: {  	_ =	sdelay $0x2  }
0x5a: {  	p1 =	slt.u32 s29, $0x3  }
0x5b: {  	s1 =	simm.s32 @!p1 $0x2  }
0x5c: {  	_ =	swait.ge @!p1 [sflag:s1], $0x800  }
0x5d: {  	p2 =	sge.u32 s29, s11;
	[sflag:s1] =	ssyncset.done @!p1 $0x0  }
0x5e: {  	[sflag:s1] =	ssyncadd.s32 @!p1 $0xFFFFF800;
	s1 =	simm.s32 @!p2 $0x3;
	p1 =	slt.u32 s29, s12  }
.Ltmp9:
0x5f: {  	_ =	swait.ge @!p2 [sflag:s1], $0x80;
	(pc) =	sbr.rel @p1 .LBB2_9-.Ltmp9, $4  }
.Ltmp10:
0x60: {  	s30 =	simm.s32 @!p2 $0x180;
	[sflag:s1] =	ssyncset.done @!p2 $0x0;
	(pc) =	sbr.rel @!p1 .LBB2_10-.Ltmp10, $4  }
0x61: {  	s31 =	simm.s32 @!p2 $0x1A00;
	[sflag:s1] =	ssyncadd.s32 @!p2 $0xFFFFFF80;
	s1 =	simm.s32 @!p2 $0x80  }
0x62: {  	[tilespmem:s31], [sflag:$0x1] =	stream.indirect.gather @!p2 [hbm4b:s4+s1], $0x10, s30, s1, $0xb8;
	[tilespmem:$0x7100] =	vst v63  }
0x63: {  	s30 =	simm.s32 $0x1200;
	s31 =	simm.s32 $0x80  }
0x64: {  	_ = 	snop  }
.LBB2_5:
0x65: {  	p1 =	slt.u32 s29, $0x3  }
0x66: {  	s30 =	simm.s32 @!p1 $0x2  }
0x67: {  	_ =	swait.ge @!p1 [sflag:s30], $0x800  }
0x68: {  	p2 =	sge.u32 s29, s11;
	[sflag:s30] =	ssyncset.done @!p1 $0x0  }
0x69: {  	[sflag:s30] =	ssyncadd.s32 @!p1 $0xFFFFF800;
	s30 =	simm.s32 @!p2 $0x3;
	p1 =	slt.u32 s29, s12  }
.Ltmp11:
0x6a: {  	_ =	swait.ge @!p2 [sflag:s30], $0x80;
	(pc) =	sbr.rel @p1 .LBB2_9-.Ltmp11, $4  }
.Ltmp12:
0x6b: {  	s31 =	simm.s32 @!p2 $0x100;
	[sflag:s30] =	ssyncset.done @!p2 $0x0;
	(pc) =	sbr.rel @!p1 .LBB2_10-.Ltmp12, $4  }
0x6c: {  	s1 =	simm.s32 @!p2 $0x1200;
	[sflag:s30] =	ssyncadd.s32 @!p2 $0xFFFFFF80;
	s30 =	simm.s32 @!p2 $0x80  }
0x6d: {  	[tilespmem:s1], [sflag:$0x1] =	stream.indirect.gather @!p2 [hbm4b:s4+s30], $0x10, s31, s30, $0xb8;
	[tilespmem:$0x7100] =	vst v63  }
0x6e: {  	s30 =	simm.s32 $0xA00;
	s31 =	simm.s32 $0x0  }
0x6f: {  	_ = 	snop  }
.LBB2_8:
0x70: {  	s1 =	simm.s32 @!p1 $0x2  }
0x71: {  	_ =	swait.ge @!p1 [sflag:s1], $0x800  }
0x72: {  	p2 =	sge.u32 s29, s11;
	[sflag:s1] =	ssyncset.done @!p1 $0x0  }
0x73: {  	[sflag:s1] =	ssyncadd.s32 @!p1 $0xFFFFF800;
	s1 =	simm.s32 @!p2 $0x3;
	p1 =	slt.u32 s29, s12  }
.Ltmp13:
0x74: {  	_ =	swait.ge @!p2 [sflag:s1], $0x80;
	(pc) =	sbr.rel @!p1 .LBB2_10-.Ltmp13, $4  }
.Ltmp14:
0x75: {  	s30 =	simm.s32 @!p2 $0x0;
	[sflag:s1] =	ssyncset.done @!p2 $0x0;
	(pc) =	sbr.rel @p1 .LBB2_9-.Ltmp14, $4  }
0x76: {  	s31 =	simm.s32 @!p2 $0x200;
	[sflag:s1] =	ssyncadd.s32 @!p2 $0xFFFFFF80;
	s1 =	simm.s32 @!p2 $0x80  }
0x77: {  	[tilespmem:s31], [sflag:$0x1] =	stream.indirect.gather @!p2 [hbm4b:s4+s1], $0x10, s30, s1, $0xb8;
	[tilespmem:$0x7100] =	vst v63  }
0x78: {  	s30 =	simm.s32 $0x1A00;
	s31 =	simm.s32 $0x100  }
0x79: {  	_ = 	snop  }
.LBB2_12:
0x7a: {  	_ =	sfence.sel $0x180000  }
0x7b: {  	[bflag:$0x0] =	sbarrier.arrive $0xFFFF  }
0x7c: {  	_ =	strace $0x9000004D  }
0x7d: {  	[bflag:$0x2] =	sbarrier.arrive $0xFFFF  }
0x7e: {  	p0 =	sne.s32 s0, $0x0;
	s0 =	rddreg [dreg:$0x3]  }
0x7f: {  	s0 =	sadd.s32 @!p0 $0x100000, s0  }
0x80: {  	[sflag:s0] =	ssyncadd.tile.s32 @!p0 $0x1;
	_ =	shalt  }
.Lfunc_end2:
_tile_overlayer_lowered:
.L_overlay_start_2:
0x81: {  	(tag) =	ssettag $0x2  }
0x82: {  	s0 =	rddreg [dreg:$0x0];
	s2 =	stileid.u32  }
0x83: {  	s1 =	rddreg [dreg:$0x1];
	p0 =	sne.s32 s2, $0x0  }
0x84: {  	s3 =	rddreg [dreg:$0x2];
	[bflag:$0x3] =	sbarrier.arrive $0xFFFF;
	s2 =	simm.s32 @!p0 $0x1C04  }
0x85: {  	[timem:s3], [sflag:s2] =	dma.local @!p0 [hbm:s0], s1  }
0x86: {  	s0 =	simm.s32 @!p0 $0x4  }
0x87: {  	_ =	swait.ge @!p0 [sflag:s0], s1  }
0x88: {  	s1 =	ssub.s32 @!p0 $0x0, s1;
	[sflag:s0] =	ssyncset.done @!p0 $0x0  }
0x89: {  	[sflag:s0] =	ssyncadd.s32 @!p0 s1  }
0x8a: {  	[bflag:$0x3] =	sbarrier.arrive $0xFFFF  }
0x8b: {  	_ =	shalt  }

// kernel: kernel.9.cloned.1.call-start
scs
__scs_entry_jumppad:
0x0: {  	(pc) =	sbr.rel $0x88, $3  }
0x1: {  	(tag) =	ssettag $0x0;
	lr =	simm.s32 $0x1  }
0x2: {  	[smem:$0x3F9B] =	sst lr;
	_ =	strace $0xD0000000  }
0x3: {  	_ = 	snop  }
0x4: {  	_ = 	snop  }
0x5: {  	_ = 	snop  }
0x6: {  	_ = 	snop  }
0x7: {  	_ = 	snop  }
__scs_overlays_trampoline_lowered:
0x8: {  	[smem:$0x3FAA] =	sst s0  }
0x9: {  	[smem:$0x3FAB] =	sst s1  }
0xa: {  	[smem:$0x3FAC] =	sst s2  }
0xb: {  	[smem:$0x3FAD] =	sst s3  }
0xc: {  	[smem:$0x3FAE] =	sst s4  }
0xd: {  	[smem:$0x3FAF] =	sst s5  }
0xe: {  	[smem:$0x3FB0] =	sst s6  }
0xf: {  	[smem:$0x3FB1] =	sst s7  }
0x10: {  	[smem:$0x3FB2] =	sst s8  }
0x11: {  	[smem:$0x3FB3] =	sst s9;
	s0 =	simm.s32 @!p0 $0x0  }
0x12: {  	s1 =	sld [smem:$0x3F99];
	s0 =	simm.s32 @p0 $0x1  }
0x13: {  	[smem:$0x3FB4] =	sst s0;
	s0 =	simm.s32 @!p1 $0x0  }
0x14: {  	s2 =	sld [smem:$0x3F98];
	s0 =	simm.s32 @p1 $0x1  }
0x15: {  	[smem:$0x3FB5] =	sst s0;
	s0 =	simm.s32 @!p2 $0x0  }
0x16: {  	s3 =	sld [smem:$0x3FDB];
	s0 =	simm.s32 @p2 $0x1  }
0x17: {  	s4 =	simm.s32 $0x1BF5;
	[smem:$0x3FB7] =	sst s0  }
0x18: {  	s0 =	sld [smem:$0x3F9A];
	_ =	swait.ge [sflag:s4], $0x0  }
0x19: {  	s7 =	sld [smem:$0x3F9B]  }
0x1a: {  	s8 =	sadd.s32 $0xFFFFE003, lr  }
0x1b: {  	s9 =	sadd.s32 $0xFFFFFEF7, lr;
	s5 =	simm.s32 $0xFFFFFFFF;
	p2 =	slt.u32 s8, $0xFFFFF086  }
0x1c: {  	p1 =	slt.u32 s9, $0xF7A;
	s5 =	simm.s32 @!p2 $0x0  }
0x1d: {  	s5 =	simm.s32 @p1 $0x1;
	p0 =	seq.s32 s7, s2  }
0x1e: {  	s7 =	smul.u32 @!p0 $0xF7A, s2;
	p2 =	seq.s32 @!p0 s5, $0x0  }
0x1f: {  	s9 =	smul.u32 $0xF7A, s1;
	s8 =	simm.s32 @!p0 $0x1BF5;
	p2 =	por !p2, p0  }
0x20: {  	[sflag:s8] =	ssyncset.s32 @!p0 $0xFFFFF086;
	s6 =	sadd.s32 @!p0 s3, s7;
	s7 =	simm.s32 @!p0 $0x108  }
0x21: {  	s3 =	sadd.s32 s3, s9;
	s6 =	sadd.s32 @!p0 $0x88, s6;
	s7 =	simm.s32 @p2 $0x1082  }
0x22: {  	[simem:s7], [sflag:s8] =	dma.local @!p0 [hbm:s6], $0xF7A  }
0x23: {  	s9 =	sor.u32 $0xD0000000, s2;
	s6 =	simm.s32 $0x108;
	_ =	swait.ge @!p0 [sflag:s8], $0x0  }
0x24: {  	s3 =	sadd.s32 $0x88, s3;
	s6 =	simm.s32 @!p1 $0x1082;
	[sflag:s4] =	ssyncset.s32 $0xFFFFF086  }
0x25: {  	[simem:s6], [sflag:s4] =	dma.local [hbm:s3], $0xF7A  }
0x26: {  	[smem:$0x3F9B] =	sst s1;
	(tag) =	ssettag s2;
	_ =	strace s9  }
0x27: {  	s1 =	sld [smem:$0x3FAB]  }
0x28: {  	s2 =	sld [smem:$0x3FAC]  }
0x29: {  	s4 =	sld [smem:$0x3FAE]  }
0x2a: {  	p0 =	seq.s32 s5, $0x0;
	s5 =	sld [smem:$0x3FAF]  }
0x2b: {  	s6 =	sld [smem:$0x3FB0]  }
0x2c: {  	s7 =	sld [smem:$0x3FB1]  }
0x2d: {  	s3 =	simm.s32 $0x108;
	s8 =	sld [smem:$0x3FB2]  }
0x2e: {  	s3 =	simm.s32 @!p0 $0x1082;
	s9 =	sld [smem:$0x3FB3]  }
0x2f: {  	lr =	sadd.s32 s0, s3;
	s0 =	sld [smem:$0x3FAA]  }
0x30: {  	s3 =	sld [smem:$0x3FAD]  }
0x31: {  	[smem:$0x3FB6] =	sst s10  }
0x32: {  	s10 =	sld [smem:$0x3FB4];
	_ =	sdelay $0x3  }
0x33: {  	p0 =	seq.s32 s10, $0x1;
	s10 =	sld [smem:$0x3FB6];
	_ =	sdelay $0x3  }
0x34: {  	[smem:$0x3FB6] =	sst s10  }
0x35: {  	s10 =	sld [smem:$0x3FB5];
	_ =	sdelay $0x3  }
0x36: {  	p1 =	seq.s32 s10, $0x1;
	s10 =	sld [smem:$0x3FB6];
	_ =	sdelay $0x3  }
0x37: {  	[smem:$0x3FB6] =	sst s10  }
0x38: {  	s10 =	sld [smem:$0x3FB7]  }
0x39: {  	_ = 	snop;
	(pc) =	sbr.ind lr, $3  }
0x3a: {  	_ = 	snop  }
0x3b: {  	_ = 	snop  }
0x3c: {  	p2 =	seq.s32 s10, $0x1;
	s10 =	sld [smem:$0x3FB6]  }
0x3d: {  	_ =	shalt  }
0x3e: {  	_ =	shalt  }
0x3f: {  	_ =	shalt  }
0x40: {  	_ =	shalt  }
0x41: {  	_ =	shalt  }
0x42: {  	_ =	shalt  }
0x43: {  	_ =	shalt  }
0x44: {  	_ =	shalt  }
0x45: {  	_ =	shalt  }
0x46: {  	_ =	shalt  }
0x47: {  	_ =	shalt  }
0x48: {  	_ =	shalt  }
0x49: {  	_ =	shalt  }
0x4a: {  	_ =	shalt  }
0x4b: {  	_ =	shalt  }
0x4c: {  	_ =	shalt  }
0x4d: {  	_ =	shalt  }
0x4e: {  	_ =	shalt  }
0x4f: {  	_ =	shalt  }
0x50: {  	_ =	shalt  }
0x51: {  	_ =	shalt  }
0x52: {  	_ =	shalt  }
0x53: {  	_ =	shalt  }
0x54: {  	_ =	shalt  }
0x55: {  	_ =	shalt  }
0x56: {  	_ =	shalt  }
0x57: {  	_ =	shalt  }
0x58: {  	_ =	shalt  }
0x59: {  	_ =	shalt  }
0x5a: {  	_ =	shalt  }
0x5b: {  	_ =	shalt  }
0x5c: {  	_ =	shalt  }
0x5d: {  	_ =	shalt  }
0x5e: {  	_ =	shalt  }
0x5f: {  	_ =	shalt  }
0x60: {  	_ =	shalt  }
0x61: {  	_ =	shalt  }
0x62: {  	_ =	shalt  }
0x63: {  	_ =	shalt  }
0x64: {  	_ =	shalt  }
0x65: {  	_ =	shalt  }
0x66: {  	_ =	shalt  }
0x67: {  	_ =	shalt  }
0x68: {  	_ =	shalt  }
0x69: {  	_ =	shalt  }
0x6a: {  	_ =	shalt  }
0x6b: {  	_ =	shalt  }
0x6c: {  	_ =	shalt  }
0x6d: {  	_ =	shalt  }
0x6e: {  	_ =	shalt  }
0x6f: {  	_ =	shalt  }
0x70: {  	_ =	shalt  }
0x71: {  	_ =	shalt  }
0x72: {  	_ =	shalt  }
0x73: {  	_ =	shalt  }
0x74: {  	_ =	shalt  }
0x75: {  	_ =	shalt  }
0x76: {  	_ =	shalt  }
0x77: {  	_ =	shalt  }
0x78: {  	_ =	shalt  }
0x79: {  	_ =	shalt  }
0x7a: {  	_ =	shalt  }
0x7b: {  	_ =	shalt  }
0x7c: {  	_ =	shalt  }
0x7d: {  	_ =	shalt  }
0x7e: {  	_ =	shalt  }
0x7f: {  	_ =	shalt  }
0x80: {  	_ =	shalt  }
0x81: {  	_ =	shalt  }
0x82: {  	_ =	shalt  }
0x83: {  	_ =	shalt  }
0x84: {  	_ =	shalt  }
0x85: {  	_ =	shalt  }
0x86: {  	_ =	shalt  }
0x87: {  	_ =	shalt  }
.Lfunc_end0:
.L_simem_size_0:
called_computation_lowered:
.L_overlay_start_0:
0x88: {  	s2 =	sld [smem:$0x3FD9]  }
0x89: {  	s3 =	sld [smem:$0x3FFE];
	_ =	sdelay $0x1  }
0x8a: {  	s1 =	srdreg.scid  }
0x8b: {  	s0 =	sand.u32 $0x1, s1  }
0x8c: {  	s17 =	sshll.u32 s0, $0xA;
	s2 =	sadd.s32 s3, s2  }
0x8d: {  	s2 =	sadd.s32 s2, s17  }
0x8e: {  	[smem:$0x3FC2] =	sst s2  }
0x8f: {  	_ = 	snop  }
0x90: {  	s2 =	sld [smem:$0x3FD0];
	(tm) =	ssettm $0x1  }
0x91: {  	s18 =	sld [smem:$0x3FFB];
	_ =	sdelay $0x3  }
0x92: {  	_ =	strace s18  }
0x93: {  	s3 =	sld [smem:$0x3FFC];
	_ =	sdelay $0x3  }
0x94: {  	_ =	strace s3  }
0x95: {  	s3 =	sld [smem:$0x3FFD];
	_ =	sdelay $0x3  }
0x96: {  	_ =	strace s3  }
0x97: {  	_ =	strace $0x8FFFFFFF  }
0x98: {  	s19 =	sld [smem:$0x3FDB];
	_ =	sdelay $0x1  }
0x99: {  	s4 =	simm.s32 $_scs_section_size  }
0x9a: {  	s5 =	simm.s32 $_size__tile_overlayer_lowered;
	s6 =	simm.s32 $_tile_overlayer_lowered  }
0x9b: {  	s22 =	simm.s32 $0x1BFF;
	s21 =	sshll.u32 s6, $0x1;
	s3 =	sadd.s32 s4, s19  }
0x9c: {  	s7 =	simm.s32 $0x0;
	s20 =	sshll.u32 s5, $0x1;
	s5 =	sadd.s32 s21, s3  }
0x9d: {  	[timem:s7], [sflag:s22] =	dma.local [hbm:s5], s20  }
0x9e: {  	_ =	swait.ge [sflag:s22], s20  }
0x9f: {  	s4 =	ssub.s32 $0x0, s20;
	[sflag:s22] =	ssyncset.done $0x0  }
0xa0: {  	[sflag:s22] =	ssyncadd.s32 s4;
	_ =	sdelay $0x1  }
0xa1: {  	s23 =	simm.s32 $0x1B8B  }
0xa2: {  	_ =	swait.ge [sflag:s23], $0x1  }
0xa3: {  	[sflag:s23] =	ssyncset.done $0x0  }
0xa4: {  	s25 =	simm.s32 $0x1B8E;
	s24 =	sld [smem:$0x3FFE];
	[sflag:s23] =	ssyncadd.s32 $0xFFFFFFFF  }
0xa5: {  	s26 =	simm.s32 $execute0_lowered;
	[smem:$0x3FD2] =	sst s25  }
0xa6: {  	s5 =	sshll.u32 s26, $0x1;
	_ =	strace $0x80000046;
	[dreg:$0x1] =	wrdreg $0xFFFFFFFF  }
0xa7: {  	s28 =	simm.s32 $_size_execute0_lowered;
	s3 =	sadd.s32 s3, s5;
	[dreg:$0x0] =	wrdreg $0x0  }
0xa8: {  	s5 =	sshll.u32 s28, $0x1;
	[dreg:$0x2] =	wrdreg s3  }
0xa9: {  	[dreg:$0x3] =	wrdreg s5  }
0xaa: {  	[dreg:$0x4] =	wrdreg $0xC0  }
0xab: {  	_ =	task [dreg:s7], $0x5FFFF  }
0xac: {  	[dreg:$0x1] =	wrdreg $0xFFFFFFFF  }
0xad: {  	[dreg:$0x0] =	wrdreg $0x60  }
0xae: {  	[dreg:$0x2] =	wrdreg s24  }
0xaf: {  	[dreg:$0x3] =	wrdreg s2  }
0xb0: {  	[dreg:$0x4] =	wrdreg $0x28000  }
0xb1: {  	[dreg:$0x5] =	wrdreg $0x9  }
0xb2: {  	_ =	task.clear_ibuf [dreg:s7], $0x6FFFF;
	_ =	strace $0x90000046  }
0xb3: {  	s29 =	simm.s32 $0x9;
	_ =	strace $0x80000048  }
0xb4: {  	_ =	swait.ge [sflag:s29], $0x1  }
0xb5: {  	[sflag:s29] =	ssyncadd.s32 $0xFFFFFFFF  }
0xb6: {  	_ =	strace $0x90000048  }
0xb7: {  	_ =	sfence  }
0xb8: {  	s30 =	sld [smem:$0x0];
	_ =	sdelay $0x2  }
0xb9: {  	s31 =	sshll.u32 s1, $0xD;
	s1 =	sshrl.u32 s1, $0x2  }
0xba: {  	s3 =	sand.u32 $0x4000, s31;
	s1 =	sadd.s32 s1, s30  }
0xbb: {  	s0 =	sor.u32 s3, s0;
	s1 =	sshll.u32 s1, $0x11  }
0xbc: {  	s0 =	sor.u32 s1, s0  }
0xbd: {  	s0 =	sadd.s32 $0x8F2B, s0  }
0xbe: {  	[sflag:s0] =	ssyncadd.remote.s32 $0x1  }
0xbf: {  	_ =	sfence.sel $0xFFFF  }
0xc0: {  	[dreg:$0x0] =	wrdreg $0xFFFFFFFF;
	(pc) =	sbr.abs _section_cstart, $3  }
0xc1: {  	[dreg:$0x1] =	wrdreg $0xFFFFFFFF  }
0xc2: {  	_ =	task.clear_ibuf [dreg:s7], $0x2FFFF;
	_ =	strace $0x9FFFFFFF  }
0xc3: {  	(tm) =	ssettm $0x7FFFFFFF  }
tec
execute0_lowered:
.L_overlay_start_1:
0x0: {  	(tag) =	ssettag $0x1  }
0x1: {  	s5 =	rddreg [dreg:$0x0]  }
0x2: {  	s8 =	rddreg [dreg:$0x1]  }
0x3: {  	s2 =	rddreg [dreg:$0x2]  }
0x4: {  	s0 =	rddreg [dreg:$0x3];
	s3 =	simm.s32 $0x0  }
0x5: {  	s1 =	stileid.u32;
	s4 =	srdreg.scid;
	s16 =	simm.s32 $0x1  }
0x6: {  	s17 =	simm.s32 $0x20;
	s18 =	simm.s32 $0x10;
	s7 =	smul.u32 $0x300, s1  }
0x7: {  	s19 =	simm.s32 $0x0;
	[smem:$0x7FF] =	sst s3;
	s10 =	smul.u32 $0x2780, s1  }
0x8: {  	s6 =	sadd.s32 $0xE00, s5;
	s11 =	sand.u32 $0x1, s4;
	s13 =	smul.u32 $0x600, s1  }
0x9: {  	s4 =	sadd.s32 $0xB200, s5;
	s14 =	smul.u32 $0x4E0, s1;
	s31 =	sshll.u32 s1, $0x6  }
0xa: {  	_ =	strace $0x80000047;
	s28 =	ssub.s32 $0x2, s11;
	s15 =	sshll.u32 s11, $0x7  }
0xb: {  	p0 =	sne.s32 s11, $0x0;
	s9 =	sshrl.u32 s7, $0x3;
	s12 =	sshrl.u32 s28, $0x1  }
0xc: {  	s10 =	sshrl.u32 s10, $0x3;
	s29 =	sor.u32 s15, s13;
	s30 =	sadd.s32 s7, s2  }
0xd: {  	s13 =	sor.u32 $0x1C02, s31;
	s15 =	simm.s32 $0x80;
	s9 =	sadd.s32 s9, s5  }
0xe: {  	s10 =	sadd.s32 s6, s10;
	s12 =	ssub.s32 s28, s12;
	s6 =	sadd.s32 s6, s14  }
0xf: {  	s14 =	sshrl.u32 s30, $0x3;
	s5 =	sadd.s32 $0x4E00, s10;
	s10 =	sshrl.u32 s29, $0x3  }
0x10: {  	s7 =	sadd.s32 $0xAC00, s9;
	s9 =	smax.u32 s12, $0x1;
	s12 =	simm.s32 $0x2  }
0x11: {  	s8 =	sadd.s32 s8, s10;
	s10 =	sor.u32 $0x4E, s11;
	s11 =	simm.s32 $0x2780  }
.LBB2_1:
0x12: {  	s20 =	simm.s32 @p0 $0x0  }
0x13: {  	[tilespmem:s20], [sflag:$0x2] =	stream.linear.gather @p0 [hbm4b:s5+s20], $0x2780, $0x38;
	[tilespmem:$0x2B00] =	vst v63  }
0x14: {  	s20 =	simm.s32 @p0 $0x2  }
0x15: {  	_ =	swait.ge @p0 [sflag:s20], $0x2780  }
0x16: {  	[sflag:s20] =	ssyncset.done @p0 $0x0  }
0x17: {  	[sflag:s20] =	ssyncadd.s32 @p0 $0xFFFFD880;
	s20 =	simm.s32 @!p0 $0x0  }
0x18: {  	[tilespmem:s20], [sflag:$0x2] =	stream.linear.gather @!p0 [hbm4b:s6+s20], $0x2700, $0x38;
	[tilespmem:$0x2B00] =	vst v63  }
0x19: {  	s20 =	simm.s32 @!p0 $0x2  }
0x1a: {  	_ =	swait.ge @!p0 [sflag:s20], $0x2700  }
0x1b: {  	[sflag:s20] =	ssyncset.done @!p0 $0x0  }
0x1c: {  	[sflag:s20] =	ssyncadd.s32 @!p0 $0xFFFFD900  }
0x1d: {  	[tilespmem:s11], [sflag:$0x2] =	stream.linear.gather [hbm4b:s4+s3], $0x80, $0x38;
	[tilespmem:$0x2B00] =	vst v63  }
0x1e: {  	_ =	swait.ge [sflag:s12], $0x80  }
0x1f: {  	[sflag:s12] =	ssyncset.done $0x0  }
0x20: {  	[sflag:s12] =	ssyncadd.s32 $0xFFFFFF80  }
0x21: {  	[spmem:s14], [sflag:s13] =	dma.local [hbm:s7], $0x60  }
0x22: {  	_ =	swait.ge [sflag:s12], $0x60  }
0x23: {  	p2 =	sne.s32 s10, $0x1;
	[sflag:s12] =	ssyncset.done $0x0  }
.Ltmp0:
0x24: {  	p1 =	por $0x1, $0x1;
	[sflag:s12] =	ssyncadd.s32 $0xFFFFFFA0;
	(pc) =	sbr.rel @!p2 .LBB2_3-.Ltmp0, $4  }
0x25: {  	s21 =	simm.s32 @!p1 $0x1;
	[bflag:$0x0] =	sbarrier.arrive $0xFFFF  }
0x26: {  	_ =	swait.ge @!p1 [sflag:s21], $0x80  }
0x27: {  	s22 =	simm.s32 $0x0;
	[sflag:s21] =	ssyncset.done @!p1 $0x0  }
0x28: {  	s20 =	simm.s32 $0x1;
	[sflag:s21] =	ssyncadd.s32 @!p1 $0xFFFFFF80;
	s21 =	simm.s32 $0x80  }
.LBB2_2:
0x29: {  	[spmem:s2] =	stream.indirect.scatter.add.f32 [tilespmem:s11], [sflag:$0x1], $0x1, s22, s15, $0xb8;
	[tilespmem:$0x2B00] =	vst v63  }
0x2a: {  	p1 =	slt.u32 s20, $0x8;
	s20 =	sadd.s32 $0x1, s20  }
0x2b: {  	p2 =	sne.s32 s10, s20  }
.Ltmp1:
0x2c: {  	(pc) =	sbr.rel @p2 .LBB2_2-.Ltmp1, $4  }
0x2d: {  	s22 =	smov.u32 s21;
	s23 =	simm.s32 @!p1 $0x1  }
0x2e: {  	_ =	swait.ge @!p1 [sflag:s23], $0x80  }
0x2f: {  	[sflag:s23] =	ssyncset.done @!p1 $0x0  }
0x30: {  	s21 =	sadd.s32 $0x80, s21;
	[sflag:s23] =	ssyncadd.s32 @!p1 $0xFFFFFF80  }
.LBB2_3:
0x31: {  	[spmem:s2] =	stream.indirect.scatter.add.f32 [tilespmem:s11], [sflag:$0x1], $0x1, s22, s15, $0xb8;
	[tilespmem:$0x2B00] =	vst v63  }
0x32: {  	_ =	swait.ge [sflag:s16], $0x80  }
0x33: {  	[sflag:s16] =	ssyncset.done $0x0  }
0x34: {  	[sflag:s16] =	ssyncadd.s32 $0xFFFFFF80  }
0x35: {  	_ =	swait.ge [sflag:s16], $0x80  }
0x36: {  	[sflag:s16] =	ssyncset.done $0x0  }
0x37: {  	[sflag:s16] =	ssyncadd.s32 $0xFFFFFF80  }
0x38: {  	_ =	swait.ge [sflag:s16], $0x80  }
0x39: {  	[sflag:s16] =	ssyncset.done $0x0  }
0x3a: {  	[sflag:s16] =	ssyncadd.s32 $0xFFFFFF80  }
0x3b: {  	_ =	swait.ge [sflag:s16], $0x80  }
0x3c: {  	[sflag:s16] =	ssyncset.done $0x0  }
0x3d: {  	[sflag:s16] =	ssyncadd.s32 $0xFFFFFF80  }
0x3e: {  	_ =	swait.ge [sflag:s16], $0x80  }
0x3f: {  	[sflag:s16] =	ssyncset.done $0x0  }
0x40: {  	[sflag:s16] =	ssyncadd.s32 $0xFFFFFF80  }
0x41: {  	_ =	swait.ge [sflag:s16], $0x80  }
0x42: {  	[sflag:s16] =	ssyncset.done $0x0  }
0x43: {  	[sflag:s16] =	ssyncadd.s32 $0xFFFFFF80  }
0x44: {  	_ =	swait.ge [sflag:s16], $0x80  }
0x45: {  	[sflag:s16] =	ssyncset.done $0x0  }
0x46: {  	[sflag:s16] =	ssyncadd.s32 $0xFFFFFF80  }
0x47: {  	_ =	swait.ge [sflag:s16], $0x80  }
0x48: {  	s19 =	sadd.s32 $0x1, s19;
	[sflag:s16] =	ssyncset.done $0x0  }
0x49: {  	p1 =	sne.s32 s19, s9;
	[sflag:s16] =	ssyncadd.s32 $0xFFFFFF80  }
.Ltmp2:
0x4a: {  	[bflag:$0x0] =	sbarrier.arrive $0xFFFF;
	(pc) =	sbr.rel @p1 .LBB2_1-.Ltmp2, $4  }
0x4b: {  	[hbm:s8@s17], [sflag:s13] =	dma.strided [spmem:s14@s18], $0x60, s16, $0x10   }
0x4c: {  	_ =	swait.ge [sflag:s12], $0x60  }
0x4d: {  	[sflag:s12] =	ssyncset.done $0x0  }
0x4e: {  	[sflag:s12] =	ssyncadd.s32 $0xFFFFFFA0  }
0x4f: {  	_ =	sfence.sel $0x180000  }
0x50: {  	[bflag:$0x0] =	sbarrier.arrive $0xFFFF  }
0x51: {  	p0 =	sne.s32 s1, $0x0;
	_ =	strace $0x90000047  }
0x52: {  	s0 =	sadd.s32 @!p0 $0x100000, s0;
	[bflag:$0x2] =	sbarrier.arrive $0xFFFF  }
0x53: {  	[sflag:s0] =	ssyncadd.tile.s32 @!p0 $0x1;
	_ =	shalt  }
.Lfunc_end2:
_tile_overlayer_lowered:
.L_overlay_start_2:
0x54: {  	(tag) =	ssettag $0x2  }
0x55: {  	s0 =	rddreg [dreg:$0x0];
	s2 =	stileid.u32  }
0x56: {  	s1 =	rddreg [dreg:$0x1];
	p0 =	sne.s32 s2, $0x0  }
0x57: {  	s3 =	rddreg [dreg:$0x2];
	[bflag:$0x3] =	sbarrier.arrive $0xFFFF;
	s2 =	simm.s32 @!p0 $0x1C02  }
0x58: {  	[timem:s3], [sflag:s2] =	dma.local @!p0 [hbm:s0], s1  }
0x59: {  	s0 =	simm.s32 @!p0 $0x2  }
0x5a: {  	_ =	swait.ge @!p0 [sflag:s0], s1  }
0x5b: {  	s1 =	ssub.s32 @!p0 $0x0, s1;
	[sflag:s0] =	ssyncset.done @!p0 $0x0  }
0x5c: {  	[sflag:s0] =	ssyncadd.s32 @!p0 s1  }
0x5d: {  	[bflag:$0x3] =	sbarrier.arrive $0xFFFF  }
0x5e: {  	_ =	shalt  }

</sc_bundles>
